<compile_context>
chip_gen: v7x
topology: tpu7x:2x2x1
jax: 0.10.2.dev20260603
libtpu: 0.0.44.dev20260713+nightly
codegen_flags: <defaults>
</compile_context>

<pallas_src>
import functools

import jax
import jax.numpy as jnp
from jax import lax
from jax.experimental import pallas as pl
from jax.experimental.pallas import tpu as pltpu
from jax.experimental.pallas import tpu_sc as plsc

N = 10000
N_PAD = 10240
E = 160000
IN_DIM = 256
HID = 512
OUT_DIM = 64
HALF = 128

NTILES = 16
CHUNK = 128
E_PAD = 163840
EPT = E_PAD // NTILES
NFULL = EPT // CHUNK
CPB = 16
NBLKE = NFULL // CPB
RPT = N_PAD // NTILES

BLK = 1024
NBLK = N_PAD // BLK

@functools.lru_cache(maxsize=None)
def _sc_mesh():
    return plsc.VectorSubcoreMesh(core_axis_name="c", subcore_axis_name="s")



def _bincount_body(src_hbm, dst_hbm, cs_hbm, cd_hbm,
                   idx_v, ones_v, cnt_sh, sem):
    c = lax.axis_index("c")
    s = lax.axis_index("s")

    ones16 = jnp.full((16,), 1.0, jnp.float32)

    def fill(i, _):
        def fcol(g, _):
            ones_v[i, pl.ds(g * 16, 16)] = ones16
            return 0
        lax.fori_loop(0, HALF // 16, fcol, 0)
        return 0
    lax.fori_loop(0, CHUNK, fill, 0)

    def run(e_hbm, out_hbm):
        def seed_body(k, _):
            pltpu.sync_copy(ones_v, cnt_sh.at[pl.ds(s * RPT + k * CHUNK, CHUNK)])
            return 0
        lax.fori_loop(0, RPT // CHUNK, seed_body, 0)
        plsc.subcore_barrier()

        def block_body(k, _):
            pltpu.sync_copy(e_hbm.at[s, pl.ds(k * CPB, CPB)], idx_v)

            def quad(q, _):
                def fire(jl, _):
                    pltpu.async_copy(ones_v, cnt_sh.at[idx_v.at[q * 4 + jl]],
                                     sem, add=True)
                    return 0
                lax.fori_loop(0, 4, fire, 0)

                def drain(jl, _):
                    pltpu.make_async_copy(ones_v,
                                          cnt_sh.at[idx_v.at[q * 4 + jl]],
                                          sem).wait()
                    return 0
                lax.fori_loop(0, 4, drain, 0)
                return 0
            lax.fori_loop(0, CPB // 4, quad, 0)
            return 0
        lax.fori_loop(0, NBLKE, block_body, 0)

        plsc.subcore_barrier()

        def out_body(k, _):
            r0 = s * RPT + k * CHUNK
            pltpu.sync_copy(cnt_sh.at[pl.ds(r0, CHUNK)], ones_v)
            pltpu.sync_copy(ones_v, out_hbm.at[pl.ds(r0, CHUNK)])
            return 0
        lax.fori_loop(0, RPT // CHUNK, out_body, 0)

    @pl.when(c == 0)
    def _():
        run(src_hbm, cs_hbm)

    @pl.when(c == 1)
    def _():
        run(dst_hbm, cd_hbm)


@functools.lru_cache(maxsize=None)
def _bincount():
    return functools.partial(
        pl.kernel,
        out_type=[
            jax.ShapeDtypeStruct((N_PAD, HALF), jnp.float32),
            jax.ShapeDtypeStruct((N_PAD, HALF), jnp.float32),
        ],
        mesh=_sc_mesh(),
        scratch_types=[
            pltpu.VMEM((CPB, CHUNK), jnp.int32),
            pltpu.VMEM((CHUNK, HALF), jnp.float32),
            pltpu.VMEM_SHARED((N_PAD, HALF), jnp.float32),
            pltpu.SemaphoreType.DMA,
        ],
    )(_bincount_body)



def _agg_body(xsl_hbm, xsr_hbm, src_hbm, dst_hbm, al_hbm, ar_hbm,
              gi_v, di_v, rows0_v, rows1_v, acc_sh, sem0, sem1):
    c = lax.axis_index("c")
    s = lax.axis_index("s")

    def run(xs_hbm, out_hbm):
        def seed_body(k, _):
            r0 = s * RPT + k * CHUNK
            pltpu.sync_copy(xs_hbm.at[pl.ds(r0, CHUNK)], rows0_v)
            pltpu.sync_copy(rows0_v, acc_sh.at[pl.ds(r0, CHUNK)])
            return 0
        lax.fori_loop(0, RPT // CHUNK, seed_body, 0)
        plsc.subcore_barrier()

        bufs = ((rows0_v, sem0), (rows1_v, sem1))

        def block_body(k, _):
            pltpu.sync_copy(src_hbm.at[s, pl.ds(k * CPB, CPB)], gi_v)
            pltpu.sync_copy(dst_hbm.at[s, pl.ds(k * CPB, CPB)], di_v)

            for b in range(2):
                rows, sem = bufs[b]
                pltpu.async_copy(xs_hbm.at[gi_v.at[b]], rows, sem)

            def chunk_body(j2, _):
                for b in range(2):
                    jj = j2 * 2 + b
                    rows, sem = bufs[b]
                    pltpu.make_async_copy(xs_hbm.at[gi_v.at[jj]], rows,
                                          sem).wait()
                    pltpu.sync_copy(rows, acc_sh.at[di_v.at[jj]], add=True)

                    @pl.when(jj + 2 < CPB)
                    def _():
                        pltpu.async_copy(xs_hbm.at[gi_v.at[jj + 2]], rows, sem)
                return 0
            lax.fori_loop(0, CPB // 2, chunk_body, 0)
            return 0
        lax.fori_loop(0, NBLKE, block_body, 0)

        plsc.subcore_barrier()

        def out_body(k, _):
            r0 = s * RPT + k * CHUNK
            pltpu.sync_copy(acc_sh.at[pl.ds(r0, CHUNK)], rows0_v)
            pltpu.sync_copy(rows0_v, out_hbm.at[pl.ds(r0, CHUNK)])
            return 0
        lax.fori_loop(0, RPT // CHUNK, out_body, 0)

    @pl.when(c == 0)
    def _():
        run(xsl_hbm, al_hbm)

    @pl.when(c == 1)
    def _():
        run(xsr_hbm, ar_hbm)


@functools.lru_cache(maxsize=None)
def _aggregate():
    return functools.partial(
        pl.kernel,
        out_type=[
            jax.ShapeDtypeStruct((N_PAD, HALF), jnp.float32),
            jax.ShapeDtypeStruct((N_PAD, HALF), jnp.float32),
        ],
        mesh=_sc_mesh(),
        scratch_types=[
            pltpu.VMEM((CPB, CHUNK), jnp.int32),
            pltpu.VMEM((CPB, CHUNK), jnp.int32),
            pltpu.VMEM((CHUNK, HALF), jnp.float32),
            pltpu.VMEM((CHUNK, HALF), jnp.float32),
            pltpu.VMEM_SHARED((N_PAD, HALF), jnp.float32),
            pltpu.SemaphoreType.DMA,
            pltpu.SemaphoreType.DMA,
        ],
    )(_agg_body)



def _online_pool_update(i, g, feats, nt_col, acc_ref, m_ref, s_ref):
    @pl.when(i == 0)
    def _():
        m_ref[0] = -jnp.inf
        m_ref[1] = -jnp.inf
        s_ref[0] = 0.0
        s_ref[1] = 0.0
        acc_ref[...] = jnp.zeros_like(acc_ref)

    for t in range(2):
        mask = nt_col == t
        gm = jnp.max(jnp.where(mask, g, -jnp.inf))
        m_old = m_ref[t]
        m_new = jnp.maximum(m_old, gm)
        scale = jnp.where(m_old == -jnp.inf, 0.0, jnp.exp(m_old - m_new))
        w = jnp.where(mask, jnp.exp(g - m_new), 0.0)
        s_ref[t] = s_ref[t] * scale + jnp.sum(w)
        contrib = lax.dot_general(
            w, feats, (((0,), (0,)), ((), ())),
            preferred_element_type=jnp.float32)
        acc_ref[t:t + 1, :] = acc_ref[t:t + 1, :] * scale + contrib
        m_ref[t] = m_new


def _pool_finish(acc_ref, s_ref):
    s0 = s_ref[0]
    s1 = s_ref[1]
    p0 = jnp.where(s0 > 0, acc_ref[0:1, :] / s0, 0.0)
    p1 = jnp.where(s1 > 0, acc_ref[1:2, :] / s1, 0.0)
    return jnp.concatenate([p0, p1], axis=1)


def _tc1_body(x_ref, nt_ref, cs_ref, gw_ref, wq_ref,
              xsl_ref, xsr_ref, o0_ref, acc_ref, m_ref, s_ref):
    i = pl.program_id(0)
    xb = x_ref[...]
    nsrc = lax.rsqrt(cs_ref[:, 0:1])
    xs = xb * nsrc
    xsl_ref[...] = xs[:, :HALF]
    xsr_ref[...] = xs[:, HALF:]

    g8 = jnp.dot(xb, gw_ref[...], preferred_element_type=jnp.float32)
    _online_pool_update(i, g8[:, 0:1], xb, nt_ref[:, 0:1],
                        acc_ref, m_ref, s_ref)

    @pl.when(i == pl.num_programs(0) - 1)
    def _():
        pcat = _pool_finish(acc_ref, s_ref)
        o0_ref[...] = jnp.dot(pcat, wq_ref[...],
                              preferred_element_type=jnp.float32)


def _tc1(x, nt16, cs16, gw08, Wq0):
    return pl.pallas_call(
        _tc1_body,
        grid=(NBLK,),
        in_specs=[
            pl.BlockSpec((BLK, IN_DIM), lambda i: (i, 0)),
            pl.BlockSpec((BLK, 16), lambda i: (i, 0)),
            pl.BlockSpec((BLK, HALF), lambda i: (i, 0)),
            pl.BlockSpec((IN_DIM, 8), lambda i: (0, 0)),
            pl.BlockSpec((2 * IN_DIM, OUT_DIM), lambda i: (0, 0)),
        ],
        out_specs=[
            pl.BlockSpec((BLK, HALF), lambda i: (i, 0)),
            pl.BlockSpec((BLK, HALF), lambda i: (i, 0)),
            pl.BlockSpec((1, OUT_DIM), lambda i: (0, 0)),
        ],
        out_shape=[
            jax.ShapeDtypeStruct((N_PAD, HALF), jnp.float32),
            jax.ShapeDtypeStruct((N_PAD, HALF), jnp.float32),
            jax.ShapeDtypeStruct((1, OUT_DIM), jnp.float32),
        ],
        scratch_shapes=[
            pltpu.VMEM((2, IN_DIM), jnp.float32),
            pltpu.SMEM((2,), jnp.float32),
            pltpu.SMEM((2,), jnp.float32),
        ],
    )(x, nt16, cs16, gw08, Wq0)



def _tc2_body(al_ref, ar_ref, nt_ref, cd_ref, w0_ref, b0_ref, gw_ref,
              wq_ref, o0_ref, bsum_ref, out_ref, acc_ref, m_ref, s_ref):
    i = pl.program_id(0)
    nd = lax.rsqrt(cd_ref[:, 0:1])
    al = al_ref[...] * nd
    ar = ar_ref[...] * nd
    z = (jnp.dot(al, w0_ref[:HALF, :], preferred_element_type=jnp.float32)
         + jnp.dot(ar, w0_ref[HALF:, :], preferred_element_type=jnp.float32))
    h = jnp.maximum(z + b0_ref[...], 0.0)

    g8 = jnp.dot(h, gw_ref[...], preferred_element_type=jnp.float32)
    _online_pool_update(i, g8[:, 0:1], h, nt_ref[:, 0:1],
                        acc_ref, m_ref, s_ref)

    @pl.when(i == pl.num_programs(0) - 1)
    def _():
        pcat = _pool_finish(acc_ref, s_ref)
        o1 = jnp.dot(pcat, wq_ref[...], preferred_element_type=jnp.float32)
        out_ref[...] = (o0_ref[...] + o1 + bsum_ref[...]) * 0.25


def _tc2(aggl, aggr, nt16, cd16, W0, b0r, gw18, Wq1, o0, bsum):
    return pl.pallas_call(
        _tc2_body,
        grid=(NBLK,),
        in_specs=[
            pl.BlockSpec((BLK, HALF), lambda i: (i, 0)),
            pl.BlockSpec((BLK, HALF), lambda i: (i, 0)),
            pl.BlockSpec((BLK, 16), lambda i: (i, 0)),
            pl.BlockSpec((BLK, HALF), lambda i: (i, 0)),
            pl.BlockSpec((IN_DIM, HID), lambda i: (0, 0)),
            pl.BlockSpec((1, HID), lambda i: (0, 0)),
            pl.BlockSpec((HID, 8), lambda i: (0, 0)),
            pl.BlockSpec((2 * HID, OUT_DIM), lambda i: (0, 0)),
            pl.BlockSpec((1, OUT_DIM), lambda i: (0, 0)),
            pl.BlockSpec((1, OUT_DIM), lambda i: (0, 0)),
        ],
        out_specs=pl.BlockSpec((1, OUT_DIM), lambda i: (0, 0)),
        out_shape=jax.ShapeDtypeStruct((1, OUT_DIM), jnp.float32),
        scratch_shapes=[
            pltpu.VMEM((2, HID), jnp.float32),
            pltpu.SMEM((2,), jnp.float32),
            pltpu.SMEM((2,), jnp.float32),
        ],
    )(aggl, aggr, nt16, cd16, W0, b0r, gw18, Wq1, o0, bsum)



def kernel(x, edge_index, node_type, W0, b0, W1, b1, gateW0, gateb0,
           gateW1, gateb1, Wp00, bp00, Wp01, bp01, Wp10, bp10, Wp11, bp11):
    epad = E_PAD - E
    src = jnp.pad(edge_index[0].astype(jnp.int32), (0, epad),
                  constant_values=N_PAD - 1).reshape(NTILES, NFULL, CHUNK)
    dst = jnp.pad(edge_index[1].astype(jnp.int32), (0, epad),
                  constant_values=N_PAD - 1).reshape(NTILES, NFULL, CHUNK)
    pad = N_PAD - N
    xp = jnp.pad(x, ((0, pad), (0, 0)))
    ntp = jnp.pad(node_type.astype(jnp.int32), (0, pad), constant_values=2)
    nt16 = jnp.broadcast_to(ntp[:, None], (N_PAD, 16))

    cs16, cd16 = _bincount()(src, dst)

    gw08 = jnp.broadcast_to(gateW0, (IN_DIM, 8))
    Wq0 = jnp.concatenate([Wp00, Wp10], axis=0)
    xsl, xsr, o0 = _tc1(xp, nt16, cs16, gw08, Wq0)

    aggl, aggr = _aggregate()(xsl, xsr, src, dst)

    gw18 = jnp.broadcast_to(gateW1, (HID, 8))
    Wq1 = jnp.concatenate([Wp01, Wp11], axis=0)
    bsum = (bp00 + bp01 + bp10 + bp11).reshape(1, OUT_DIM)
    out = _tc2(aggl, aggr, nt16, cd16, W0, b0.reshape(1, HID), gw18, Wq1,
               o0, bsum)
    return out.reshape(OUT_DIM)

# --- scband reference (transcript-rebuilt; emitter-appended) ---
"""Pipeline reference for scband-ntpool-gcn-23957327577904 (READ-ONLY COPY).

The authoritative reference and input builder live on the scoring server;
editing this copy changes nothing except your own understanding.
"""

import jax, jax.numpy as jnp
import numpy as np

N = 10000
E = 160000
IN_DIM = 256
HID = 512
OUT_DIM = 64
NTYPES = 2

def _att_pool(h, node_type, gw, gb):
    gate = (h @ gw + gb)[:, 0]
    gmax = jax.ops.segment_max(gate, node_type, num_segments=NTYPES)
    ge = jnp.exp(gate - gmax[node_type])
    gs = jax.ops.segment_sum(ge, node_type, num_segments=NTYPES)
    attn = ge / gs[node_type]
    return jax.ops.segment_sum(h * attn[:, None], node_type, num_segments=NTYPES)

def _graph_conv(h, src, dst, norm_src, norm_dst, W, b):
    m = (h * norm_src[:, None])[src]
    agg = jax.ops.segment_sum(m, dst, num_segments=h.shape[0])
    return jax.nn.relu((agg * norm_dst[:, None]) @ W + b)

def setup_inputs(seed: int = 0):
    key = jax.random.key(seed)
    ks = jax.random.split(key, 16)
    def lin(k, i, o):
        return (jax.random.normal(k, (i, o), dtype=jnp.float32) / np.sqrt(i)).astype(jnp.float32)
    inp = {}
    inp['x'] = jax.random.normal(ks[0], (N, IN_DIM), dtype=jnp.float32)
    inp['edge_index'] = jax.random.randint(ks[1], (2, E), 0, N)
    inp['node_type'] = jnp.sort(jax.random.randint(ks[2], (N,), 0, NTYPES))
    inp['W0'] = lin(ks[3], IN_DIM, HID); inp['b0'] = jnp.zeros((HID,), jnp.float32)
    inp['W1'] = lin(ks[4], HID, HID); inp['b1'] = jnp.zeros((HID,), jnp.float32)
    inp['gateW0'] = lin(ks[5], IN_DIM, 1); inp['gateb0'] = jnp.zeros((1,), jnp.float32)
    inp['gateW1'] = lin(ks[6], HID, 1); inp['gateb1'] = jnp.zeros((1,), jnp.float32)
    inp['Wp00'] = lin(ks[7], IN_DIM, OUT_DIM); inp['bp00'] = jnp.zeros((OUT_DIM,), jnp.float32)
    inp['Wp01'] = lin(ks[8], HID, OUT_DIM); inp['bp01'] = jnp.zeros((OUT_DIM,), jnp.float32)
    inp['Wp10'] = lin(ks[9], IN_DIM, OUT_DIM); inp['bp10'] = jnp.zeros((OUT_DIM,), jnp.float32)
    inp['Wp11'] = lin(ks[10], HID, OUT_DIM); inp['bp11'] = jnp.zeros((OUT_DIM,), jnp.float32)
    return inp

def reference(x, edge_index, node_type, W0, b0, W1, b1, gateW0, gateb0, gateW1, gateb1, Wp00, bp00, Wp01, bp01, Wp10, bp10, Wp11, bp11):
    loops = jnp.arange(N)
    src = jnp.concatenate([edge_index[0], loops])
    dst = jnp.concatenate([edge_index[1], loops])
    deg_out = jnp.maximum(jnp.bincount(src, length=N), 1).astype(jnp.float32)
    deg_in = jnp.maximum(jnp.bincount(dst, length=N), 1).astype(jnp.float32)
    norm_src = jax.lax.rsqrt(deg_out)
    norm_dst = jax.lax.rsqrt(deg_in)
    h = x
    p0 = _att_pool(h, node_type, gateW0, gateb0)
    o00 = p0[0] @ Wp00 + bp00
    o01 = p0[1] @ Wp10 + bp10
    h = _graph_conv(h, src, dst, norm_src, norm_dst, W0, b0)
    p1 = _att_pool(h, node_type, gateW1, gateb1)
    o10 = p1[0] @ Wp01 + bp01
    o11 = p1[1] @ Wp11 + bp11
    h = _graph_conv(h, src, dst, norm_src, norm_dst, W1, b1)
    hg = (o00 + o01 + o10 + o11) / 4.0
    return hg

if __name__ == "__main__":
    import jax
    _d = setup_inputs()
    print(jax.jit(kernel)(*tuple(_d.values())))

</pallas_src>

<mosaic_0001>
#map = affine_map<(d0, d1) -> (0, 0)>
#map1 = affine_map<(d0, d1) -> (0, 0, 0)>
module attributes {stable_mosaic.version = 14 : i64} {
  func.func @_agg_body(%arg0: i32, %arg1: i32, %arg2: memref<10240x128xf32, #tpu.memory_space<hbm>>, %arg3: memref<10240x128xf32, #tpu.memory_space<hbm>>, %arg4: memref<16x80x128xi32, #tpu.memory_space<hbm>>, %arg5: memref<16x80x128xi32, #tpu.memory_space<hbm>>, %arg6: memref<10240x128xf32, #tpu.memory_space<hbm>>, %arg7: memref<10240x128xf32, #tpu.memory_space<hbm>>, %arg8: memref<16x128xi32, #tpu.memory_space<vmem>>, %arg9: memref<16x128xi32, #tpu.memory_space<vmem>>, %arg10: memref<128x128xf32, #tpu.memory_space<vmem>>, %arg11: memref<128x128xf32, #tpu.memory_space<vmem>>, %arg12: memref<10240x128xf32, #tpu.memory_space<vmem_shared>>, %arg13: memref<!tpu.dma_semaphore, #tpu.memory_space<semaphore_mem>>, %arg14: memref<!tpu.dma_semaphore, #tpu.memory_space<semaphore_mem>>) attributes {dimension_semantics = [#tpu.dimension_semantics<core_parallel>, #tpu.dimension_semantics<subcore_parallel>], iteration_bounds = array<i64: 2, 16>, scalar_prefetch = 0 : i64, scratch_operands = 7 : i64, tpu.core_type = #tpu.core_type<sc_vector_subcore>, window_params = [{transform_indices = #map}, {transform_indices = #map}, {transform_indices = #map1}, {transform_indices = #map1}, {transform_indices = #map}, {transform_indices = #map}]} {
    %eq3A = arith.constant 0 : i32
    %eq3A_0 = arith.cmpi eq, %arg0, %eq3A : i32
    %convert_element_type3A = arith.extui %eq3A_0 : i1 to i32
    %cond3A = arith.constant 0 : i32
    %cond3A_1 = arith.cmpi ne, %convert_element_type3A, %cond3A : i32
    scf.if %cond3A_1 {
      %scan3A = arith.constant 0 : i32
      %scan3A_7 = arith.constant 0 : i32
      %scan3A_8 = arith.constant 5 : i32
      %scan3A_9 = arith.addi %scan3A_7, %scan3A_8 : i32
      %scan3A_10 = arith.constant 1 : i32
      %scan3A_11 = scf.for %scan3A_28 = %scan3A_7 to %scan3A_9 step %scan3A_10 iter_args(%scan3A_29 = %scan3A) -> (i32)  : i32 {
        %mul3A = arith.constant 640 : i32
        %mul3A_30 = arith.muli %arg1, %mul3A : i32
        %mul3A_31 = arith.constant 128 : i32
        %mul3A_32 = arith.muli %scan3A_28, %mul3A_31 : i32
        %add3A = arith.addi %mul3A_30, %mul3A_32 : i32
        "tpu.region"() ({
          %run_scoped3A = tpu.sem_alloc : memref<!tpu.dma_semaphore, #tpu.memory_space<semaphore_mem>>
          %dma_start3A = arith.constant 0 : i32
          %dma_start3A_34 = tpu.memref_slice %arg2[%add3A, %dma_start3A] : memref<10240x128xf32, #tpu.memory_space<hbm>> -> memref<128x128xf32, #tpu.memory_space<hbm>>
          %dma_start3A_35 = arith.constant 0 : i32
          %dma_start3A_36 = tpu.memref_slice %arg2[%add3A, %dma_start3A_35] : memref<10240x128xf32, #tpu.memory_space<hbm>> -> memref<128x128xf32, #tpu.memory_space<hbm>>
          tpu.enqueue_dma source(%dma_start3A_36 : memref<128x128xf32, #tpu.memory_space<hbm>>) target(%arg10 : memref<128x128xf32, #tpu.memory_space<vmem>>) target_semaphore(%run_scoped3A : memref<!tpu.dma_semaphore, #tpu.memory_space<semaphore_mem>>)
          %dma_wait3A = arith.constant 0 : i32
          %dma_wait3A_37 = tpu.memref_slice %arg2[%add3A, %dma_wait3A] : memref<10240x128xf32, #tpu.memory_space<hbm>> -> memref<128x128xf32, #tpu.memory_space<hbm>>
          %dma_wait3A_38 = arith.constant 0 : i32
          %dma_wait3A_39 = tpu.memref_slice %arg2[%add3A, %dma_wait3A_38] : memref<10240x128xf32, #tpu.memory_space<hbm>> -> memref<128x128xf32, #tpu.memory_space<hbm>>
          tpu.wait_dma2 semaphore(%run_scoped3A : memref<!tpu.dma_semaphore, #tpu.memory_space<semaphore_mem>>) src(%dma_wait3A_39 : memref<128x128xf32, #tpu.memory_space<hbm>>) dst(%arg10 : memref<128x128xf32, #tpu.memory_space<vmem>>)
          tpu.yield
        }) : () -> ()
        "tpu.region"() ({
          %run_scoped3A = tpu.sem_alloc : memref<!tpu.dma_semaphore, #tpu.memory_space<semaphore_mem>>
          %dma_start3A = arith.constant 0 : i32
          %dma_start3A_34 = tpu.memref_slice %arg12[%add3A, %dma_start3A] : memref<10240x128xf32, #tpu.memory_space<vmem_shared>> -> memref<128x128xf32, #tpu.memory_space<vmem_shared>>
          %dma_start3A_35 = arith.constant 0 : i32
          %dma_start3A_36 = tpu.memref_slice %arg12[%add3A, %dma_start3A_35] : memref<10240x128xf32, #tpu.memory_space<vmem_shared>> -> memref<128x128xf32, #tpu.memory_space<vmem_shared>>
          tpu.enqueue_dma source(%arg10 : memref<128x128xf32, #tpu.memory_space<vmem>>) target(%dma_start3A_36 : memref<128x128xf32, #tpu.memory_space<vmem_shared>>) target_semaphore(%run_scoped3A : memref<!tpu.dma_semaphore, #tpu.memory_space<semaphore_mem>>)
          %dma_wait3A = arith.constant 0 : i32
          %dma_wait3A_37 = tpu.memref_slice %arg12[%add3A, %dma_wait3A] : memref<10240x128xf32, #tpu.memory_space<vmem_shared>> -> memref<128x128xf32, #tpu.memory_space<vmem_shared>>
          %dma_wait3A_38 = arith.constant 0 : i32
          %dma_wait3A_39 = tpu.memref_slice %arg12[%add3A, %dma_wait3A_38] : memref<10240x128xf32, #tpu.memory_space<vmem_shared>> -> memref<128x128xf32, #tpu.memory_space<vmem_shared>>
          tpu.wait_dma2 semaphore(%run_scoped3A : memref<!tpu.dma_semaphore, #tpu.memory_space<semaphore_mem>>) src(%arg10 : memref<128x128xf32, #tpu.memory_space<vmem>>) dst(%dma_wait3A_39 : memref<128x128xf32, #tpu.memory_space<vmem_shared>>)
          tpu.yield
        }) : () -> ()
        %scan3A_33 = arith.constant 0 : i32
        scf.yield %scan3A_33 : i32
      }
      %scan3A_12 = arith.constant 5 : i32
      %barrier3A = arith.constant 0 : index
      tpu.barrier barrier_id(%barrier3A)
      %scan3A_13 = arith.constant 0 : i32
      %scan3A_14 = arith.constant 0 : i32
      %scan3A_15 = arith.constant 5 : i32
      %scan3A_16 = arith.addi %scan3A_14, %scan3A_15 : i32
      %scan3A_17 = arith.constant 1 : i32
      %scan3A_18 = scf.for %scan3A_28 = %scan3A_14 to %scan3A_16 step %scan3A_17 iter_args(%scan3A_29 = %scan3A_13) -> (i32)  : i32 {
        %mul3A = arith.constant 16 : i32
        %mul3A_30 = arith.muli %scan3A_28, %mul3A : i32
        "tpu.region"() ({
          %run_scoped3A = tpu.sem_alloc : memref<!tpu.dma_semaphore, #tpu.memory_space<semaphore_mem>>
          %dma_start3A_54 = arith.constant 0 : i32
          %dma_start3A_55 = tpu.memref_slice %arg4[%arg1, %mul3A_30, %dma_start3A_54] : memref<16x80x128xi32, #tpu.memory_space<hbm>> -> memref<1x16x128xi32, #tpu.memory_space<hbm>>
          %dma_start3A_56 = tpu.memref_squeeze %dma_start3A_55 : memref<1x16x128xi32, #tpu.memory_space<hbm>> -> memref<16x128xi32, #tpu.memory_space<hbm>>
          %dma_start3A_57 = arith.constant 0 : i32
          %dma_start3A_58 = tpu.memref_slice %arg4[%arg1, %mul3A_30, %dma_start3A_57] : memref<16x80x128xi32, #tpu.memory_space<hbm>> -> memref<1x16x128xi32, #tpu.memory_space<hbm>>
          %dma_start3A_59 = tpu.memref_squeeze %dma_start3A_58 : memref<1x16x128xi32, #tpu.memory_space<hbm>> -> memref<16x128xi32, #tpu.memory_space<hbm>>
          tpu.enqueue_dma source(%dma_start3A_59 : memref<16x128xi32, #tpu.memory_space<hbm>>) target(%arg8 : memref<16x128xi32, #tpu.memory_space<vmem>>) target_semaphore(%run_scoped3A : memref<!tpu.dma_semaphore, #tpu.memory_space<semaphore_mem>>)
          %dma_wait3A = arith.constant 0 : i32
          %dma_wait3A_60 = tpu.memref_slice %arg4[%arg1, %mul3A_30, %dma_wait3A] : memref<16x80x128xi32, #tpu.memory_space<hbm>> -> memref<1x16x128xi32, #tpu.memory_space<hbm>>
          %dma_wait3A_61 = tpu.memref_squeeze %dma_wait3A_60 : memref<1x16x128xi32, #tpu.memory_space<hbm>> -> memref<16x128xi32, #tpu.memory_space<hbm>>
          %dma_wait3A_62 = arith.constant 0 : i32
          %dma_wait3A_63 = tpu.memref_slice %arg4[%arg1, %mul3A_30, %dma_wait3A_62] : memref<16x80x128xi32, #tpu.memory_space<hbm>> -> memref<1x16x128xi32, #tpu.memory_space<hbm>>
          %dma_wait3A_64 = tpu.memref_squeeze %dma_wait3A_63 : memref<1x16x128xi32, #tpu.memory_space<hbm>> -> memref<16x128xi32, #tpu.memory_space<hbm>>
          tpu.wait_dma2 semaphore(%run_scoped3A : memref<!tpu.dma_semaphore, #tpu.memory_space<semaphore_mem>>) src(%dma_wait3A_64 : memref<16x128xi32, #tpu.memory_space<hbm>>) dst(%arg8 : memref<16x128xi32, #tpu.memory_space<vmem>>)
          tpu.yield
        }) : () -> ()
        %mul3A_31 = arith.constant 16 : i32
        %mul3A_32 = arith.muli %scan3A_28, %mul3A_31 : i32
        "tpu.region"() ({
          %run_scoped3A = tpu.sem_alloc : memref<!tpu.dma_semaphore, #tpu.memory_space<semaphore_mem>>
          %dma_start3A_54 = arith.constant 0 : i32
          %dma_start3A_55 = tpu.memref_slice %arg5[%arg1, %mul3A_32, %dma_start3A_54] : memref<16x80x128xi32, #tpu.memory_space<hbm>> -> memref<1x16x128xi32, #tpu.memory_space<hbm>>
          %dma_start3A_56 = tpu.memref_squeeze %dma_start3A_55 : memref<1x16x128xi32, #tpu.memory_space<hbm>> -> memref<16x128xi32, #tpu.memory_space<hbm>>
          %dma_start3A_57 = arith.constant 0 : i32
          %dma_start3A_58 = tpu.memref_slice %arg5[%arg1, %mul3A_32, %dma_start3A_57] : memref<16x80x128xi32, #tpu.memory_space<hbm>> -> memref<1x16x128xi32, #tpu.memory_space<hbm>>
          %dma_start3A_59 = tpu.memref_squeeze %dma_start3A_58 : memref<1x16x128xi32, #tpu.memory_space<hbm>> -> memref<16x128xi32, #tpu.memory_space<hbm>>
          tpu.enqueue_dma source(%dma_start3A_59 : memref<16x128xi32, #tpu.memory_space<hbm>>) target(%arg9 : memref<16x128xi32, #tpu.memory_space<vmem>>) target_semaphore(%run_scoped3A : memref<!tpu.dma_semaphore, #tpu.memory_space<semaphore_mem>>)
          %dma_wait3A = arith.constant 0 : i32
          %dma_wait3A_60 = tpu.memref_slice %arg5[%arg1, %mul3A_32, %dma_wait3A] : memref<16x80x128xi32, #tpu.memory_space<hbm>> -> memref<1x16x128xi32, #tpu.memory_space<hbm>>
          %dma_wait3A_61 = tpu.memref_squeeze %dma_wait3A_60 : memref<1x16x128xi32, #tpu.memory_space<hbm>> -> memref<16x128xi32, #tpu.memory_space<hbm>>
          %dma_wait3A_62 = arith.constant 0 : i32
          %dma_wait3A_63 = tpu.memref_slice %arg5[%arg1, %mul3A_32, %dma_wait3A_62] : memref<16x80x128xi32, #tpu.memory_space<hbm>> -> memref<1x16x128xi32, #tpu.memory_space<hbm>>
          %dma_wait3A_64 = tpu.memref_squeeze %dma_wait3A_63 : memref<1x16x128xi32, #tpu.memory_space<hbm>> -> memref<16x128xi32, #tpu.memory_space<hbm>>
          tpu.wait_dma2 semaphore(%run_scoped3A : memref<!tpu.dma_semaphore, #tpu.memory_space<semaphore_mem>>) src(%dma_wait3A_64 : memref<16x128xi32, #tpu.memory_space<hbm>>) dst(%arg9 : memref<16x128xi32, #tpu.memory_space<vmem>>)
          tpu.yield
        }) : () -> ()
        %dma_start3A = arith.constant 0 : i32
        %dma_start3A_33 = arith.constant 0 : i32
        %dma_start3A_34 = tpu.memref_slice %arg8[%dma_start3A, %dma_start3A_33] : memref<16x128xi32, #tpu.memory_space<vmem>> -> memref<1x128xi32, #tpu.memory_space<vmem>>
        %dma_start3A_35 = tpu.memref_squeeze %dma_start3A_34 : memref<1x128xi32, #tpu.memory_space<vmem>> -> memref<128xi32, #tpu.memory_space<vmem>>
        %dma_start3A_36 = arith.constant 0 : i32
        %dma_start3A_37 = arith.constant 0 : i32
        %dma_start3A_38 = tpu.memref_slice %arg2[%dma_start3A_36, %dma_start3A_37] : memref<10240x128xf32, #tpu.memory_space<hbm>> -> memref<10240x128xf32, #tpu.memory_space<hbm>>
        tpu.enqueue_indirect_dma source(%dma_start3A_38 : memref<10240x128xf32, #tpu.memory_space<hbm>>) target(%arg10 : memref<128x128xf32, #tpu.memory_space<vmem>>) offsets(%dma_start3A_35 : memref<128xi32, #tpu.memory_space<vmem>>) semaphore(%arg13 : memref<!tpu.dma_semaphore, #tpu.memory_space<semaphore_mem>>)
        %dma_start3A_39 = arith.constant 1 : i32
        %dma_start3A_40 = arith.constant 0 : i32
        %dma_start3A_41 = tpu.memref_slice %arg8[%dma_start3A_39, %dma_start3A_40] : memref<16x128xi32, #tpu.memory_space<vmem>> -> memref<1x128xi32, #tpu.memory_space<vmem>>
        %dma_start3A_42 = tpu.memref_squeeze %dma_start3A_41 : memref<1x128xi32, #tpu.memory_space<vmem>> -> memref<128xi32, #tpu.memory_space<vmem>>
        %dma_start3A_43 = arith.constant 0 : i32
        %dma_start3A_44 = arith.constant 0 : i32
        %dma_start3A_45 = tpu.memref_slice %arg2[%dma_start3A_43, %dma_start3A_44] : memref<10240x128xf32, #tpu.memory_space<hbm>> -> memref<10240x128xf32, #tpu.memory_space<hbm>>
        tpu.enqueue_indirect_dma source(%dma_start3A_45 : memref<10240x128xf32, #tpu.memory_space<hbm>>) target(%arg11 : memref<128x128xf32, #tpu.memory_space<vmem>>) offsets(%dma_start3A_42 : memref<128xi32, #tpu.memory_space<vmem>>) semaphore(%arg14 : memref<!tpu.dma_semaphore, #tpu.memory_space<semaphore_mem>>)
        %scan3A_46 = arith.constant 0 : i32
        %scan3A_47 = arith.constant 0 : i32
        %scan3A_48 = arith.constant 8 : i32
        %scan3A_49 = arith.addi %scan3A_47, %scan3A_48 : i32
        %scan3A_50 = arith.constant 1 : i32
        %scan3A_51 = scf.for %scan3A_54 = %scan3A_47 to %scan3A_49 step %scan3A_50 iter_args(%scan3A_55 = %scan3A_46) -> (i32)  : i32 {
          %mul3A_56 = arith.constant 2 : i32
          %mul3A_57 = arith.muli %scan3A_54, %mul3A_56 : i32
          %add3A = arith.constant 0 : i32
          %add3A_58 = arith.addi %mul3A_57, %add3A : i32
          %dma_wait3A = arith.constant 0 : i32
          %dma_wait3A_59 = tpu.memref_slice %arg8[%add3A_58, %dma_wait3A] : memref<16x128xi32, #tpu.memory_space<vmem>> -> memref<1x128xi32, #tpu.memory_space<vmem>>
          %dma_wait3A_60 = tpu.memref_squeeze %dma_wait3A_59 : memref<1x128xi32, #tpu.memory_space<vmem>> -> memref<128xi32, #tpu.memory_space<vmem>>
          %dma_wait3A_61 = arith.constant 0 : i32
          %dma_wait3A_62 = arith.constant 0 : i32
          %dma_wait3A_63 = tpu.memref_slice %arg2[%dma_wait3A_61, %dma_wait3A_62] : memref<10240x128xf32, #tpu.memory_space<hbm>> -> memref<10240x128xf32, #tpu.memory_space<hbm>>
          tpu.wait_indirect_dma semaphore(%arg13 : memref<!tpu.dma_semaphore, #tpu.memory_space<semaphore_mem>>) src(%dma_wait3A_63 : memref<10240x128xf32, #tpu.memory_space<hbm>>) dst(%arg10 : memref<128x128xf32, #tpu.memory_space<vmem>>)
          "tpu.region"() ({
            %run_scoped3A = tpu.sem_alloc : memref<!tpu.dma_semaphore, #tpu.memory_space<semaphore_mem>>
            %dma_start3A_88 = arith.constant 0 : i32
            %dma_start3A_89 = tpu.memref_slice %arg9[%add3A_58, %dma_start3A_88] : memref<16x128xi32, #tpu.memory_space<vmem>> -> memref<1x128xi32, #tpu.memory_space<vmem>>
            %dma_start3A_90 = tpu.memref_squeeze %dma_start3A_89 : memref<1x128xi32, #tpu.memory_space<vmem>> -> memref<128xi32, #tpu.memory_space<vmem>>
            %dma_start3A_91 = arith.constant 0 : i32
            %dma_start3A_92 = arith.constant 0 : i32
            %dma_start3A_93 = tpu.memref_slice %arg12[%dma_start3A_91, %dma_start3A_92] : memref<10240x128xf32, #tpu.memory_space<vmem_shared>> -> memref<10240x128xf32, #tpu.memory_space<vmem_shared>>
            tpu.enqueue_indirect_dma source(%arg10 : memref<128x128xf32, #tpu.memory_space<vmem>>) target(%dma_start3A_93 : memref<10240x128xf32, #tpu.memory_space<vmem_shared>>) offsets(%dma_start3A_90 : memref<128xi32, #tpu.memory_space<vmem>>) semaphore(%run_scoped3A : memref<!tpu.dma_semaphore, #tpu.memory_space<semaphore_mem>>) {add = true}
            %dma_wait3A_94 = arith.constant 0 : i32
            %dma_wait3A_95 = tpu.memref_slice %arg9[%add3A_58, %dma_wait3A_94] : memref<16x128xi32, #tpu.memory_space<vmem>> -> memref<1x128xi32, #tpu.memory_space<vmem>>
            %dma_wait3A_96 = tpu.memref_squeeze %dma_wait3A_95 : memref<1x128xi32, #tpu.memory_space<vmem>> -> memref<128xi32, #tpu.memory_space<vmem>>
            %dma_wait3A_97 = arith.constant 0 : i32
            %dma_wait3A_98 = arith.constant 0 : i32
            %dma_wait3A_99 = tpu.memref_slice %arg12[%dma_wait3A_97, %dma_wait3A_98] : memref<10240x128xf32, #tpu.memory_space<vmem_shared>> -> memref<10240x128xf32, #tpu.memory_space<vmem_shared>>
            tpu.wait_indirect_dma semaphore(%run_scoped3A : memref<!tpu.dma_semaphore, #tpu.memory_space<semaphore_mem>>) src(%arg10 : memref<128x128xf32, #tpu.memory_space<vmem>>) dst(%dma_wait3A_99 : memref<10240x128xf32, #tpu.memory_space<vmem_shared>>)
            tpu.yield
          }) : () -> ()
          %add3A_64 = arith.constant 2 : i32
          %add3A_65 = arith.addi %add3A_58, %add3A_64 : i32
          %lt3A = arith.constant 16 : i32
          %lt3A_66 = arith.cmpi slt, %add3A_65, %lt3A : i32
          %convert_element_type3A_67 = arith.extui %lt3A_66 : i1 to i32
          %cond3A_68 = arith.constant 0 : i32
          %cond3A_69 = arith.cmpi ne, %convert_element_type3A_67, %cond3A_68 : i32
          scf.if %cond3A_69 {
            %add3A_88 = arith.constant 2 : i32
            %add3A_89 = arith.addi %add3A_58, %add3A_88 : i32
            %dma_start3A_90 = arith.constant 0 : i32
            %dma_start3A_91 = tpu.memref_slice %arg8[%add3A_89, %dma_start3A_90] : memref<16x128xi32, #tpu.memory_space<vmem>> -> memref<1x128xi32, #tpu.memory_space<vmem>>
            %dma_start3A_92 = tpu.memref_squeeze %dma_start3A_91 : memref<1x128xi32, #tpu.memory_space<vmem>> -> memref<128xi32, #tpu.memory_space<vmem>>
            %dma_start3A_93 = arith.constant 0 : i32
            %dma_start3A_94 = arith.constant 0 : i32
            %dma_start3A_95 = tpu.memref_slice %arg2[%dma_start3A_93, %dma_start3A_94] : memref<10240x128xf32, #tpu.memory_space<hbm>> -> memref<10240x128xf32, #tpu.memory_space<hbm>>
            tpu.enqueue_indirect_dma source(%dma_start3A_95 : memref<10240x128xf32, #tpu.memory_space<hbm>>) target(%arg10 : memref<128x128xf32, #tpu.memory_space<vmem>>) offsets(%dma_start3A_92 : memref<128xi32, #tpu.memory_space<vmem>>) semaphore(%arg13 : memref<!tpu.dma_semaphore, #tpu.memory_space<semaphore_mem>>)
          } else {
          }
          %mul3A_70 = arith.constant 2 : i32
          %mul3A_71 = arith.muli %scan3A_54, %mul3A_70 : i32
          %add3A_72 = arith.constant 1 : i32
          %add3A_73 = arith.addi %mul3A_71, %add3A_72 : i32
          %dma_wait3A_74 = arith.constant 0 : i32
          %dma_wait3A_75 = tpu.memref_slice %arg8[%add3A_73, %dma_wait3A_74] : memref<16x128xi32, #tpu.memory_space<vmem>> -> memref<1x128xi32, #tpu.memory_space<vmem>>
          %dma_wait3A_76 = tpu.memref_squeeze %dma_wait3A_75 : memref<1x128xi32, #tpu.memory_space<vmem>> -> memref<128xi32, #tpu.memory_space<vmem>>
          %dma_wait3A_77 = arith.constant 0 : i32
          %dma_wait3A_78 = arith.constant 0 : i32
          %dma_wait3A_79 = tpu.memref_slice %arg2[%dma_wait3A_77, %dma_wait3A_78] : memref<10240x128xf32, #tpu.memory_space<hbm>> -> memref<10240x128xf32, #tpu.memory_space<hbm>>
          tpu.wait_indirect_dma semaphore(%arg14 : memref<!tpu.dma_semaphore, #tpu.memory_space<semaphore_mem>>) src(%dma_wait3A_79 : memref<10240x128xf32, #tpu.memory_space<hbm>>) dst(%arg11 : memref<128x128xf32, #tpu.memory_space<vmem>>)
          "tpu.region"() ({
            %run_scoped3A = tpu.sem_alloc : memref<!tpu.dma_semaphore, #tpu.memory_space<semaphore_mem>>
            %dma_start3A_88 = arith.constant 0 : i32
            %dma_start3A_89 = tpu.memref_slice %arg9[%add3A_73, %dma_start3A_88] : memref<16x128xi32, #tpu.memory_space<vmem>> -> memref<1x128xi32, #tpu.memory_space<vmem>>
            %dma_start3A_90 = tpu.memref_squeeze %dma_start3A_89 : memref<1x128xi32, #tpu.memory_space<vmem>> -> memref<128xi32, #tpu.memory_space<vmem>>
            %dma_start3A_91 = arith.constant 0 : i32
            %dma_start3A_92 = arith.constant 0 : i32
            %dma_start3A_93 = tpu.memref_slice %arg12[%dma_start3A_91, %dma_start3A_92] : memref<10240x128xf32, #tpu.memory_space<vmem_shared>> -> memref<10240x128xf32, #tpu.memory_space<vmem_shared>>
            tpu.enqueue_indirect_dma source(%arg11 : memref<128x128xf32, #tpu.memory_space<vmem>>) target(%dma_start3A_93 : memref<10240x128xf32, #tpu.memory_space<vmem_shared>>) offsets(%dma_start3A_90 : memref<128xi32, #tpu.memory_space<vmem>>) semaphore(%run_scoped3A : memref<!tpu.dma_semaphore, #tpu.memory_space<semaphore_mem>>) {add = true}
            %dma_wait3A_94 = arith.constant 0 : i32
            %dma_wait3A_95 = tpu.memref_slice %arg9[%add3A_73, %dma_wait3A_94] : memref<16x128xi32, #tpu.memory_space<vmem>> -> memref<1x128xi32, #tpu.memory_space<vmem>>
            %dma_wait3A_96 = tpu.memref_squeeze %dma_wait3A_95 : memref<1x128xi32, #tpu.memory_space<vmem>> -> memref<128xi32, #tpu.memory_space<vmem>>
            %dma_wait3A_97 = arith.constant 0 : i32
            %dma_wait3A_98 = arith.constant 0 : i32
            %dma_wait3A_99 = tpu.memref_slice %arg12[%dma_wait3A_97, %dma_wait3A_98] : memref<10240x128xf32, #tpu.memory_space<vmem_shared>> -> memref<10240x128xf32, #tpu.memory_space<vmem_shared>>
            tpu.wait_indirect_dma semaphore(%run_scoped3A : memref<!tpu.dma_semaphore, #tpu.memory_space<semaphore_mem>>) src(%arg11 : memref<128x128xf32, #tpu.memory_space<vmem>>) dst(%dma_wait3A_99 : memref<10240x128xf32, #tpu.memory_space<vmem_shared>>)
            tpu.yield
          }) : () -> ()
          %add3A_80 = arith.constant 2 : i32
          %add3A_81 = arith.addi %add3A_73, %add3A_80 : i32
          %lt3A_82 = arith.constant 16 : i32
          %lt3A_83 = arith.cmpi slt, %add3A_81, %lt3A_82 : i32
          %convert_element_type3A_84 = arith.extui %lt3A_83 : i1 to i32
          %cond3A_85 = arith.constant 0 : i32
          %cond3A_86 = arith.cmpi ne, %convert_element_type3A_84, %cond3A_85 : i32
          scf.if %cond3A_86 {
            %add3A_88 = arith.constant 2 : i32
            %add3A_89 = arith.addi %add3A_73, %add3A_88 : i32
            %dma_start3A_90 = arith.constant 0 : i32
            %dma_start3A_91 = tpu.memref_slice %arg8[%add3A_89, %dma_start3A_90] : memref<16x128xi32, #tpu.memory_space<vmem>> -> memref<1x128xi32, #tpu.memory_space<vmem>>
            %dma_start3A_92 = tpu.memref_squeeze %dma_start3A_91 : memref<1x128xi32, #tpu.memory_space<vmem>> -> memref<128xi32, #tpu.memory_space<vmem>>
            %dma_start3A_93 = arith.constant 0 : i32
            %dma_start3A_94 = arith.constant 0 : i32
            %dma_start3A_95 = tpu.memref_slice %arg2[%dma_start3A_93, %dma_start3A_94] : memref<10240x128xf32, #tpu.memory_space<hbm>> -> memref<10240x128xf32, #tpu.memory_space<hbm>>
            tpu.enqueue_indirect_dma source(%dma_start3A_95 : memref<10240x128xf32, #tpu.memory_space<hbm>>) target(%arg11 : memref<128x128xf32, #tpu.memory_space<vmem>>) offsets(%dma_start3A_92 : memref<128xi32, #tpu.memory_space<vmem>>) semaphore(%arg14 : memref<!tpu.dma_semaphore, #tpu.memory_space<semaphore_mem>>)
          } else {
          }
          %scan3A_87 = arith.constant 0 : i32
          scf.yield %scan3A_87 : i32
        }
        %scan3A_52 = arith.constant 8 : i32
        %scan3A_53 = arith.constant 0 : i32
        scf.yield %scan3A_53 : i32
      }
      %scan3A_19 = arith.constant 5 : i32
      %barrier3A_20 = arith.constant 0 : index
      tpu.barrier barrier_id(%barrier3A_20)
      %scan3A_21 = arith.constant 0 : i32
      %scan3A_22 = arith.constant 0 : i32
      %scan3A_23 = arith.constant 5 : i32
      %scan3A_24 = arith.addi %scan3A_22, %scan3A_23 : i32
      %scan3A_25 = arith.constant 1 : i32
      %scan3A_26 = scf.for %scan3A_28 = %scan3A_22 to %scan3A_24 step %scan3A_25 iter_args(%scan3A_29 = %scan3A_21) -> (i32)  : i32 {
        %mul3A = arith.constant 640 : i32
        %mul3A_30 = arith.muli %arg1, %mul3A : i32
        %mul3A_31 = arith.constant 128 : i32
        %mul3A_32 = arith.muli %scan3A_28, %mul3A_31 : i32
        %add3A = arith.addi %mul3A_30, %mul3A_32 : i32
        "tpu.region"() ({
          %run_scoped3A = tpu.sem_alloc : memref<!tpu.dma_semaphore, #tpu.memory_space<semaphore_mem>>
          %dma_start3A = arith.constant 0 : i32
          %dma_start3A_34 = tpu.memref_slice %arg12[%add3A, %dma_start3A] : memref<10240x128xf32, #tpu.memory_space<vmem_shared>> -> memref<128x128xf32, #tpu.memory_space<vmem_shared>>
          %dma_start3A_35 = arith.constant 0 : i32
          %dma_start3A_36 = tpu.memref_slice %arg12[%add3A, %dma_start3A_35] : memref<10240x128xf32, #tpu.memory_space<vmem_shared>> -> memref<128x128xf32, #tpu.memory_space<vmem_shared>>
          tpu.enqueue_dma source(%dma_start3A_36 : memref<128x128xf32, #tpu.memory_space<vmem_shared>>) target(%arg10 : memref<128x128xf32, #tpu.memory_space<vmem>>) target_semaphore(%run_scoped3A : memref<!tpu.dma_semaphore, #tpu.memory_space<semaphore_mem>>)
          %dma_wait3A = arith.constant 0 : i32
          %dma_wait3A_37 = tpu.memref_slice %arg12[%add3A, %dma_wait3A] : memref<10240x128xf32, #tpu.memory_space<vmem_shared>> -> memref<128x128xf32, #tpu.memory_space<vmem_shared>>
          %dma_wait3A_38 = arith.constant 0 : i32
          %dma_wait3A_39 = tpu.memref_slice %arg12[%add3A, %dma_wait3A_38] : memref<10240x128xf32, #tpu.memory_space<vmem_shared>> -> memref<128x128xf32, #tpu.memory_space<vmem_shared>>
          tpu.wait_dma2 semaphore(%run_scoped3A : memref<!tpu.dma_semaphore, #tpu.memory_space<semaphore_mem>>) src(%dma_wait3A_39 : memref<128x128xf32, #tpu.memory_space<vmem_shared>>) dst(%arg10 : memref<128x128xf32, #tpu.memory_space<vmem>>)
          tpu.yield
        }) : () -> ()
        "tpu.region"() ({
          %run_scoped3A = tpu.sem_alloc : memref<!tpu.dma_semaphore, #tpu.memory_space<semaphore_mem>>
          %dma_start3A = arith.constant 0 : i32
          %dma_start3A_34 = tpu.memref_slice %arg6[%add3A, %dma_start3A] : memref<10240x128xf32, #tpu.memory_space<hbm>> -> memref<128x128xf32, #tpu.memory_space<hbm>>
          %dma_start3A_35 = arith.constant 0 : i32
          %dma_start3A_36 = tpu.memref_slice %arg6[%add3A, %dma_start3A_35] : memref<10240x128xf32, #tpu.memory_space<hbm>> -> memref<128x128xf32, #tpu.memory_space<hbm>>
          tpu.enqueue_dma source(%arg10 : memref<128x128xf32, #tpu.memory_space<vmem>>) target(%dma_start3A_36 : memref<128x128xf32, #tpu.memory_space<hbm>>) target_semaphore(%run_scoped3A : memref<!tpu.dma_semaphore, #tpu.memory_space<semaphore_mem>>)
          %dma_wait3A = arith.constant 0 : i32
          %dma_wait3A_37 = tpu.memref_slice %arg6[%add3A, %dma_wait3A] : memref<10240x128xf32, #tpu.memory_space<hbm>> -> memref<128x128xf32, #tpu.memory_space<hbm>>
          %dma_wait3A_38 = arith.constant 0 : i32
          %dma_wait3A_39 = tpu.memref_slice %arg6[%add3A, %dma_wait3A_38] : memref<10240x128xf32, #tpu.memory_space<hbm>> -> memref<128x128xf32, #tpu.memory_space<hbm>>
          tpu.wait_dma2 semaphore(%run_scoped3A : memref<!tpu.dma_semaphore, #tpu.memory_space<semaphore_mem>>) src(%arg10 : memref<128x128xf32, #tpu.memory_space<vmem>>) dst(%dma_wait3A_39 : memref<128x128xf32, #tpu.memory_space<hbm>>)
          tpu.yield
        }) : () -> ()
        %scan3A_33 = arith.constant 0 : i32
        scf.yield %scan3A_33 : i32
      }
      %scan3A_27 = arith.constant 5 : i32
    } else {
    }
    %eq3A_2 = arith.constant 1 : i32
    %eq3A_3 = arith.cmpi eq, %arg0, %eq3A_2 : i32
    %convert_element_type3A_4 = arith.extui %eq3A_3 : i1 to i32
    %cond3A_5 = arith.constant 0 : i32
    %cond3A_6 = arith.cmpi ne, %convert_element_type3A_4, %cond3A_5 : i32
    scf.if %cond3A_6 {
      %scan3A = arith.constant 0 : i32
      %scan3A_7 = arith.constant 0 : i32
      %scan3A_8 = arith.constant 5 : i32
      %scan3A_9 = arith.addi %scan3A_7, %scan3A_8 : i32
      %scan3A_10 = arith.constant 1 : i32
      %scan3A_11 = scf.for %scan3A_28 = %scan3A_7 to %scan3A_9 step %scan3A_10 iter_args(%scan3A_29 = %scan3A) -> (i32)  : i32 {
        %mul3A = arith.constant 640 : i32
        %mul3A_30 = arith.muli %arg1, %mul3A : i32
        %mul3A_31 = arith.constant 128 : i32
        %mul3A_32 = arith.muli %scan3A_28, %mul3A_31 : i32
        %add3A = arith.addi %mul3A_30, %mul3A_32 : i32
        "tpu.region"() ({
          %run_scoped3A = tpu.sem_alloc : memref<!tpu.dma_semaphore, #tpu.memory_space<semaphore_mem>>
          %dma_start3A = arith.constant 0 : i32
          %dma_start3A_34 = tpu.memref_slice %arg3[%add3A, %dma_start3A] : memref<10240x128xf32, #tpu.memory_space<hbm>> -> memref<128x128xf32, #tpu.memory_space<hbm>>
          %dma_start3A_35 = arith.constant 0 : i32
          %dma_start3A_36 = tpu.memref_slice %arg3[%add3A, %dma_start3A_35] : memref<10240x128xf32, #tpu.memory_space<hbm>> -> memref<128x128xf32, #tpu.memory_space<hbm>>
          tpu.enqueue_dma source(%dma_start3A_36 : memref<128x128xf32, #tpu.memory_space<hbm>>) target(%arg10 : memref<128x128xf32, #tpu.memory_space<vmem>>) target_semaphore(%run_scoped3A : memref<!tpu.dma_semaphore, #tpu.memory_space<semaphore_mem>>)
          %dma_wait3A = arith.constant 0 : i32
          %dma_wait3A_37 = tpu.memref_slice %arg3[%add3A, %dma_wait3A] : memref<10240x128xf32, #tpu.memory_space<hbm>> -> memref<128x128xf32, #tpu.memory_space<hbm>>
          %dma_wait3A_38 = arith.constant 0 : i32
          %dma_wait3A_39 = tpu.memref_slice %arg3[%add3A, %dma_wait3A_38] : memref<10240x128xf32, #tpu.memory_space<hbm>> -> memref<128x128xf32, #tpu.memory_space<hbm>>
          tpu.wait_dma2 semaphore(%run_scoped3A : memref<!tpu.dma_semaphore, #tpu.memory_space<semaphore_mem>>) src(%dma_wait3A_39 : memref<128x128xf32, #tpu.memory_space<hbm>>) dst(%arg10 : memref<128x128xf32, #tpu.memory_space<vmem>>)
          tpu.yield
        }) : () -> ()
        "tpu.region"() ({
          %run_scoped3A = tpu.sem_alloc : memref<!tpu.dma_semaphore, #tpu.memory_space<semaphore_mem>>
          %dma_start3A = arith.constant 0 : i32
          %dma_start3A_34 = tpu.memref_slice %arg12[%add3A, %dma_start3A] : memref<10240x128xf32, #tpu.memory_space<vmem_shared>> -> memref<128x128xf32, #tpu.memory_space<vmem_shared>>
          %dma_start3A_35 = arith.constant 0 : i32
          %dma_start3A_36 = tpu.memref_slice %arg12[%add3A, %dma_start3A_35] : memref<10240x128xf32, #tpu.memory_space<vmem_shared>> -> memref<128x128xf32, #tpu.memory_space<vmem_shared>>
          tpu.enqueue_dma source(%arg10 : memref<128x128xf32, #tpu.memory_space<vmem>>) target(%dma_start3A_36 : memref<128x128xf32, #tpu.memory_space<vmem_shared>>) target_semaphore(%run_scoped3A : memref<!tpu.dma_semaphore, #tpu.memory_space<semaphore_mem>>)
          %dma_wait3A = arith.constant 0 : i32
          %dma_wait3A_37 = tpu.memref_slice %arg12[%add3A, %dma_wait3A] : memref<10240x128xf32, #tpu.memory_space<vmem_shared>> -> memref<128x128xf32, #tpu.memory_space<vmem_shared>>
          %dma_wait3A_38 = arith.constant 0 : i32
          %dma_wait3A_39 = tpu.memref_slice %arg12[%add3A, %dma_wait3A_38] : memref<10240x128xf32, #tpu.memory_space<vmem_shared>> -> memref<128x128xf32, #tpu.memory_space<vmem_shared>>
          tpu.wait_dma2 semaphore(%run_scoped3A : memref<!tpu.dma_semaphore, #tpu.memory_space<semaphore_mem>>) src(%arg10 : memref<128x128xf32, #tpu.memory_space<vmem>>) dst(%dma_wait3A_39 : memref<128x128xf32, #tpu.memory_space<vmem_shared>>)
          tpu.yield
        }) : () -> ()
        %scan3A_33 = arith.constant 0 : i32
        scf.yield %scan3A_33 : i32
      }
      %scan3A_12 = arith.constant 5 : i32
      %barrier3A = arith.constant 0 : index
      tpu.barrier barrier_id(%barrier3A)
      %scan3A_13 = arith.constant 0 : i32
      %scan3A_14 = arith.constant 0 : i32
      %scan3A_15 = arith.constant 5 : i32
      %scan3A_16 = arith.addi %scan3A_14, %scan3A_15 : i32
      %scan3A_17 = arith.constant 1 : i32
      %scan3A_18 = scf.for %scan3A_28 = %scan3A_14 to %scan3A_16 step %scan3A_17 iter_args(%scan3A_29 = %scan3A_13) -> (i32)  : i32 {
        %mul3A = arith.constant 16 : i32
        %mul3A_30 = arith.muli %scan3A_28, %mul3A : i32
        "tpu.region"() ({
          %run_scoped3A = tpu.sem_alloc : memref<!tpu.dma_semaphore, #tpu.memory_space<semaphore_mem>>
          %dma_start3A_54 = arith.constant 0 : i32
          %dma_start3A_55 = tpu.memref_slice %arg4[%arg1, %mul3A_30, %dma_start3A_54] : memref<16x80x128xi32, #tpu.memory_space<hbm>> -> memref<1x16x128xi32, #tpu.memory_space<hbm>>
          %dma_start3A_56 = tpu.memref_squeeze %dma_start3A_55 : memref<1x16x128xi32, #tpu.memory_space<hbm>> -> memref<16x128xi32, #tpu.memory_space<hbm>>
          %dma_start3A_57 = arith.constant 0 : i32
          %dma_start3A_58 = tpu.memref_slice %arg4[%arg1, %mul3A_30, %dma_start3A_57] : memref<16x80x128xi32, #tpu.memory_space<hbm>> -> memref<1x16x128xi32, #tpu.memory_space<hbm>>
          %dma_start3A_59 = tpu.memref_squeeze %dma_start3A_58 : memref<1x16x128xi32, #tpu.memory_space<hbm>> -> memref<16x128xi32, #tpu.memory_space<hbm>>
          tpu.enqueue_dma source(%dma_start3A_59 : memref<16x128xi32, #tpu.memory_space<hbm>>) target(%arg8 : memref<16x128xi32, #tpu.memory_space<vmem>>) target_semaphore(%run_scoped3A : memref<!tpu.dma_semaphore, #tpu.memory_space<semaphore_mem>>)
          %dma_wait3A = arith.constant 0 : i32
          %dma_wait3A_60 = tpu.memref_slice %arg4[%arg1, %mul3A_30, %dma_wait3A] : memref<16x80x128xi32, #tpu.memory_space<hbm>> -> memref<1x16x128xi32, #tpu.memory_space<hbm>>
          %dma_wait3A_61 = tpu.memref_squeeze %dma_wait3A_60 : memref<1x16x128xi32, #tpu.memory_space<hbm>> -> memref<16x128xi32, #tpu.memory_space<hbm>>
          %dma_wait3A_62 = arith.constant 0 : i32
          %dma_wait3A_63 = tpu.memref_slice %arg4[%arg1, %mul3A_30, %dma_wait3A_62] : memref<16x80x128xi32, #tpu.memory_space<hbm>> -> memref<1x16x128xi32, #tpu.memory_space<hbm>>
          %dma_wait3A_64 = tpu.memref_squeeze %dma_wait3A_63 : memref<1x16x128xi32, #tpu.memory_space<hbm>> -> memref<16x128xi32, #tpu.memory_space<hbm>>
          tpu.wait_dma2 semaphore(%run_scoped3A : memref<!tpu.dma_semaphore, #tpu.memory_space<semaphore_mem>>) src(%dma_wait3A_64 : memref<16x128xi32, #tpu.memory_space<hbm>>) dst(%arg8 : memref<16x128xi32, #tpu.memory_space<vmem>>)
          tpu.yield
        }) : () -> ()
        %mul3A_31 = arith.constant 16 : i32
        %mul3A_32 = arith.muli %scan3A_28, %mul3A_31 : i32
        "tpu.region"() ({
          %run_scoped3A = tpu.sem_alloc : memref<!tpu.dma_semaphore, #tpu.memory_space<semaphore_mem>>
          %dma_start3A_54 = arith.constant 0 : i32
          %dma_start3A_55 = tpu.memref_slice %arg5[%arg1, %mul3A_32, %dma_start3A_54] : memref<16x80x128xi32, #tpu.memory_space<hbm>> -> memref<1x16x128xi32, #tpu.memory_space<hbm>>
          %dma_start3A_56 = tpu.memref_squeeze %dma_start3A_55 : memref<1x16x128xi32, #tpu.memory_space<hbm>> -> memref<16x128xi32, #tpu.memory_space<hbm>>
          %dma_start3A_57 = arith.constant 0 : i32
          %dma_start3A_58 = tpu.memref_slice %arg5[%arg1, %mul3A_32, %dma_start3A_57] : memref<16x80x128xi32, #tpu.memory_space<hbm>> -> memref<1x16x128xi32, #tpu.memory_space<hbm>>
          %dma_start3A_59 = tpu.memref_squeeze %dma_start3A_58 : memref<1x16x128xi32, #tpu.memory_space<hbm>> -> memref<16x128xi32, #tpu.memory_space<hbm>>
          tpu.enqueue_dma source(%dma_start3A_59 : memref<16x128xi32, #tpu.memory_space<hbm>>) target(%arg9 : memref<16x128xi32, #tpu.memory_space<vmem>>) target_semaphore(%run_scoped3A : memref<!tpu.dma_semaphore, #tpu.memory_space<semaphore_mem>>)
          %dma_wait3A = arith.constant 0 : i32
          %dma_wait3A_60 = tpu.memref_slice %arg5[%arg1, %mul3A_32, %dma_wait3A] : memref<16x80x128xi32, #tpu.memory_space<hbm>> -> memref<1x16x128xi32, #tpu.memory_space<hbm>>
          %dma_wait3A_61 = tpu.memref_squeeze %dma_wait3A_60 : memref<1x16x128xi32, #tpu.memory_space<hbm>> -> memref<16x128xi32, #tpu.memory_space<hbm>>
          %dma_wait3A_62 = arith.constant 0 : i32
          %dma_wait3A_63 = tpu.memref_slice %arg5[%arg1, %mul3A_32, %dma_wait3A_62] : memref<16x80x128xi32, #tpu.memory_space<hbm>> -> memref<1x16x128xi32, #tpu.memory_space<hbm>>
          %dma_wait3A_64 = tpu.memref_squeeze %dma_wait3A_63 : memref<1x16x128xi32, #tpu.memory_space<hbm>> -> memref<16x128xi32, #tpu.memory_space<hbm>>
          tpu.wait_dma2 semaphore(%run_scoped3A : memref<!tpu.dma_semaphore, #tpu.memory_space<semaphore_mem>>) src(%dma_wait3A_64 : memref<16x128xi32, #tpu.memory_space<hbm>>) dst(%arg9 : memref<16x128xi32, #tpu.memory_space<vmem>>)
          tpu.yield
        }) : () -> ()
        %dma_start3A = arith.constant 0 : i32
        %dma_start3A_33 = arith.constant 0 : i32
        %dma_start3A_34 = tpu.memref_slice %arg8[%dma_start3A, %dma_start3A_33] : memref<16x128xi32, #tpu.memory_space<vmem>> -> memref<1x128xi32, #tpu.memory_space<vmem>>
        %dma_start3A_35 = tpu.memref_squeeze %dma_start3A_34 : memref<1x128xi32, #tpu.memory_space<vmem>> -> memref<128xi32, #tpu.memory_space<vmem>>
        %dma_start3A_36 = arith.constant 0 : i32
        %dma_start3A_37 = arith.constant 0 : i32
        %dma_start3A_38 = tpu.memref_slice %arg3[%dma_start3A_36, %dma_start3A_37] : memref<10240x128xf32, #tpu.memory_space<hbm>> -> memref<10240x128xf32, #tpu.memory_space<hbm>>
        tpu.enqueue_indirect_dma source(%dma_start3A_38 : memref<10240x128xf32, #tpu.memory_space<hbm>>) target(%arg10 : memref<128x128xf32, #tpu.memory_space<vmem>>) offsets(%dma_start3A_35 : memref<128xi32, #tpu.memory_space<vmem>>) semaphore(%arg13 : memref<!tpu.dma_semaphore, #tpu.memory_space<semaphore_mem>>)
        %dma_start3A_39 = arith.constant 1 : i32
        %dma_start3A_40 = arith.constant 0 : i32
        %dma_start3A_41 = tpu.memref_slice %arg8[%dma_start3A_39, %dma_start3A_40] : memref<16x128xi32, #tpu.memory_space<vmem>> -> memref<1x128xi32, #tpu.memory_space<vmem>>
        %dma_start3A_42 = tpu.memref_squeeze %dma_start3A_41 : memref<1x128xi32, #tpu.memory_space<vmem>> -> memref<128xi32, #tpu.memory_space<vmem>>
        %dma_start3A_43 = arith.constant 0 : i32
        %dma_start3A_44 = arith.constant 0 : i32
        %dma_start3A_45 = tpu.memref_slice %arg3[%dma_start3A_43, %dma_start3A_44] : memref<10240x128xf32, #tpu.memory_space<hbm>> -> memref<10240x128xf32, #tpu.memory_space<hbm>>
        tpu.enqueue_indirect_dma source(%dma_start3A_45 : memref<10240x128xf32, #tpu.memory_space<hbm>>) target(%arg11 : memref<128x128xf32, #tpu.memory_space<vmem>>) offsets(%dma_start3A_42 : memref<128xi32, #tpu.memory_space<vmem>>) semaphore(%arg14 : memref<!tpu.dma_semaphore, #tpu.memory_space<semaphore_mem>>)
        %scan3A_46 = arith.constant 0 : i32
        %scan3A_47 = arith.constant 0 : i32
        %scan3A_48 = arith.constant 8 : i32
        %scan3A_49 = arith.addi %scan3A_47, %scan3A_48 : i32
        %scan3A_50 = arith.constant 1 : i32
        %scan3A_51 = scf.for %scan3A_54 = %scan3A_47 to %scan3A_49 step %scan3A_50 iter_args(%scan3A_55 = %scan3A_46) -> (i32)  : i32 {
          %mul3A_56 = arith.constant 2 : i32
          %mul3A_57 = arith.muli %scan3A_54, %mul3A_56 : i32
          %add3A = arith.constant 0 : i32
          %add3A_58 = arith.addi %mul3A_57, %add3A : i32
          %dma_wait3A = arith.constant 0 : i32
          %dma_wait3A_59 = tpu.memref_slice %arg8[%add3A_58, %dma_wait3A] : memref<16x128xi32, #tpu.memory_space<vmem>> -> memref<1x128xi32, #tpu.memory_space<vmem>>
          %dma_wait3A_60 = tpu.memref_squeeze %dma_wait3A_59 : memref<1x128xi32, #tpu.memory_space<vmem>> -> memref<128xi32, #tpu.memory_space<vmem>>
          %dma_wait3A_61 = arith.constant 0 : i32
          %dma_wait3A_62 = arith.constant 0 : i32
          %dma_wait3A_63 = tpu.memref_slice %arg3[%dma_wait3A_61, %dma_wait3A_62] : memref<10240x128xf32, #tpu.memory_space<hbm>> -> memref<10240x128xf32, #tpu.memory_space<hbm>>
          tpu.wait_indirect_dma semaphore(%arg13 : memref<!tpu.dma_semaphore, #tpu.memory_space<semaphore_mem>>) src(%dma_wait3A_63 : memref<10240x128xf32, #tpu.memory_space<hbm>>) dst(%arg10 : memref<128x128xf32, #tpu.memory_space<vmem>>)
          "tpu.region"() ({
            %run_scoped3A = tpu.sem_alloc : memref<!tpu.dma_semaphore, #tpu.memory_space<semaphore_mem>>
            %dma_start3A_88 = arith.constant 0 : i32
            %dma_start3A_89 = tpu.memref_slice %arg9[%add3A_58, %dma_start3A_88] : memref<16x128xi32, #tpu.memory_space<vmem>> -> memref<1x128xi32, #tpu.memory_space<vmem>>
            %dma_start3A_90 = tpu.memref_squeeze %dma_start3A_89 : memref<1x128xi32, #tpu.memory_space<vmem>> -> memref<128xi32, #tpu.memory_space<vmem>>
            %dma_start3A_91 = arith.constant 0 : i32
            %dma_start3A_92 = arith.constant 0 : i32
            %dma_start3A_93 = tpu.memref_slice %arg12[%dma_start3A_91, %dma_start3A_92] : memref<10240x128xf32, #tpu.memory_space<vmem_shared>> -> memref<10240x128xf32, #tpu.memory_space<vmem_shared>>
            tpu.enqueue_indirect_dma source(%arg10 : memref<128x128xf32, #tpu.memory_space<vmem>>) target(%dma_start3A_93 : memref<10240x128xf32, #tpu.memory_space<vmem_shared>>) offsets(%dma_start3A_90 : memref<128xi32, #tpu.memory_space<vmem>>) semaphore(%run_scoped3A : memref<!tpu.dma_semaphore, #tpu.memory_space<semaphore_mem>>) {add = true}
            %dma_wait3A_94 = arith.constant 0 : i32
            %dma_wait3A_95 = tpu.memref_slice %arg9[%add3A_58, %dma_wait3A_94] : memref<16x128xi32, #tpu.memory_space<vmem>> -> memref<1x128xi32, #tpu.memory_space<vmem>>
            %dma_wait3A_96 = tpu.memref_squeeze %dma_wait3A_95 : memref<1x128xi32, #tpu.memory_space<vmem>> -> memref<128xi32, #tpu.memory_space<vmem>>
            %dma_wait3A_97 = arith.constant 0 : i32
            %dma_wait3A_98 = arith.constant 0 : i32
            %dma_wait3A_99 = tpu.memref_slice %arg12[%dma_wait3A_97, %dma_wait3A_98] : memref<10240x128xf32, #tpu.memory_space<vmem_shared>> -> memref<10240x128xf32, #tpu.memory_space<vmem_shared>>
            tpu.wait_indirect_dma semaphore(%run_scoped3A : memref<!tpu.dma_semaphore, #tpu.memory_space<semaphore_mem>>) src(%arg10 : memref<128x128xf32, #tpu.memory_space<vmem>>) dst(%dma_wait3A_99 : memref<10240x128xf32, #tpu.memory_space<vmem_shared>>)
            tpu.yield
          }) : () -> ()
          %add3A_64 = arith.constant 2 : i32
          %add3A_65 = arith.addi %add3A_58, %add3A_64 : i32
          %lt3A = arith.constant 16 : i32
          %lt3A_66 = arith.cmpi slt, %add3A_65, %lt3A : i32
          %convert_element_type3A_67 = arith.extui %lt3A_66 : i1 to i32
          %cond3A_68 = arith.constant 0 : i32
          %cond3A_69 = arith.cmpi ne, %convert_element_type3A_67, %cond3A_68 : i32
          scf.if %cond3A_69 {
            %add3A_88 = arith.constant 2 : i32
            %add3A_89 = arith.addi %add3A_58, %add3A_88 : i32
            %dma_start3A_90 = arith.constant 0 : i32
            %dma_start3A_91 = tpu.memref_slice %arg8[%add3A_89, %dma_start3A_90] : memref<16x128xi32, #tpu.memory_space<vmem>> -> memref<1x128xi32, #tpu.memory_space<vmem>>
            %dma_start3A_92 = tpu.memref_squeeze %dma_start3A_91 : memref<1x128xi32, #tpu.memory_space<vmem>> -> memref<128xi32, #tpu.memory_space<vmem>>
            %dma_start3A_93 = arith.constant 0 : i32
            %dma_start3A_94 = arith.constant 0 : i32
            %dma_start3A_95 = tpu.memref_slice %arg3[%dma_start3A_93, %dma_start3A_94] : memref<10240x128xf32, #tpu.memory_space<hbm>> -> memref<10240x128xf32, #tpu.memory_space<hbm>>
            tpu.enqueue_indirect_dma source(%dma_start3A_95 : memref<10240x128xf32, #tpu.memory_space<hbm>>) target(%arg10 : memref<128x128xf32, #tpu.memory_space<vmem>>) offsets(%dma_start3A_92 : memref<128xi32, #tpu.memory_space<vmem>>) semaphore(%arg13 : memref<!tpu.dma_semaphore, #tpu.memory_space<semaphore_mem>>)
          } else {
          }
          %mul3A_70 = arith.constant 2 : i32
          %mul3A_71 = arith.muli %scan3A_54, %mul3A_70 : i32
          %add3A_72 = arith.constant 1 : i32
          %add3A_73 = arith.addi %mul3A_71, %add3A_72 : i32
          %dma_wait3A_74 = arith.constant 0 : i32
          %dma_wait3A_75 = tpu.memref_slice %arg8[%add3A_73, %dma_wait3A_74] : memref<16x128xi32, #tpu.memory_space<vmem>> -> memref<1x128xi32, #tpu.memory_space<vmem>>
          %dma_wait3A_76 = tpu.memref_squeeze %dma_wait3A_75 : memref<1x128xi32, #tpu.memory_space<vmem>> -> memref<128xi32, #tpu.memory_space<vmem>>
          %dma_wait3A_77 = arith.constant 0 : i32
          %dma_wait3A_78 = arith.constant 0 : i32
          %dma_wait3A_79 = tpu.memref_slice %arg3[%dma_wait3A_77, %dma_wait3A_78] : memref<10240x128xf32, #tpu.memory_space<hbm>> -> memref<10240x128xf32, #tpu.memory_space<hbm>>
          tpu.wait_indirect_dma semaphore(%arg14 : memref<!tpu.dma_semaphore, #tpu.memory_space<semaphore_mem>>) src(%dma_wait3A_79 : memref<10240x128xf32, #tpu.memory_space<hbm>>) dst(%arg11 : memref<128x128xf32, #tpu.memory_space<vmem>>)
          "tpu.region"() ({
            %run_scoped3A = tpu.sem_alloc : memref<!tpu.dma_semaphore, #tpu.memory_space<semaphore_mem>>
            %dma_start3A_88 = arith.constant 0 : i32
            %dma_start3A_89 = tpu.memref_slice %arg9[%add3A_73, %dma_start3A_88] : memref<16x128xi32, #tpu.memory_space<vmem>> -> memref<1x128xi32, #tpu.memory_space<vmem>>
            %dma_start3A_90 = tpu.memref_squeeze %dma_start3A_89 : memref<1x128xi32, #tpu.memory_space<vmem>> -> memref<128xi32, #tpu.memory_space<vmem>>
            %dma_start3A_91 = arith.constant 0 : i32
            %dma_start3A_92 = arith.constant 0 : i32
            %dma_start3A_93 = tpu.memref_slice %arg12[%dma_start3A_91, %dma_start3A_92] : memref<10240x128xf32, #tpu.memory_space<vmem_shared>> -> memref<10240x128xf32, #tpu.memory_space<vmem_shared>>
            tpu.enqueue_indirect_dma source(%arg11 : memref<128x128xf32, #tpu.memory_space<vmem>>) target(%dma_start3A_93 : memref<10240x128xf32, #tpu.memory_space<vmem_shared>>) offsets(%dma_start3A_90 : memref<128xi32, #tpu.memory_space<vmem>>) semaphore(%run_scoped3A : memref<!tpu.dma_semaphore, #tpu.memory_space<semaphore_mem>>) {add = true}
            %dma_wait3A_94 = arith.constant 0 : i32
            %dma_wait3A_95 = tpu.memref_slice %arg9[%add3A_73, %dma_wait3A_94] : memref<16x128xi32, #tpu.memory_space<vmem>> -> memref<1x128xi32, #tpu.memory_space<vmem>>
            %dma_wait3A_96 = tpu.memref_squeeze %dma_wait3A_95 : memref<1x128xi32, #tpu.memory_space<vmem>> -> memref<128xi32, #tpu.memory_space<vmem>>
            %dma_wait3A_97 = arith.constant 0 : i32
            %dma_wait3A_98 = arith.constant 0 : i32
            %dma_wait3A_99 = tpu.memref_slice %arg12[%dma_wait3A_97, %dma_wait3A_98] : memref<10240x128xf32, #tpu.memory_space<vmem_shared>> -> memref<10240x128xf32, #tpu.memory_space<vmem_shared>>
            tpu.wait_indirect_dma semaphore(%run_scoped3A : memref<!tpu.dma_semaphore, #tpu.memory_space<semaphore_mem>>) src(%arg11 : memref<128x128xf32, #tpu.memory_space<vmem>>) dst(%dma_wait3A_99 : memref<10240x128xf32, #tpu.memory_space<vmem_shared>>)
            tpu.yield
          }) : () -> ()
          %add3A_80 = arith.constant 2 : i32
          %add3A_81 = arith.addi %add3A_73, %add3A_80 : i32
          %lt3A_82 = arith.constant 16 : i32
          %lt3A_83 = arith.cmpi slt, %add3A_81, %lt3A_82 : i32
          %convert_element_type3A_84 = arith.extui %lt3A_83 : i1 to i32
          %cond3A_85 = arith.constant 0 : i32
          %cond3A_86 = arith.cmpi ne, %convert_element_type3A_84, %cond3A_85 : i32
          scf.if %cond3A_86 {
            %add3A_88 = arith.constant 2 : i32
            %add3A_89 = arith.addi %add3A_73, %add3A_88 : i32
            %dma_start3A_90 = arith.constant 0 : i32
            %dma_start3A_91 = tpu.memref_slice %arg8[%add3A_89, %dma_start3A_90] : memref<16x128xi32, #tpu.memory_space<vmem>> -> memref<1x128xi32, #tpu.memory_space<vmem>>
            %dma_start3A_92 = tpu.memref_squeeze %dma_start3A_91 : memref<1x128xi32, #tpu.memory_space<vmem>> -> memref<128xi32, #tpu.memory_space<vmem>>
            %dma_start3A_93 = arith.constant 0 : i32
            %dma_start3A_94 = arith.constant 0 : i32
            %dma_start3A_95 = tpu.memref_slice %arg3[%dma_start3A_93, %dma_start3A_94] : memref<10240x128xf32, #tpu.memory_space<hbm>> -> memref<10240x128xf32, #tpu.memory_space<hbm>>
            tpu.enqueue_indirect_dma source(%dma_start3A_95 : memref<10240x128xf32, #tpu.memory_space<hbm>>) target(%arg11 : memref<128x128xf32, #tpu.memory_space<vmem>>) offsets(%dma_start3A_92 : memref<128xi32, #tpu.memory_space<vmem>>) semaphore(%arg14 : memref<!tpu.dma_semaphore, #tpu.memory_space<semaphore_mem>>)
          } else {
          }
          %scan3A_87 = arith.constant 0 : i32
          scf.yield %scan3A_87 : i32
        }
        %scan3A_52 = arith.constant 8 : i32
        %scan3A_53 = arith.constant 0 : i32
        scf.yield %scan3A_53 : i32
      }
      %scan3A_19 = arith.constant 5 : i32
      %barrier3A_20 = arith.constant 0 : index
      tpu.barrier barrier_id(%barrier3A_20)
      %scan3A_21 = arith.constant 0 : i32
      %scan3A_22 = arith.constant 0 : i32
      %scan3A_23 = arith.constant 5 : i32
      %scan3A_24 = arith.addi %scan3A_22, %scan3A_23 : i32
      %scan3A_25 = arith.constant 1 : i32
      %scan3A_26 = scf.for %scan3A_28 = %scan3A_22 to %scan3A_24 step %scan3A_25 iter_args(%scan3A_29 = %scan3A_21) -> (i32)  : i32 {
        %mul3A = arith.constant 640 : i32
        %mul3A_30 = arith.muli %arg1, %mul3A : i32
        %mul3A_31 = arith.constant 128 : i32
        %mul3A_32 = arith.muli %scan3A_28, %mul3A_31 : i32
        %add3A = arith.addi %mul3A_30, %mul3A_32 : i32
        "tpu.region"() ({
          %run_scoped3A = tpu.sem_alloc : memref<!tpu.dma_semaphore, #tpu.memory_space<semaphore_mem>>
          %dma_start3A = arith.constant 0 : i32
          %dma_start3A_34 = tpu.memref_slice %arg12[%add3A, %dma_start3A] : memref<10240x128xf32, #tpu.memory_space<vmem_shared>> -> memref<128x128xf32, #tpu.memory_space<vmem_shared>>
          %dma_start3A_35 = arith.constant 0 : i32
          %dma_start3A_36 = tpu.memref_slice %arg12[%add3A, %dma_start3A_35] : memref<10240x128xf32, #tpu.memory_space<vmem_shared>> -> memref<128x128xf32, #tpu.memory_space<vmem_shared>>
          tpu.enqueue_dma source(%dma_start3A_36 : memref<128x128xf32, #tpu.memory_space<vmem_shared>>) target(%arg10 : memref<128x128xf32, #tpu.memory_space<vmem>>) target_semaphore(%run_scoped3A : memref<!tpu.dma_semaphore, #tpu.memory_space<semaphore_mem>>)
          %dma_wait3A = arith.constant 0 : i32
          %dma_wait3A_37 = tpu.memref_slice %arg12[%add3A, %dma_wait3A] : memref<10240x128xf32, #tpu.memory_space<vmem_shared>> -> memref<128x128xf32, #tpu.memory_space<vmem_shared>>
          %dma_wait3A_38 = arith.constant 0 : i32
          %dma_wait3A_39 = tpu.memref_slice %arg12[%add3A, %dma_wait3A_38] : memref<10240x128xf32, #tpu.memory_space<vmem_shared>> -> memref<128x128xf32, #tpu.memory_space<vmem_shared>>
          tpu.wait_dma2 semaphore(%run_scoped3A : memref<!tpu.dma_semaphore, #tpu.memory_space<semaphore_mem>>) src(%dma_wait3A_39 : memref<128x128xf32, #tpu.memory_space<vmem_shared>>) dst(%arg10 : memref<128x128xf32, #tpu.memory_space<vmem>>)
          tpu.yield
        }) : () -> ()
        "tpu.region"() ({
          %run_scoped3A = tpu.sem_alloc : memref<!tpu.dma_semaphore, #tpu.memory_space<semaphore_mem>>
          %dma_start3A = arith.constant 0 : i32
          %dma_start3A_34 = tpu.memref_slice %arg7[%add3A, %dma_start3A] : memref<10240x128xf32, #tpu.memory_space<hbm>> -> memref<128x128xf32, #tpu.memory_space<hbm>>
          %dma_start3A_35 = arith.constant 0 : i32
          %dma_start3A_36 = tpu.memref_slice %arg7[%add3A, %dma_start3A_35] : memref<10240x128xf32, #tpu.memory_space<hbm>> -> memref<128x128xf32, #tpu.memory_space<hbm>>
          tpu.enqueue_dma source(%arg10 : memref<128x128xf32, #tpu.memory_space<vmem>>) target(%dma_start3A_36 : memref<128x128xf32, #tpu.memory_space<hbm>>) target_semaphore(%run_scoped3A : memref<!tpu.dma_semaphore, #tpu.memory_space<semaphore_mem>>)
          %dma_wait3A = arith.constant 0 : i32
          %dma_wait3A_37 = tpu.memref_slice %arg7[%add3A, %dma_wait3A] : memref<10240x128xf32, #tpu.memory_space<hbm>> -> memref<128x128xf32, #tpu.memory_space<hbm>>
          %dma_wait3A_38 = arith.constant 0 : i32
          %dma_wait3A_39 = tpu.memref_slice %arg7[%add3A, %dma_wait3A_38] : memref<10240x128xf32, #tpu.memory_space<hbm>> -> memref<128x128xf32, #tpu.memory_space<hbm>>
          tpu.wait_dma2 semaphore(%run_scoped3A : memref<!tpu.dma_semaphore, #tpu.memory_space<semaphore_mem>>) src(%arg10 : memref<128x128xf32, #tpu.memory_space<vmem>>) dst(%dma_wait3A_39 : memref<128x128xf32, #tpu.memory_space<hbm>>)
          tpu.yield
        }) : () -> ()
        %scan3A_33 = arith.constant 0 : i32
        scf.yield %scan3A_33 : i32
      }
      %scan3A_27 = arith.constant 5 : i32
    } else {
    }
    return
  }
}

#map = affine_map<(d0, d1) -> (0, 0, 0)>
#map1 = affine_map<(d0, d1) -> (0, 0)>
module attributes {stable_mosaic.version = 14 : i64} {
  func.func @_bincount_body(%arg0: i32, %arg1: i32, %arg2: memref<16x80x128xi32, #tpu.memory_space<hbm>>, %arg3: memref<16x80x128xi32, #tpu.memory_space<hbm>>, %arg4: memref<10240x128xf32, #tpu.memory_space<hbm>>, %arg5: memref<10240x128xf32, #tpu.memory_space<hbm>>, %arg6: memref<16x128xi32, #tpu.memory_space<vmem>>, %arg7: memref<128x128xf32, #tpu.memory_space<vmem>>, %arg8: memref<10240x128xf32, #tpu.memory_space<vmem_shared>>, %arg9: memref<!tpu.dma_semaphore, #tpu.memory_space<semaphore_mem>>) attributes {dimension_semantics = [#tpu.dimension_semantics<core_parallel>, #tpu.dimension_semantics<subcore_parallel>], iteration_bounds = array<i64: 2, 16>, scalar_prefetch = 0 : i64, scratch_operands = 4 : i64, tpu.core_type = #tpu.core_type<sc_vector_subcore>, window_params = [{transform_indices = #map}, {transform_indices = #map}, {transform_indices = #map1}, {transform_indices = #map1}]} {
    %broadcast_in_dim3A = arith.constant 1.000000e+00 : f32
    %broadcast_in_dim3A_0 = vector.broadcast %broadcast_in_dim3A : f32 to vector<16xf32>
    %scan3A = arith.constant 0 : i32
    %scan3A_1 = arith.constant 0 : i32
    %scan3A_2 = arith.constant 128 : i32
    %scan3A_3 = arith.addi %scan3A_1, %scan3A_2 : i32
    %scan3A_4 = arith.constant 1 : i32
    %scan3A_5 = scf.for %scan3A_14 = %scan3A_1 to %scan3A_3 step %scan3A_4 iter_args(%scan3A_15 = %scan3A) -> (i32)  : i32 {
      %scan3A_16 = arith.constant 0 : i32
      %scan3A_17 = arith.constant 0 : i32
      %scan3A_18 = arith.constant 8 : i32
      %scan3A_19 = arith.addi %scan3A_17, %scan3A_18 : i32
      %scan3A_20 = arith.constant 1 : i32
      %scan3A_21 = scf.for %scan3A_24 = %scan3A_17 to %scan3A_19 step %scan3A_20 iter_args(%scan3A_25 = %scan3A_16) -> (i32)  : i32 {
        %mul3A = arith.constant 16 : i32
        %mul3A_26 = arith.muli %scan3A_24, %mul3A : i32
        %swap3A = arith.index_cast %scan3A_14 : i32 to index
        %swap3A_27 = arith.index_cast %mul3A_26 : i32 to index
        %swap3A_28 = tpu.vector_load %arg7[%swap3A, %swap3A_27] {strides = array<i32>} : memref<128x128xf32, #tpu.memory_space<vmem>>, vector<1x16xf32>,
        %swap3A_29 = vector.shape_cast %swap3A_28 : vector<1x16xf32> to vector<16xf32>
        %swap3A_30 = vector.shape_cast %broadcast_in_dim3A_0 : vector<16xf32> to vector<1x16xf32>
        tpu.vector_store %arg7[%swap3A, %swap3A_27], %swap3A_30 {strides = array<i32>} : memref<128x128xf32, #tpu.memory_space<vmem>>, vector<1x16xf32>,
        %scan3A_31 = arith.constant 0 : i32
        scf.yield %scan3A_31 : i32
      }
      %scan3A_22 = arith.constant 8 : i32
      %scan3A_23 = arith.constant 0 : i32
      scf.yield %scan3A_23 : i32
    }
    %scan3A_6 = arith.constant 128 : i32
    %eq3A = arith.constant 0 : i32
    %eq3A_7 = arith.cmpi eq, %arg0, %eq3A : i32
    %convert_element_type3A = arith.extui %eq3A_7 : i1 to i32
    %cond3A = arith.constant 0 : i32
    %cond3A_8 = arith.cmpi ne, %convert_element_type3A, %cond3A : i32
    scf.if %cond3A_8 {
      %scan3A_14 = arith.constant 0 : i32
      %scan3A_15 = arith.constant 0 : i32
      %scan3A_16 = arith.constant 5 : i32
      %scan3A_17 = arith.addi %scan3A_15, %scan3A_16 : i32
      %scan3A_18 = arith.constant 1 : i32
      %scan3A_19 = scf.for %scan3A_36 = %scan3A_15 to %scan3A_17 step %scan3A_18 iter_args(%scan3A_37 = %scan3A_14) -> (i32)  : i32 {
        %mul3A = arith.constant 640 : i32
        %mul3A_38 = arith.muli %arg1, %mul3A : i32
        %mul3A_39 = arith.constant 128 : i32
        %mul3A_40 = arith.muli %scan3A_36, %mul3A_39 : i32
        %add3A = arith.addi %mul3A_38, %mul3A_40 : i32
        "tpu.region"() ({
          %run_scoped3A = tpu.sem_alloc : memref<!tpu.dma_semaphore, #tpu.memory_space<semaphore_mem>>
          %dma_start3A = arith.constant 0 : i32
          %dma_start3A_42 = tpu.memref_slice %arg8[%add3A, %dma_start3A] : memref<10240x128xf32, #tpu.memory_space<vmem_shared>> -> memref<128x128xf32, #tpu.memory_space<vmem_shared>>
          %dma_start3A_43 = arith.constant 0 : i32
          %dma_start3A_44 = tpu.memref_slice %arg8[%add3A, %dma_start3A_43] : memref<10240x128xf32, #tpu.memory_space<vmem_shared>> -> memref<128x128xf32, #tpu.memory_space<vmem_shared>>
          tpu.enqueue_dma source(%arg7 : memref<128x128xf32, #tpu.memory_space<vmem>>) target(%dma_start3A_44 : memref<128x128xf32, #tpu.memory_space<vmem_shared>>) target_semaphore(%run_scoped3A : memref<!tpu.dma_semaphore, #tpu.memory_space<semaphore_mem>>)
          %dma_wait3A = arith.constant 0 : i32
          %dma_wait3A_45 = tpu.memref_slice %arg8[%add3A, %dma_wait3A] : memref<10240x128xf32, #tpu.memory_space<vmem_shared>> -> memref<128x128xf32, #tpu.memory_space<vmem_shared>>
          %dma_wait3A_46 = arith.constant 0 : i32
          %dma_wait3A_47 = tpu.memref_slice %arg8[%add3A, %dma_wait3A_46] : memref<10240x128xf32, #tpu.memory_space<vmem_shared>> -> memref<128x128xf32, #tpu.memory_space<vmem_shared>>
          tpu.wait_dma2 semaphore(%run_scoped3A : memref<!tpu.dma_semaphore, #tpu.memory_space<semaphore_mem>>) src(%arg7 : memref<128x128xf32, #tpu.memory_space<vmem>>) dst(%dma_wait3A_47 : memref<128x128xf32, #tpu.memory_space<vmem_shared>>)
          tpu.yield
        }) : () -> ()
        %scan3A_41 = arith.constant 0 : i32
        scf.yield %scan3A_41 : i32
      }
      %scan3A_20 = arith.constant 5 : i32
      %barrier3A = arith.constant 0 : index
      tpu.barrier barrier_id(%barrier3A)
      %scan3A_21 = arith.constant 0 : i32
      %scan3A_22 = arith.constant 0 : i32
      %scan3A_23 = arith.constant 5 : i32
      %scan3A_24 = arith.addi %scan3A_22, %scan3A_23 : i32
      %scan3A_25 = arith.constant 1 : i32
      %scan3A_26 = scf.for %scan3A_36 = %scan3A_22 to %scan3A_24 step %scan3A_25 iter_args(%scan3A_37 = %scan3A_21) -> (i32)  : i32 {
        %mul3A = arith.constant 16 : i32
        %mul3A_38 = arith.muli %scan3A_36, %mul3A : i32
        "tpu.region"() ({
          %run_scoped3A = tpu.sem_alloc : memref<!tpu.dma_semaphore, #tpu.memory_space<semaphore_mem>>
          %dma_start3A = arith.constant 0 : i32
          %dma_start3A_47 = tpu.memref_slice %arg2[%arg1, %mul3A_38, %dma_start3A] : memref<16x80x128xi32, #tpu.memory_space<hbm>> -> memref<1x16x128xi32, #tpu.memory_space<hbm>>
          %dma_start3A_48 = tpu.memref_squeeze %dma_start3A_47 : memref<1x16x128xi32, #tpu.memory_space<hbm>> -> memref<16x128xi32, #tpu.memory_space<hbm>>
          %dma_start3A_49 = arith.constant 0 : i32
          %dma_start3A_50 = tpu.memref_slice %arg2[%arg1, %mul3A_38, %dma_start3A_49] : memref<16x80x128xi32, #tpu.memory_space<hbm>> -> memref<1x16x128xi32, #tpu.memory_space<hbm>>
          %dma_start3A_51 = tpu.memref_squeeze %dma_start3A_50 : memref<1x16x128xi32, #tpu.memory_space<hbm>> -> memref<16x128xi32, #tpu.memory_space<hbm>>
          tpu.enqueue_dma source(%dma_start3A_51 : memref<16x128xi32, #tpu.memory_space<hbm>>) target(%arg6 : memref<16x128xi32, #tpu.memory_space<vmem>>) target_semaphore(%run_scoped3A : memref<!tpu.dma_semaphore, #tpu.memory_space<semaphore_mem>>)
          %dma_wait3A = arith.constant 0 : i32
          %dma_wait3A_52 = tpu.memref_slice %arg2[%arg1, %mul3A_38, %dma_wait3A] : memref<16x80x128xi32, #tpu.memory_space<hbm>> -> memref<1x16x128xi32, #tpu.memory_space<hbm>>
          %dma_wait3A_53 = tpu.memref_squeeze %dma_wait3A_52 : memref<1x16x128xi32, #tpu.memory_space<hbm>> -> memref<16x128xi32, #tpu.memory_space<hbm>>
          %dma_wait3A_54 = arith.constant 0 : i32
          %dma_wait3A_55 = tpu.memref_slice %arg2[%arg1, %mul3A_38, %dma_wait3A_54] : memref<16x80x128xi32, #tpu.memory_space<hbm>> -> memref<1x16x128xi32, #tpu.memory_space<hbm>>
          %dma_wait3A_56 = tpu.memref_squeeze %dma_wait3A_55 : memref<1x16x128xi32, #tpu.memory_space<hbm>> -> memref<16x128xi32, #tpu.memory_space<hbm>>
          tpu.wait_dma2 semaphore(%run_scoped3A : memref<!tpu.dma_semaphore, #tpu.memory_space<semaphore_mem>>) src(%dma_wait3A_56 : memref<16x128xi32, #tpu.memory_space<hbm>>) dst(%arg6 : memref<16x128xi32, #tpu.memory_space<vmem>>)
          tpu.yield
        }) : () -> ()
        %scan3A_39 = arith.constant 0 : i32
        %scan3A_40 = arith.constant 0 : i32
        %scan3A_41 = arith.constant 4 : i32
        %scan3A_42 = arith.addi %scan3A_40, %scan3A_41 : i32
        %scan3A_43 = arith.constant 1 : i32
        %scan3A_44 = scf.for %scan3A_47 = %scan3A_40 to %scan3A_42 step %scan3A_43 iter_args(%scan3A_48 = %scan3A_39) -> (i32)  : i32 {
          %scan3A_49 = arith.constant 0 : i32
          %scan3A_50 = arith.constant 0 : i32
          %scan3A_51 = arith.constant 4 : i32
          %scan3A_52 = arith.addi %scan3A_50, %scan3A_51 : i32
          %scan3A_53 = arith.constant 1 : i32
          %scan3A_54 = scf.for %scan3A_64 = %scan3A_50 to %scan3A_52 step %scan3A_53 iter_args(%scan3A_65 = %scan3A_49) -> (i32)  : i32 {
            %mul3A_66 = arith.constant 4 : i32
            %mul3A_67 = arith.muli %scan3A_47, %mul3A_66 : i32
            %add3A = arith.addi %mul3A_67, %scan3A_64 : i32
            %dma_start3A = arith.constant 0 : i32
            %dma_start3A_68 = tpu.memref_slice %arg6[%add3A, %dma_start3A] : memref<16x128xi32, #tpu.memory_space<vmem>> -> memref<1x128xi32, #tpu.memory_space<vmem>>
            %dma_start3A_69 = tpu.memref_squeeze %dma_start3A_68 : memref<1x128xi32, #tpu.memory_space<vmem>> -> memref<128xi32, #tpu.memory_space<vmem>>
            %dma_start3A_70 = arith.constant 0 : i32
            %dma_start3A_71 = arith.constant 0 : i32
            %dma_start3A_72 = tpu.memref_slice %arg8[%dma_start3A_70, %dma_start3A_71] : memref<10240x128xf32, #tpu.memory_space<vmem_shared>> -> memref<10240x128xf32, #tpu.memory_space<vmem_shared>>
            tpu.enqueue_indirect_dma source(%arg7 : memref<128x128xf32, #tpu.memory_space<vmem>>) target(%dma_start3A_72 : memref<10240x128xf32, #tpu.memory_space<vmem_shared>>) offsets(%dma_start3A_69 : memref<128xi32, #tpu.memory_space<vmem>>) semaphore(%arg9 : memref<!tpu.dma_semaphore, #tpu.memory_space<semaphore_mem>>) {add = true}
            %scan3A_73 = arith.constant 0 : i32
            scf.yield %scan3A_73 : i32
          }
          %scan3A_55 = arith.constant 4 : i32
          %scan3A_56 = arith.constant 0 : i32
          %scan3A_57 = arith.constant 0 : i32
          %scan3A_58 = arith.constant 4 : i32
          %scan3A_59 = arith.addi %scan3A_57, %scan3A_58 : i32
          %scan3A_60 = arith.constant 1 : i32
          %scan3A_61 = scf.for %scan3A_64 = %scan3A_57 to %scan3A_59 step %scan3A_60 iter_args(%scan3A_65 = %scan3A_56) -> (i32)  : i32 {
            %mul3A_66 = arith.constant 4 : i32
            %mul3A_67 = arith.muli %scan3A_47, %mul3A_66 : i32
            %add3A = arith.addi %mul3A_67, %scan3A_64 : i32
            %dma_wait3A = arith.constant 0 : i32
            %dma_wait3A_68 = tpu.memref_slice %arg6[%add3A, %dma_wait3A] : memref<16x128xi32, #tpu.memory_space<vmem>> -> memref<1x128xi32, #tpu.memory_space<vmem>>
            %dma_wait3A_69 = tpu.memref_squeeze %dma_wait3A_68 : memref<1x128xi32, #tpu.memory_space<vmem>> -> memref<128xi32, #tpu.memory_space<vmem>>
            %dma_wait3A_70 = arith.constant 0 : i32
            %dma_wait3A_71 = arith.constant 0 : i32
            %dma_wait3A_72 = tpu.memref_slice %arg8[%dma_wait3A_70, %dma_wait3A_71] : memref<10240x128xf32, #tpu.memory_space<vmem_shared>> -> memref<10240x128xf32, #tpu.memory_space<vmem_shared>>
            tpu.wait_indirect_dma semaphore(%arg9 : memref<!tpu.dma_semaphore, #tpu.memory_space<semaphore_mem>>) src(%arg7 : memref<128x128xf32, #tpu.memory_space<vmem>>) dst(%dma_wait3A_72 : memref<10240x128xf32, #tpu.memory_space<vmem_shared>>)
            %scan3A_73 = arith.constant 0 : i32
            scf.yield %scan3A_73 : i32
          }
          %scan3A_62 = arith.constant 4 : i32
          %scan3A_63 = arith.constant 0 : i32
          scf.yield %scan3A_63 : i32
        }
        %scan3A_45 = arith.constant 4 : i32
        %scan3A_46 = arith.constant 0 : i32
        scf.yield %scan3A_46 : i32
      }
      %scan3A_27 = arith.constant 5 : i32
      %barrier3A_28 = arith.constant 0 : index
      tpu.barrier barrier_id(%barrier3A_28)
      %scan3A_29 = arith.constant 0 : i32
      %scan3A_30 = arith.constant 0 : i32
      %scan3A_31 = arith.constant 5 : i32
      %scan3A_32 = arith.addi %scan3A_30, %scan3A_31 : i32
      %scan3A_33 = arith.constant 1 : i32
      %scan3A_34 = scf.for %scan3A_36 = %scan3A_30 to %scan3A_32 step %scan3A_33 iter_args(%scan3A_37 = %scan3A_29) -> (i32)  : i32 {
        %mul3A = arith.constant 640 : i32
        %mul3A_38 = arith.muli %arg1, %mul3A : i32
        %mul3A_39 = arith.constant 128 : i32
        %mul3A_40 = arith.muli %scan3A_36, %mul3A_39 : i32
        %add3A = arith.addi %mul3A_38, %mul3A_40 : i32
        "tpu.region"() ({
          %run_scoped3A = tpu.sem_alloc : memref<!tpu.dma_semaphore, #tpu.memory_space<semaphore_mem>>
          %dma_start3A = arith.constant 0 : i32
          %dma_start3A_42 = tpu.memref_slice %arg8[%add3A, %dma_start3A] : memref<10240x128xf32, #tpu.memory_space<vmem_shared>> -> memref<128x128xf32, #tpu.memory_space<vmem_shared>>
          %dma_start3A_43 = arith.constant 0 : i32
          %dma_start3A_44 = tpu.memref_slice %arg8[%add3A, %dma_start3A_43] : memref<10240x128xf32, #tpu.memory_space<vmem_shared>> -> memref<128x128xf32, #tpu.memory_space<vmem_shared>>
          tpu.enqueue_dma source(%dma_start3A_44 : memref<128x128xf32, #tpu.memory_space<vmem_shared>>) target(%arg7 : memref<128x128xf32, #tpu.memory_space<vmem>>) target_semaphore(%run_scoped3A : memref<!tpu.dma_semaphore, #tpu.memory_space<semaphore_mem>>)
          %dma_wait3A = arith.constant 0 : i32
          %dma_wait3A_45 = tpu.memref_slice %arg8[%add3A, %dma_wait3A] : memref<10240x128xf32, #tpu.memory_space<vmem_shared>> -> memref<128x128xf32, #tpu.memory_space<vmem_shared>>
          %dma_wait3A_46 = arith.constant 0 : i32
          %dma_wait3A_47 = tpu.memref_slice %arg8[%add3A, %dma_wait3A_46] : memref<10240x128xf32, #tpu.memory_space<vmem_shared>> -> memref<128x128xf32, #tpu.memory_space<vmem_shared>>
          tpu.wait_dma2 semaphore(%run_scoped3A : memref<!tpu.dma_semaphore, #tpu.memory_space<semaphore_mem>>) src(%dma_wait3A_47 : memref<128x128xf32, #tpu.memory_space<vmem_shared>>) dst(%arg7 : memref<128x128xf32, #tpu.memory_space<vmem>>)
          tpu.yield
        }) : () -> ()
        "tpu.region"() ({
          %run_scoped3A = tpu.sem_alloc : memref<!tpu.dma_semaphore, #tpu.memory_space<semaphore_mem>>
          %dma_start3A = arith.constant 0 : i32
          %dma_start3A_42 = tpu.memref_slice %arg4[%add3A, %dma_start3A] : memref<10240x128xf32, #tpu.memory_space<hbm>> -> memref<128x128xf32, #tpu.memory_space<hbm>>
          %dma_start3A_43 = arith.constant 0 : i32
          %dma_start3A_44 = tpu.memref_slice %arg4[%add3A, %dma_start3A_43] : memref<10240x128xf32, #tpu.memory_space<hbm>> -> memref<128x128xf32, #tpu.memory_space<hbm>>
          tpu.enqueue_dma source(%arg7 : memref<128x128xf32, #tpu.memory_space<vmem>>) target(%dma_start3A_44 : memref<128x128xf32, #tpu.memory_space<hbm>>) target_semaphore(%run_scoped3A : memref<!tpu.dma_semaphore, #tpu.memory_space<semaphore_mem>>)
          %dma_wait3A = arith.constant 0 : i32
          %dma_wait3A_45 = tpu.memref_slice %arg4[%add3A, %dma_wait3A] : memref<10240x128xf32, #tpu.memory_space<hbm>> -> memref<128x128xf32, #tpu.memory_space<hbm>>
          %dma_wait3A_46 = arith.constant 0 : i32
          %dma_wait3A_47 = tpu.memref_slice %arg4[%add3A, %dma_wait3A_46] : memref<10240x128xf32, #tpu.memory_space<hbm>> -> memref<128x128xf32, #tpu.memory_space<hbm>>
          tpu.wait_dma2 semaphore(%run_scoped3A : memref<!tpu.dma_semaphore, #tpu.memory_space<semaphore_mem>>) src(%arg7 : memref<128x128xf32, #tpu.memory_space<vmem>>) dst(%dma_wait3A_47 : memref<128x128xf32, #tpu.memory_space<hbm>>)
          tpu.yield
        }) : () -> ()
        %scan3A_41 = arith.constant 0 : i32
        scf.yield %scan3A_41 : i32
      }
      %scan3A_35 = arith.constant 5 : i32
    } else {
    }
    %eq3A_9 = arith.constant 1 : i32
    %eq3A_10 = arith.cmpi eq, %arg0, %eq3A_9 : i32
    %convert_element_type3A_11 = arith.extui %eq3A_10 : i1 to i32
    %cond3A_12 = arith.constant 0 : i32
    %cond3A_13 = arith.cmpi ne, %convert_element_type3A_11, %cond3A_12 : i32
    scf.if %cond3A_13 {
      %scan3A_14 = arith.constant 0 : i32
      %scan3A_15 = arith.constant 0 : i32
      %scan3A_16 = arith.constant 5 : i32
      %scan3A_17 = arith.addi %scan3A_15, %scan3A_16 : i32
      %scan3A_18 = arith.constant 1 : i32
      %scan3A_19 = scf.for %scan3A_36 = %scan3A_15 to %scan3A_17 step %scan3A_18 iter_args(%scan3A_37 = %scan3A_14) -> (i32)  : i32 {
        %mul3A = arith.constant 640 : i32
        %mul3A_38 = arith.muli %arg1, %mul3A : i32
        %mul3A_39 = arith.constant 128 : i32
        %mul3A_40 = arith.muli %scan3A_36, %mul3A_39 : i32
        %add3A = arith.addi %mul3A_38, %mul3A_40 : i32
        "tpu.region"() ({
          %run_scoped3A = tpu.sem_alloc : memref<!tpu.dma_semaphore, #tpu.memory_space<semaphore_mem>>
          %dma_start3A = arith.constant 0 : i32
          %dma_start3A_42 = tpu.memref_slice %arg8[%add3A, %dma_start3A] : memref<10240x128xf32, #tpu.memory_space<vmem_shared>> -> memref<128x128xf32, #tpu.memory_space<vmem_shared>>
          %dma_start3A_43 = arith.constant 0 : i32
          %dma_start3A_44 = tpu.memref_slice %arg8[%add3A, %dma_start3A_43] : memref<10240x128xf32, #tpu.memory_space<vmem_shared>> -> memref<128x128xf32, #tpu.memory_space<vmem_shared>>
          tpu.enqueue_dma source(%arg7 : memref<128x128xf32, #tpu.memory_space<vmem>>) target(%dma_start3A_44 : memref<128x128xf32, #tpu.memory_space<vmem_shared>>) target_semaphore(%run_scoped3A : memref<!tpu.dma_semaphore, #tpu.memory_space<semaphore_mem>>)
          %dma_wait3A = arith.constant 0 : i32
          %dma_wait3A_45 = tpu.memref_slice %arg8[%add3A, %dma_wait3A] : memref<10240x128xf32, #tpu.memory_space<vmem_shared>> -> memref<128x128xf32, #tpu.memory_space<vmem_shared>>
          %dma_wait3A_46 = arith.constant 0 : i32
          %dma_wait3A_47 = tpu.memref_slice %arg8[%add3A, %dma_wait3A_46] : memref<10240x128xf32, #tpu.memory_space<vmem_shared>> -> memref<128x128xf32, #tpu.memory_space<vmem_shared>>
          tpu.wait_dma2 semaphore(%run_scoped3A : memref<!tpu.dma_semaphore, #tpu.memory_space<semaphore_mem>>) src(%arg7 : memref<128x128xf32, #tpu.memory_space<vmem>>) dst(%dma_wait3A_47 : memref<128x128xf32, #tpu.memory_space<vmem_shared>>)
          tpu.yield
        }) : () -> ()
        %scan3A_41 = arith.constant 0 : i32
        scf.yield %scan3A_41 : i32
      }
      %scan3A_20 = arith.constant 5 : i32
      %barrier3A = arith.constant 0 : index
      tpu.barrier barrier_id(%barrier3A)
      %scan3A_21 = arith.constant 0 : i32
      %scan3A_22 = arith.constant 0 : i32
      %scan3A_23 = arith.constant 5 : i32
      %scan3A_24 = arith.addi %scan3A_22, %scan3A_23 : i32
      %scan3A_25 = arith.constant 1 : i32
      %scan3A_26 = scf.for %scan3A_36 = %scan3A_22 to %scan3A_24 step %scan3A_25 iter_args(%scan3A_37 = %scan3A_21) -> (i32)  : i32 {
        %mul3A = arith.constant 16 : i32
        %mul3A_38 = arith.muli %scan3A_36, %mul3A : i32
        "tpu.region"() ({
          %run_scoped3A = tpu.sem_alloc : memref<!tpu.dma_semaphore, #tpu.memory_space<semaphore_mem>>
          %dma_start3A = arith.constant 0 : i32
          %dma_start3A_47 = tpu.memref_slice %arg3[%arg1, %mul3A_38, %dma_start3A] : memref<16x80x128xi32, #tpu.memory_space<hbm>> -> memref<1x16x128xi32, #tpu.memory_space<hbm>>
          %dma_start3A_48 = tpu.memref_squeeze %dma_start3A_47 : memref<1x16x128xi32, #tpu.memory_space<hbm>> -> memref<16x128xi32, #tpu.memory_space<hbm>>
          %dma_start3A_49 = arith.constant 0 : i32
          %dma_start3A_50 = tpu.memref_slice %arg3[%arg1, %mul3A_38, %dma_start3A_49] : memref<16x80x128xi32, #tpu.memory_space<hbm>> -> memref<1x16x128xi32, #tpu.memory_space<hbm>>
          %dma_start3A_51 = tpu.memref_squeeze %dma_start3A_50 : memref<1x16x128xi32, #tpu.memory_space<hbm>> -> memref<16x128xi32, #tpu.memory_space<hbm>>
          tpu.enqueue_dma source(%dma_start3A_51 : memref<16x128xi32, #tpu.memory_space<hbm>>) target(%arg6 : memref<16x128xi32, #tpu.memory_space<vmem>>) target_semaphore(%run_scoped3A : memref<!tpu.dma_semaphore, #tpu.memory_space<semaphore_mem>>)
          %dma_wait3A = arith.constant 0 : i32
          %dma_wait3A_52 = tpu.memref_slice %arg3[%arg1, %mul3A_38, %dma_wait3A] : memref<16x80x128xi32, #tpu.memory_space<hbm>> -> memref<1x16x128xi32, #tpu.memory_space<hbm>>
          %dma_wait3A_53 = tpu.memref_squeeze %dma_wait3A_52 : memref<1x16x128xi32, #tpu.memory_space<hbm>> -> memref<16x128xi32, #tpu.memory_space<hbm>>
          %dma_wait3A_54 = arith.constant 0 : i32
          %dma_wait3A_55 = tpu.memref_slice %arg3[%arg1, %mul3A_38, %dma_wait3A_54] : memref<16x80x128xi32, #tpu.memory_space<hbm>> -> memref<1x16x128xi32, #tpu.memory_space<hbm>>
          %dma_wait3A_56 = tpu.memref_squeeze %dma_wait3A_55 : memref<1x16x128xi32, #tpu.memory_space<hbm>> -> memref<16x128xi32, #tpu.memory_space<hbm>>
          tpu.wait_dma2 semaphore(%run_scoped3A : memref<!tpu.dma_semaphore, #tpu.memory_space<semaphore_mem>>) src(%dma_wait3A_56 : memref<16x128xi32, #tpu.memory_space<hbm>>) dst(%arg6 : memref<16x128xi32, #tpu.memory_space<vmem>>)
          tpu.yield
        }) : () -> ()
        %scan3A_39 = arith.constant 0 : i32
        %scan3A_40 = arith.constant 0 : i32
        %scan3A_41 = arith.constant 4 : i32
        %scan3A_42 = arith.addi %scan3A_40, %scan3A_41 : i32
        %scan3A_43 = arith.constant 1 : i32
        %scan3A_44 = scf.for %scan3A_47 = %scan3A_40 to %scan3A_42 step %scan3A_43 iter_args(%scan3A_48 = %scan3A_39) -> (i32)  : i32 {
          %scan3A_49 = arith.constant 0 : i32
          %scan3A_50 = arith.constant 0 : i32
          %scan3A_51 = arith.constant 4 : i32
          %scan3A_52 = arith.addi %scan3A_50, %scan3A_51 : i32
          %scan3A_53 = arith.constant 1 : i32
          %scan3A_54 = scf.for %scan3A_64 = %scan3A_50 to %scan3A_52 step %scan3A_53 iter_args(%scan3A_65 = %scan3A_49) -> (i32)  : i32 {
            %mul3A_66 = arith.constant 4 : i32
            %mul3A_67 = arith.muli %scan3A_47, %mul3A_66 : i32
            %add3A = arith.addi %mul3A_67, %scan3A_64 : i32
            %dma_start3A = arith.constant 0 : i32
            %dma_start3A_68 = tpu.memref_slice %arg6[%add3A, %dma_start3A] : memref<16x128xi32, #tpu.memory_space<vmem>> -> memref<1x128xi32, #tpu.memory_space<vmem>>
            %dma_start3A_69 = tpu.memref_squeeze %dma_start3A_68 : memref<1x128xi32, #tpu.memory_space<vmem>> -> memref<128xi32, #tpu.memory_space<vmem>>
            %dma_start3A_70 = arith.constant 0 : i32
            %dma_start3A_71 = arith.constant 0 : i32
            %dma_start3A_72 = tpu.memref_slice %arg8[%dma_start3A_70, %dma_start3A_71] : memref<10240x128xf32, #tpu.memory_space<vmem_shared>> -> memref<10240x128xf32, #tpu.memory_space<vmem_shared>>
            tpu.enqueue_indirect_dma source(%arg7 : memref<128x128xf32, #tpu.memory_space<vmem>>) target(%dma_start3A_72 : memref<10240x128xf32, #tpu.memory_space<vmem_shared>>) offsets(%dma_start3A_69 : memref<128xi32, #tpu.memory_space<vmem>>) semaphore(%arg9 : memref<!tpu.dma_semaphore, #tpu.memory_space<semaphore_mem>>) {add = true}
            %scan3A_73 = arith.constant 0 : i32
            scf.yield %scan3A_73 : i32
          }
          %scan3A_55 = arith.constant 4 : i32
          %scan3A_56 = arith.constant 0 : i32
          %scan3A_57 = arith.constant 0 : i32
          %scan3A_58 = arith.constant 4 : i32
          %scan3A_59 = arith.addi %scan3A_57, %scan3A_58 : i32
          %scan3A_60 = arith.constant 1 : i32
          %scan3A_61 = scf.for %scan3A_64 = %scan3A_57 to %scan3A_59 step %scan3A_60 iter_args(%scan3A_65 = %scan3A_56) -> (i32)  : i32 {
            %mul3A_66 = arith.constant 4 : i32
            %mul3A_67 = arith.muli %scan3A_47, %mul3A_66 : i32
            %add3A = arith.addi %mul3A_67, %scan3A_64 : i32
            %dma_wait3A = arith.constant 0 : i32
            %dma_wait3A_68 = tpu.memref_slice %arg6[%add3A, %dma_wait3A] : memref<16x128xi32, #tpu.memory_space<vmem>> -> memref<1x128xi32, #tpu.memory_space<vmem>>
            %dma_wait3A_69 = tpu.memref_squeeze %dma_wait3A_68 : memref<1x128xi32, #tpu.memory_space<vmem>> -> memref<128xi32, #tpu.memory_space<vmem>>
            %dma_wait3A_70 = arith.constant 0 : i32
            %dma_wait3A_71 = arith.constant 0 : i32
            %dma_wait3A_72 = tpu.memref_slice %arg8[%dma_wait3A_70, %dma_wait3A_71] : memref<10240x128xf32, #tpu.memory_space<vmem_shared>> -> memref<10240x128xf32, #tpu.memory_space<vmem_shared>>
            tpu.wait_indirect_dma semaphore(%arg9 : memref<!tpu.dma_semaphore, #tpu.memory_space<semaphore_mem>>) src(%arg7 : memref<128x128xf32, #tpu.memory_space<vmem>>) dst(%dma_wait3A_72 : memref<10240x128xf32, #tpu.memory_space<vmem_shared>>)
            %scan3A_73 = arith.constant 0 : i32
            scf.yield %scan3A_73 : i32
          }
          %scan3A_62 = arith.constant 4 : i32
          %scan3A_63 = arith.constant 0 : i32
          scf.yield %scan3A_63 : i32
        }
        %scan3A_45 = arith.constant 4 : i32
        %scan3A_46 = arith.constant 0 : i32
        scf.yield %scan3A_46 : i32
      }
      %scan3A_27 = arith.constant 5 : i32
      %barrier3A_28 = arith.constant 0 : index
      tpu.barrier barrier_id(%barrier3A_28)
      %scan3A_29 = arith.constant 0 : i32
      %scan3A_30 = arith.constant 0 : i32
      %scan3A_31 = arith.constant 5 : i32
      %scan3A_32 = arith.addi %scan3A_30, %scan3A_31 : i32
      %scan3A_33 = arith.constant 1 : i32
      %scan3A_34 = scf.for %scan3A_36 = %scan3A_30 to %scan3A_32 step %scan3A_33 iter_args(%scan3A_37 = %scan3A_29) -> (i32)  : i32 {
        %mul3A = arith.constant 640 : i32
        %mul3A_38 = arith.muli %arg1, %mul3A : i32
        %mul3A_39 = arith.constant 128 : i32
        %mul3A_40 = arith.muli %scan3A_36, %mul3A_39 : i32
        %add3A = arith.addi %mul3A_38, %mul3A_40 : i32
        "tpu.region"() ({
          %run_scoped3A = tpu.sem_alloc : memref<!tpu.dma_semaphore, #tpu.memory_space<semaphore_mem>>
          %dma_start3A = arith.constant 0 : i32
          %dma_start3A_42 = tpu.memref_slice %arg8[%add3A, %dma_start3A] : memref<10240x128xf32, #tpu.memory_space<vmem_shared>> -> memref<128x128xf32, #tpu.memory_space<vmem_shared>>
          %dma_start3A_43 = arith.constant 0 : i32
          %dma_start3A_44 = tpu.memref_slice %arg8[%add3A, %dma_start3A_43] : memref<10240x128xf32, #tpu.memory_space<vmem_shared>> -> memref<128x128xf32, #tpu.memory_space<vmem_shared>>
          tpu.enqueue_dma source(%dma_start3A_44 : memref<128x128xf32, #tpu.memory_space<vmem_shared>>) target(%arg7 : memref<128x128xf32, #tpu.memory_space<vmem>>) target_semaphore(%run_scoped3A : memref<!tpu.dma_semaphore, #tpu.memory_space<semaphore_mem>>)
          %dma_wait3A = arith.constant 0 : i32
          %dma_wait3A_45 = tpu.memref_slice %arg8[%add3A, %dma_wait3A] : memref<10240x128xf32, #tpu.memory_space<vmem_shared>> -> memref<128x128xf32, #tpu.memory_space<vmem_shared>>
          %dma_wait3A_46 = arith.constant 0 : i32
          %dma_wait3A_47 = tpu.memref_slice %arg8[%add3A, %dma_wait3A_46] : memref<10240x128xf32, #tpu.memory_space<vmem_shared>> -> memref<128x128xf32, #tpu.memory_space<vmem_shared>>
          tpu.wait_dma2 semaphore(%run_scoped3A : memref<!tpu.dma_semaphore, #tpu.memory_space<semaphore_mem>>) src(%dma_wait3A_47 : memref<128x128xf32, #tpu.memory_space<vmem_shared>>) dst(%arg7 : memref<128x128xf32, #tpu.memory_space<vmem>>)
          tpu.yield
        }) : () -> ()
        "tpu.region"() ({
          %run_scoped3A = tpu.sem_alloc : memref<!tpu.dma_semaphore, #tpu.memory_space<semaphore_mem>>
          %dma_start3A = arith.constant 0 : i32
          %dma_start3A_42 = tpu.memref_slice %arg5[%add3A, %dma_start3A] : memref<10240x128xf32, #tpu.memory_space<hbm>> -> memref<128x128xf32, #tpu.memory_space<hbm>>
          %dma_start3A_43 = arith.constant 0 : i32
          %dma_start3A_44 = tpu.memref_slice %arg5[%add3A, %dma_start3A_43] : memref<10240x128xf32, #tpu.memory_space<hbm>> -> memref<128x128xf32, #tpu.memory_space<hbm>>
          tpu.enqueue_dma source(%arg7 : memref<128x128xf32, #tpu.memory_space<vmem>>) target(%dma_start3A_44 : memref<128x128xf32, #tpu.memory_space<hbm>>) target_semaphore(%run_scoped3A : memref<!tpu.dma_semaphore, #tpu.memory_space<semaphore_mem>>)
          %dma_wait3A = arith.constant 0 : i32
          %dma_wait3A_45 = tpu.memref_slice %arg5[%add3A, %dma_wait3A] : memref<10240x128xf32, #tpu.memory_space<hbm>> -> memref<128x128xf32, #tpu.memory_space<hbm>>
          %dma_wait3A_46 = arith.constant 0 : i32
          %dma_wait3A_47 = tpu.memref_slice %arg5[%add3A, %dma_wait3A_46] : memref<10240x128xf32, #tpu.memory_space<hbm>> -> memref<128x128xf32, #tpu.memory_space<hbm>>
          tpu.wait_dma2 semaphore(%run_scoped3A : memref<!tpu.dma_semaphore, #tpu.memory_space<semaphore_mem>>) src(%arg7 : memref<128x128xf32, #tpu.memory_space<vmem>>) dst(%dma_wait3A_47 : memref<128x128xf32, #tpu.memory_space<hbm>>)
          tpu.yield
        }) : () -> ()
        %scan3A_41 = arith.constant 0 : i32
        scf.yield %scan3A_41 : i32
      }
      %scan3A_35 = arith.constant 5 : i32
    } else {
    }
    return
  }
}

module attributes {stable_mosaic.version = 14 : i64} {
  func.func @_tc1_body(%arg0: i32, %arg1: memref<1024x256xf32, #tpu.memory_space<vmem>>, %arg2: memref<1024x16xi32, #tpu.memory_space<vmem>>, %arg3: memref<1024x128xf32, #tpu.memory_space<vmem>>, %arg4: memref<256x8xf32, #tpu.memory_space<vmem>>, %arg5: memref<512x64xf32, #tpu.memory_space<vmem>>, %arg6: memref<1024x128xf32, #tpu.memory_space<vmem>>, %arg7: memref<1024x128xf32, #tpu.memory_space<vmem>>, %arg8: memref<1x64xf32, #tpu.memory_space<vmem>>, %arg9: memref<2x256xf32, #tpu.memory_space<vmem>>, %arg10: memref<2xf32, #tpu.memory_space<smem>>, %arg11: memref<2xf32, #tpu.memory_space<smem>>) attributes {dimension_semantics = [#tpu.dimension_semantics<arbitrary>], iteration_bounds = array<i64: 10>, scalar_prefetch = 0 : i64, scratch_operands = 3 : i64, tpu.core_type = #tpu.core_type<tc>, window_params = [{transform_indices = @transform_0, window_bounds = array<i64: 1024, 256>}, {transform_indices = @transform_1, window_bounds = array<i64: 1024, 16>}, {transform_indices = @transform_2, window_bounds = array<i64: 1024, 128>}, {pipeline_mode = #tpu.pipeline_mode<synchronous>, transform_indices = @transform_3, window_bounds = array<i64: 256, 8>}, {pipeline_mode = #tpu.pipeline_mode<synchronous>, transform_indices = @transform_4, window_bounds = array<i64: 512, 64>}, {transform_indices = @transform_5, window_bounds = array<i64: 1024, 128>}, {transform_indices = @transform_6, window_bounds = array<i64: 1024, 128>}, {pipeline_mode = #tpu.pipeline_mode<synchronous>, transform_indices = @transform_7, window_bounds = array<i64: 1, 64>}]} {
    %get3A = arith.constant 0 : index
    %get3A_0 = arith.constant 0 : index
    %get3A_1 = vector.load %arg1[%get3A, %get3A_0] : memref<1024x256xf32, #tpu.memory_space<vmem>>, vector<1024x256xf32>
    %get3A_2 = arith.constant 0 : index
    %get3A_3 = arith.constant 0 : index
    %get3A_4 = vector.load %arg3[%get3A_2, %get3A_3] : memref<1024x128xf32, #tpu.memory_space<vmem>>, vector<1024x1xf32>
    %rsqrt3A = math.rsqrt %get3A_4 : vector<1024x1xf32>
    %mul3A = vector.broadcast %rsqrt3A : vector<1024x1xf32> to vector<1024x256xf32>
    %mul3A_5 = arith.mulf %get3A_1, %mul3A : vector<1024x256xf32>
    %slice3A = vector.extract_strided_slice %mul3A_5 {offsets = [0, 0], sizes = [1024, 128], strides = [1, 1]} : vector<1024x256xf32> to vector<1024x128xf32>
    %swap3A = arith.constant 0 : index
    %swap3A_6 = arith.constant 0 : index
    %swap3A_7 = vector.load %arg6[%swap3A, %swap3A_6] : memref<1024x128xf32, #tpu.memory_space<vmem>>, vector<1024x128xf32>
    tpu.vector_store %arg6[%swap3A, %swap3A_6], %slice3A {strides = array<i32>} : memref<1024x128xf32, #tpu.memory_space<vmem>>, vector<1024x128xf32>,
    %slice3A_8 = vector.extract_strided_slice %mul3A_5 {offsets = [0, 128], sizes = [1024, 128], strides = [1, 1]} : vector<1024x256xf32> to vector<1024x128xf32>
    %swap3A_9 = arith.constant 0 : index
    %swap3A_10 = arith.constant 0 : index
    %swap3A_11 = vector.load %arg7[%swap3A_9, %swap3A_10] : memref<1024x128xf32, #tpu.memory_space<vmem>>, vector<1024x128xf32>
    tpu.vector_store %arg7[%swap3A_9, %swap3A_10], %slice3A_8 {strides = array<i32>} : memref<1024x128xf32, #tpu.memory_space<vmem>>, vector<1024x128xf32>,
    %get3A_12 = arith.constant 0 : index
    %get3A_13 = arith.constant 0 : index
    %get3A_14 = vector.load %arg4[%get3A_12, %get3A_13] : memref<256x8xf32, #tpu.memory_space<vmem>>, vector<256x8xf32>
    %dot_general3A = arith.constant dense<0.000000e+00> : vector<1024x8xf32>
    %dot_general3A_15 = tpu.matmul %get3A_1, %get3A_14, %dot_general3A {dimension_numbers = #tpu.dot_dimension_numbers<[1], [0], [0], [1], [0, 0, 1, 1], [], []>, transpose_lhs_hint = false} : vector<1024x256xf32>, vector<256x8xf32>, vector<1024x8xf32> -> vector<1024x8xf32>
    %slice3A_16 = vector.extract_strided_slice %dot_general3A_15 {offsets = [0, 0], sizes = [1024, 1], strides = [1, 1]} : vector<1024x8xf32> to vector<1024x1xf32>
    %get3A_17 = arith.constant 0 : index
    %get3A_18 = arith.constant 0 : index
    %get3A_19 = vector.load %arg2[%get3A_17, %get3A_18] : memref<1024x16xi32, #tpu.memory_space<vmem>>, vector<1024x1xi32>
    %eq3A = arith.constant 0 : i32
    %eq3A_20 = arith.cmpi eq, %arg0, %eq3A : i32
    %convert_element_type3A = arith.extui %eq3A_20 : i1 to i32
    %cond3A = arith.constant 0 : i32
    %cond3A_21 = arith.cmpi ne, %convert_element_type3A, %cond3A : i32
    scf.if %cond3A_21 {
      %swap3A_118 = arith.constant 0xFF800000 : f32
      %swap3A_119 = arith.constant 0 : index
      %swap3A_120 = memref.load %arg10[%swap3A_119] : memref<2xf32, #tpu.memory_space<smem>>
      memref.store %swap3A_118, %arg10[%swap3A_119] : memref<2xf32, #tpu.memory_space<smem>>
      %swap3A_121 = arith.constant 0xFF800000 : f32
      %swap3A_122 = arith.constant 1 : index
      %swap3A_123 = memref.load %arg10[%swap3A_122] : memref<2xf32, #tpu.memory_space<smem>>
      memref.store %swap3A_121, %arg10[%swap3A_122] : memref<2xf32, #tpu.memory_space<smem>>
      %swap3A_124 = arith.constant 0.000000e+00 : f32
      %swap3A_125 = arith.constant 0 : index
      %swap3A_126 = memref.load %arg11[%swap3A_125] : memref<2xf32, #tpu.memory_space<smem>>
      memref.store %swap3A_124, %arg11[%swap3A_125] : memref<2xf32, #tpu.memory_space<smem>>
      %swap3A_127 = arith.constant 0.000000e+00 : f32
      %swap3A_128 = arith.constant 1 : index
      %swap3A_129 = memref.load %arg11[%swap3A_128] : memref<2xf32, #tpu.memory_space<smem>>
      memref.store %swap3A_127, %arg11[%swap3A_128] : memref<2xf32, #tpu.memory_space<smem>>
      %broadcast_in_dim3A_130 = arith.constant 0.000000e+00 : f32
      %broadcast_in_dim3A_131 = vector.broadcast %broadcast_in_dim3A_130 : f32 to vector<2x256xf32>
      %swap3A_132 = arith.constant 0 : index
      %swap3A_133 = arith.constant 0 : index
      %swap3A_134 = vector.load %arg9[%swap3A_132, %swap3A_133] : memref<2x256xf32, #tpu.memory_space<vmem>>, vector<2x256xf32>
      tpu.vector_store %arg9[%swap3A_132, %swap3A_133], %broadcast_in_dim3A_131 {strides = array<i32>} : memref<2x256xf32, #tpu.memory_space<vmem>>, vector<2x256xf32>,
    } else {
    }
    %eq3A_22 = arith.constant 0 : i32
    %eq3A_23 = vector.broadcast %eq3A_22 : i32 to vector<1024x1xi32>
    %eq3A_24 = arith.cmpi eq, %get3A_19, %eq3A_23 : vector<1024x1xi32>
    %jit3A = arith.constant 0xFF800000 : f32
    %broadcast_in_dim3A = vector.broadcast %jit3A : f32 to vector<1024x1xf32>
    %select_n3A = arith.select %eq3A_24, %slice3A_16, %broadcast_in_dim3A : vector<1024x1xi1>, vector<1024x1xf32>
    %reduce_max3A = vector.shape_cast %select_n3A : vector<1024x1xf32> to vector<1x1024x1xf32>
    %reduce_max3A_25 = arith.constant dense<0xFF800000> : vector<1xf32>
    %reduce_max3A_26 = vector.multi_reduction <maximumf>, %reduce_max3A, %reduce_max3A_25 [1, 2] : vector<1x1024x1xf32> to vector<1xf32>
    %reduce_max3A_27 = vector.shape_cast %reduce_max3A_26 : vector<1xf32> to vector<1x1x1xf32>
    %reduce_max3A_28 = vector.extract %reduce_max3A_27[0, 0, 0] : f32 from vector<1x1x1xf32>
    %get3A_29 = arith.constant 0 : index
    %get3A_30 = memref.load %arg10[%get3A_29] : memref<2xf32, #tpu.memory_space<smem>>
    %max3A = arith.maximumf %get3A_30, %reduce_max3A_28 : f32
    %eq3A_31 = arith.constant 0xFF800000 : f32
    %eq3A_32 = arith.cmpf oeq, %get3A_30, %eq3A_31 : f32
    %sub3A = arith.subf %get3A_30, %max3A : f32
    %exp3A = math.exp %sub3A : f32
    %jit3A_33 = arith.constant 0.000000e+00 : f32
    %select_n3A_34 = arith.select %eq3A_32, %jit3A_33, %exp3A : f32
    %sub3A_35 = vector.broadcast %max3A : f32 to vector<1024x1xf32>
    %sub3A_36 = arith.subf %slice3A_16, %sub3A_35 : vector<1024x1xf32>
    %exp3A_37 = math.exp %sub3A_36 : vector<1024x1xf32>
    %jit3A_38 = arith.constant 0.000000e+00 : f32
    %broadcast_in_dim3A_39 = vector.broadcast %jit3A_38 : f32 to vector<1024x1xf32>
    %select_n3A_40 = arith.select %eq3A_24, %exp3A_37, %broadcast_in_dim3A_39 : vector<1024x1xi1>, vector<1024x1xf32>
    %get3A_41 = arith.constant 0 : index
    %get3A_42 = memref.load %arg11[%get3A_41] : memref<2xf32, #tpu.memory_space<smem>>
    %mul3A_43 = arith.mulf %get3A_42, %select_n3A_34 : f32
    %reduce_sum3A = vector.shape_cast %select_n3A_40 : vector<1024x1xf32> to vector<1x1024x1xf32>
    %reduce_sum3A_44 = arith.constant dense<0.000000e+00> : vector<1xf32>
    %reduce_sum3A_45 = vector.multi_reduction <add>, %reduce_sum3A, %reduce_sum3A_44 [1, 2] : vector<1x1024x1xf32> to vector<1xf32>
    %reduce_sum3A_46 = vector.shape_cast %reduce_sum3A_45 : vector<1xf32> to vector<1x1x1xf32>
    %reduce_sum3A_47 = vector.extract %reduce_sum3A_46[0, 0, 0] : f32 from vector<1x1x1xf32>
    %add3A = arith.addf %mul3A_43, %reduce_sum3A_47 : f32
    %swap3A_48 = arith.constant 0 : index
    %swap3A_49 = memref.load %arg11[%swap3A_48] : memref<2xf32, #tpu.memory_space<smem>>
    memref.store %add3A, %arg11[%swap3A_48] : memref<2xf32, #tpu.memory_space<smem>>
    %dot_general3A_50 = arith.constant dense<0.000000e+00> : vector<1x256xf32>
    %dot_general3A_51 = tpu.matmul %select_n3A_40, %get3A_1, %dot_general3A_50 {dimension_numbers = #tpu.dot_dimension_numbers<[0], [0], [1], [1], [0, 1, 1, 1], [], []>, transpose_lhs_hint = false} : vector<1024x1xf32>, vector<1024x256xf32>, vector<1x256xf32> -> vector<1x256xf32>
    %get3A_52 = arith.constant 0 : index
    %get3A_53 = arith.constant 0 : index
    %get3A_54 = vector.load %arg9[%get3A_52, %get3A_53] : memref<2x256xf32, #tpu.memory_space<vmem>>, vector<1x256xf32>
    %mul3A_55 = vector.broadcast %select_n3A_34 : f32 to vector<1x256xf32>
    %mul3A_56 = arith.mulf %get3A_54, %mul3A_55 : vector<1x256xf32>
    %add3A_57 = arith.addf %mul3A_56, %dot_general3A_51 : vector<1x256xf32>
    %swap3A_58 = arith.constant 0 : index
    %swap3A_59 = arith.constant 0 : index
    %swap3A_60 = vector.load %arg9[%swap3A_58, %swap3A_59] : memref<2x256xf32, #tpu.memory_space<vmem>>, vector<1x256xf32>
    tpu.vector_store %arg9[%swap3A_58, %swap3A_59], %add3A_57 {strides = array<i32>} : memref<2x256xf32, #tpu.memory_space<vmem>>, vector<1x256xf32>,
    %swap3A_61 = arith.constant 0 : index
    %swap3A_62 = memref.load %arg10[%swap3A_61] : memref<2xf32, #tpu.memory_space<smem>>
    memref.store %max3A, %arg10[%swap3A_61] : memref<2xf32, #tpu.memory_space<smem>>
    %eq3A_63 = arith.constant 1 : i32
    %eq3A_64 = vector.broadcast %eq3A_63 : i32 to vector<1024x1xi32>
    %eq3A_65 = arith.cmpi eq, %get3A_19, %eq3A_64 : vector<1024x1xi32>
    %jit3A_66 = arith.constant 0xFF800000 : f32
    %broadcast_in_dim3A_67 = vector.broadcast %jit3A_66 : f32 to vector<1024x1xf32>
    %select_n3A_68 = arith.select %eq3A_65, %slice3A_16, %broadcast_in_dim3A_67 : vector<1024x1xi1>, vector<1024x1xf32>
    %reduce_max3A_69 = vector.shape_cast %select_n3A_68 : vector<1024x1xf32> to vector<1x1024x1xf32>
    %reduce_max3A_70 = arith.constant dense<0xFF800000> : vector<1xf32>
    %reduce_max3A_71 = vector.multi_reduction <maximumf>, %reduce_max3A_69, %reduce_max3A_70 [1, 2] : vector<1x1024x1xf32> to vector<1xf32>
    %reduce_max3A_72 = vector.shape_cast %reduce_max3A_71 : vector<1xf32> to vector<1x1x1xf32>
    %reduce_max3A_73 = vector.extract %reduce_max3A_72[0, 0, 0] : f32 from vector<1x1x1xf32>
    %get3A_74 = arith.constant 1 : index
    %get3A_75 = memref.load %arg10[%get3A_74] : memref<2xf32, #tpu.memory_space<smem>>
    %max3A_76 = arith.maximumf %get3A_75, %reduce_max3A_73 : f32
    %eq3A_77 = arith.constant 0xFF800000 : f32
    %eq3A_78 = arith.cmpf oeq, %get3A_75, %eq3A_77 : f32
    %sub3A_79 = arith.subf %get3A_75, %max3A_76 : f32
    %exp3A_80 = math.exp %sub3A_79 : f32
    %jit3A_81 = arith.constant 0.000000e+00 : f32
    %select_n3A_82 = arith.select %eq3A_78, %jit3A_81, %exp3A_80 : f32
    %sub3A_83 = vector.broadcast %max3A_76 : f32 to vector<1024x1xf32>
    %sub3A_84 = arith.subf %slice3A_16, %sub3A_83 : vector<1024x1xf32>
    %exp3A_85 = math.exp %sub3A_84 : vector<1024x1xf32>
    %jit3A_86 = arith.constant 0.000000e+00 : f32
    %broadcast_in_dim3A_87 = vector.broadcast %jit3A_86 : f32 to vector<1024x1xf32>
    %select_n3A_88 = arith.select %eq3A_65, %exp3A_85, %broadcast_in_dim3A_87 : vector<1024x1xi1>, vector<1024x1xf32>
    %get3A_89 = arith.constant 1 : index
    %get3A_90 = memref.load %arg11[%get3A_89] : memref<2xf32, #tpu.memory_space<smem>>
    %mul3A_91 = arith.mulf %get3A_90, %select_n3A_82 : f32
    %reduce_sum3A_92 = vector.shape_cast %select_n3A_88 : vector<1024x1xf32> to vector<1x1024x1xf32>
    %reduce_sum3A_93 = arith.constant dense<0.000000e+00> : vector<1xf32>
    %reduce_sum3A_94 = vector.multi_reduction <add>, %reduce_sum3A_92, %reduce_sum3A_93 [1, 2] : vector<1x1024x1xf32> to vector<1xf32>
    %reduce_sum3A_95 = vector.shape_cast %reduce_sum3A_94 : vector<1xf32> to vector<1x1x1xf32>
    %reduce_sum3A_96 = vector.extract %reduce_sum3A_95[0, 0, 0] : f32 from vector<1x1x1xf32>
    %add3A_97 = arith.addf %mul3A_91, %reduce_sum3A_96 : f32
    %swap3A_98 = arith.constant 1 : index
    %swap3A_99 = memref.load %arg11[%swap3A_98] : memref<2xf32, #tpu.memory_space<smem>>
    memref.store %add3A_97, %arg11[%swap3A_98] : memref<2xf32, #tpu.memory_space<smem>>
    %dot_general3A_100 = arith.constant dense<0.000000e+00> : vector<1x256xf32>
    %dot_general3A_101 = tpu.matmul %select_n3A_88, %get3A_1, %dot_general3A_100 {dimension_numbers = #tpu.dot_dimension_numbers<[0], [0], [1], [1], [0, 1, 1, 1], [], []>, transpose_lhs_hint = false} : vector<1024x1xf32>, vector<1024x256xf32>, vector<1x256xf32> -> vector<1x256xf32>
    %get3A_102 = arith.constant 1 : index
    %get3A_103 = arith.constant 0 : index
    %get3A_104 = vector.load %arg9[%get3A_102, %get3A_103] : memref<2x256xf32, #tpu.memory_space<vmem>>, vector<1x256xf32>
    %mul3A_105 = vector.broadcast %select_n3A_82 : f32 to vector<1x256xf32>
    %mul3A_106 = arith.mulf %get3A_104, %mul3A_105 : vector<1x256xf32>
    %add3A_107 = arith.addf %mul3A_106, %dot_general3A_101 : vector<1x256xf32>
    %swap3A_108 = arith.constant 1 : index
    %swap3A_109 = arith.constant 0 : index
    %swap3A_110 = vector.load %arg9[%swap3A_108, %swap3A_109] : memref<2x256xf32, #tpu.memory_space<vmem>>, vector<1x256xf32>
    tpu.vector_store %arg9[%swap3A_108, %swap3A_109], %add3A_107 {strides = array<i32>} : memref<2x256xf32, #tpu.memory_space<vmem>>, vector<1x256xf32>,
    %swap3A_111 = arith.constant 1 : index
    %swap3A_112 = memref.load %arg10[%swap3A_111] : memref<2xf32, #tpu.memory_space<smem>>
    memref.store %max3A_76, %arg10[%swap3A_111] : memref<2xf32, #tpu.memory_space<smem>>
    %eq3A_113 = arith.constant 9 : i32
    %eq3A_114 = arith.cmpi eq, %arg0, %eq3A_113 : i32
    %convert_element_type3A_115 = arith.extui %eq3A_114 : i1 to i32
    %cond3A_116 = arith.constant 0 : i32
    %cond3A_117 = arith.cmpi ne, %convert_element_type3A_115, %cond3A_116 : i32
    scf.if %cond3A_117 {
      %get3A_118 = arith.constant 0 : index
      %get3A_119 = memref.load %arg11[%get3A_118] : memref<2xf32, #tpu.memory_space<smem>>
      %get3A_120 = arith.constant 1 : index
      %get3A_121 = memref.load %arg11[%get3A_120] : memref<2xf32, #tpu.memory_space<smem>>
      %gt3A = arith.constant 0.000000e+00 : f32
      %gt3A_122 = arith.cmpf ogt, %get3A_119, %gt3A : f32
      %get3A_123 = arith.constant 0 : index
      %get3A_124 = arith.constant 0 : index
      %get3A_125 = vector.load %arg9[%get3A_123, %get3A_124] : memref<2x256xf32, #tpu.memory_space<vmem>>, vector<1x256xf32>
      %div3A = vector.broadcast %get3A_119 : f32 to vector<1x256xf32>
      %div3A_126 = arith.divf %get3A_125, %div3A : vector<1x256xf32>
      %jit3A_127 = arith.constant 0.000000e+00 : f32
      %broadcast_in_dim3A_128 = vector.broadcast %jit3A_127 : f32 to vector<1x256xf32>
      %select_n3A_129 = arith.select %gt3A_122, %div3A_126, %broadcast_in_dim3A_128 : vector<1x256xf32>
      %gt3A_130 = arith.constant 0.000000e+00 : f32
      %gt3A_131 = arith.cmpf ogt, %get3A_121, %gt3A_130 : f32
      %get3A_132 = arith.constant 1 : index
      %get3A_133 = arith.constant 0 : index
      %get3A_134 = vector.load %arg9[%get3A_132, %get3A_133] : memref<2x256xf32, #tpu.memory_space<vmem>>, vector<1x256xf32>
      %div3A_135 = vector.broadcast %get3A_121 : f32 to vector<1x256xf32>
      %div3A_136 = arith.divf %get3A_134, %div3A_135 : vector<1x256xf32>
      %jit3A_137 = arith.constant 0.000000e+00 : f32
      %broadcast_in_dim3A_138 = vector.broadcast %jit3A_137 : f32 to vector<1x256xf32>
      %select_n3A_139 = arith.select %gt3A_131, %div3A_136, %broadcast_in_dim3A_138 : vector<1x256xf32>
      %concatenate3A = tpu.concatenate %select_n3A_129, %select_n3A_139 in 1 : vector<1x256xf32>, vector<1x256xf32> -> vector<1x512xf32>
      %get3A_140 = arith.constant 0 : index
      %get3A_141 = arith.constant 0 : index
      %get3A_142 = vector.load %arg5[%get3A_140, %get3A_141] : memref<512x64xf32, #tpu.memory_space<vmem>>, vector<512x64xf32>
      %dot_general3A_143 = arith.constant dense<0.000000e+00> : vector<1x64xf32>
      %dot_general3A_144 = tpu.matmul %concatenate3A, %get3A_142, %dot_general3A_143 {dimension_numbers = #tpu.dot_dimension_numbers<[1], [0], [0], [1], [0, 0, 1, 1], [], []>, transpose_lhs_hint = false} : vector<1x512xf32>, vector<512x64xf32>, vector<1x64xf32> -> vector<1x64xf32>
      %swap3A_145 = arith.constant 0 : index
      %swap3A_146 = arith.constant 0 : index
      %swap3A_147 = vector.load %arg8[%swap3A_145, %swap3A_146] : memref<1x64xf32, #tpu.memory_space<vmem>>, vector<1x64xf32>
      tpu.vector_store %arg8[%swap3A_145, %swap3A_146], %dot_general3A_144 {strides = array<i32>} : memref<1x64xf32, #tpu.memory_space<vmem>>, vector<1x64xf32>,
    } else {
    }
    return
  }
  func.func @transform_0(%arg0: i32) -> (i32, i32) {
    %c0_i32 = arith.constant 0 : i32
    %c0_i32_0 = arith.constant 0 : i32
    return %arg0, %c0_i32 : i32, i32
  }
  func.func @transform_1(%arg0: i32) -> (i32, i32) {
    %c0_i32 = arith.constant 0 : i32
    %c0_i32_0 = arith.constant 0 : i32
    return %arg0, %c0_i32 : i32, i32
  }
  func.func @transform_2(%arg0: i32) -> (i32, i32) {
    %c0_i32 = arith.constant 0 : i32
    %c0_i32_0 = arith.constant 0 : i32
    return %arg0, %c0_i32 : i32, i32
  }
  func.func @transform_3(%arg0: i32) -> (i32, i32) {
    %c0_i32 = arith.constant 0 : i32
    %c0_i32_0 = arith.constant 0 : i32
    %c0_i32_1 = arith.constant 0 : i32
    return %c0_i32, %c0_i32_0 : i32, i32
  }
  func.func @transform_4(%arg0: i32) -> (i32, i32) {
    %c0_i32 = arith.constant 0 : i32
    %c0_i32_0 = arith.constant 0 : i32
    %c0_i32_1 = arith.constant 0 : i32
    return %c0_i32, %c0_i32_0 : i32, i32
  }
  func.func @transform_5(%arg0: i32) -> (i32, i32) {
    %c0_i32 = arith.constant 0 : i32
    %c0_i32_0 = arith.constant 0 : i32
    return %arg0, %c0_i32 : i32, i32
  }
  func.func @transform_6(%arg0: i32) -> (i32, i32) {
    %c0_i32 = arith.constant 0 : i32
    %c0_i32_0 = arith.constant 0 : i32
    return %arg0, %c0_i32 : i32, i32
  }
  func.func @transform_7(%arg0: i32) -> (i32, i32) {
    %c0_i32 = arith.constant 0 : i32
    %c0_i32_0 = arith.constant 0 : i32
    %c0_i32_1 = arith.constant 0 : i32
    return %c0_i32, %c0_i32_0 : i32, i32
  }
}

module attributes {stable_mosaic.version = 14 : i64} {
  func.func @_tc2_body(%arg0: i32, %arg1: memref<1024x128xf32, #tpu.memory_space<vmem>>, %arg2: memref<1024x128xf32, #tpu.memory_space<vmem>>, %arg3: memref<1024x16xi32, #tpu.memory_space<vmem>>, %arg4: memref<1024x128xf32, #tpu.memory_space<vmem>>, %arg5: memref<256x512xf32, #tpu.memory_space<vmem>>, %arg6: memref<1x512xf32, #tpu.memory_space<vmem>>, %arg7: memref<512x8xf32, #tpu.memory_space<vmem>>, %arg8: memref<1024x64xf32, #tpu.memory_space<vmem>>, %arg9: memref<1x64xf32, #tpu.memory_space<vmem>>, %arg10: memref<1x64xf32, #tpu.memory_space<vmem>>, %arg11: memref<1x64xf32, #tpu.memory_space<vmem>>, %arg12: memref<2x512xf32, #tpu.memory_space<vmem>>, %arg13: memref<2xf32, #tpu.memory_space<smem>>, %arg14: memref<2xf32, #tpu.memory_space<smem>>) attributes {dimension_semantics = [#tpu.dimension_semantics<arbitrary>], iteration_bounds = array<i64: 10>, scalar_prefetch = 0 : i64, scratch_operands = 3 : i64, tpu.core_type = #tpu.core_type<tc>, window_params = [{transform_indices = @transform_0, window_bounds = array<i64: 1024, 128>}, {transform_indices = @transform_1, window_bounds = array<i64: 1024, 128>}, {transform_indices = @transform_2, window_bounds = array<i64: 1024, 16>}, {transform_indices = @transform_3, window_bounds = array<i64: 1024, 128>}, {pipeline_mode = #tpu.pipeline_mode<synchronous>, transform_indices = @transform_4, window_bounds = array<i64: 256, 512>}, {pipeline_mode = #tpu.pipeline_mode<synchronous>, transform_indices = @transform_5, window_bounds = array<i64: 1, 512>}, {pipeline_mode = #tpu.pipeline_mode<synchronous>, transform_indices = @transform_6, window_bounds = array<i64: 512, 8>}, {pipeline_mode = #tpu.pipeline_mode<synchronous>, transform_indices = @transform_7, window_bounds = array<i64: 1024, 64>}, {pipeline_mode = #tpu.pipeline_mode<synchronous>, transform_indices = @transform_8, window_bounds = array<i64: 1, 64>}, {pipeline_mode = #tpu.pipeline_mode<synchronous>, transform_indices = @transform_9, window_bounds = array<i64: 1, 64>}, {pipeline_mode = #tpu.pipeline_mode<synchronous>, transform_indices = @transform_10, window_bounds = array<i64: 1, 64>}]} {
    %get3A = arith.constant 0 : index
    %get3A_0 = arith.constant 0 : index
    %get3A_1 = vector.load %arg4[%get3A, %get3A_0] : memref<1024x128xf32, #tpu.memory_space<vmem>>, vector<1024x1xf32>
    %rsqrt3A = math.rsqrt %get3A_1 : vector<1024x1xf32>
    %get3A_2 = arith.constant 0 : index
    %get3A_3 = arith.constant 0 : index
    %get3A_4 = vector.load %arg1[%get3A_2, %get3A_3] : memref<1024x128xf32, #tpu.memory_space<vmem>>, vector<1024x128xf32>
    %mul3A = vector.broadcast %rsqrt3A : vector<1024x1xf32> to vector<1024x128xf32>
    %mul3A_5 = arith.mulf %get3A_4, %mul3A : vector<1024x128xf32>
    %get3A_6 = arith.constant 0 : index
    %get3A_7 = arith.constant 0 : index
    %get3A_8 = vector.load %arg2[%get3A_6, %get3A_7] : memref<1024x128xf32, #tpu.memory_space<vmem>>, vector<1024x128xf32>
    %mul3A_9 = vector.broadcast %rsqrt3A : vector<1024x1xf32> to vector<1024x128xf32>
    %mul3A_10 = arith.mulf %get3A_8, %mul3A_9 : vector<1024x128xf32>
    %get3A_11 = arith.constant 0 : index
    %get3A_12 = arith.constant 0 : index
    %get3A_13 = vector.load %arg5[%get3A_11, %get3A_12] : memref<256x512xf32, #tpu.memory_space<vmem>>, vector<128x512xf32>
    %dot_general3A = arith.constant dense<0.000000e+00> : vector<1024x512xf32>
    %dot_general3A_14 = tpu.matmul %mul3A_5, %get3A_13, %dot_general3A {dimension_numbers = #tpu.dot_dimension_numbers<[1], [0], [0], [1], [0, 0, 1, 1], [], []>, transpose_lhs_hint = false} : vector<1024x128xf32>, vector<128x512xf32>, vector<1024x512xf32> -> vector<1024x512xf32>
    %get3A_15 = arith.constant 128 : index
    %get3A_16 = arith.constant 0 : index
    %get3A_17 = vector.load %arg5[%get3A_15, %get3A_16] : memref<256x512xf32, #tpu.memory_space<vmem>>, vector<128x512xf32>
    %dot_general3A_18 = arith.constant dense<0.000000e+00> : vector<1024x512xf32>
    %dot_general3A_19 = tpu.matmul %mul3A_10, %get3A_17, %dot_general3A_18 {dimension_numbers = #tpu.dot_dimension_numbers<[1], [0], [0], [1], [0, 0, 1, 1], [], []>, transpose_lhs_hint = false} : vector<1024x128xf32>, vector<128x512xf32>, vector<1024x512xf32> -> vector<1024x512xf32>
    %add3A = arith.addf %dot_general3A_14, %dot_general3A_19 : vector<1024x512xf32>
    %get3A_20 = arith.constant 0 : index
    %get3A_21 = arith.constant 0 : index
    %get3A_22 = vector.load %arg6[%get3A_20, %get3A_21] : memref<1x512xf32, #tpu.memory_space<vmem>>, vector<1x512xf32>
    %add3A_23 = vector.broadcast %get3A_22 : vector<1x512xf32> to vector<1024x512xf32>
    %add3A_24 = arith.addf %add3A, %add3A_23 : vector<1024x512xf32>
    %max3A = arith.constant 0.000000e+00 : f32
    %max3A_25 = vector.broadcast %max3A : f32 to vector<1024x512xf32>
    %max3A_26 = arith.maximumf %add3A_24, %max3A_25 : vector<1024x512xf32>
    %get3A_27 = arith.constant 0 : index
    %get3A_28 = arith.constant 0 : index
    %get3A_29 = vector.load %arg7[%get3A_27, %get3A_28] : memref<512x8xf32, #tpu.memory_space<vmem>>, vector<512x8xf32>
    %dot_general3A_30 = arith.constant dense<0.000000e+00> : vector<1024x8xf32>
    %dot_general3A_31 = tpu.matmul %max3A_26, %get3A_29, %dot_general3A_30 {dimension_numbers = #tpu.dot_dimension_numbers<[1], [0], [0], [1], [0, 0, 1, 1], [], []>, transpose_lhs_hint = false} : vector<1024x512xf32>, vector<512x8xf32>, vector<1024x8xf32> -> vector<1024x8xf32>
    %slice3A = vector.extract_strided_slice %dot_general3A_31 {offsets = [0, 0], sizes = [1024, 1], strides = [1, 1]} : vector<1024x8xf32> to vector<1024x1xf32>
    %get3A_32 = arith.constant 0 : index
    %get3A_33 = arith.constant 0 : index
    %get3A_34 = vector.load %arg3[%get3A_32, %get3A_33] : memref<1024x16xi32, #tpu.memory_space<vmem>>, vector<1024x1xi32>
    %eq3A = arith.constant 0 : i32
    %eq3A_35 = arith.cmpi eq, %arg0, %eq3A : i32
    %convert_element_type3A = arith.extui %eq3A_35 : i1 to i32
    %cond3A = arith.constant 0 : i32
    %cond3A_36 = arith.cmpi ne, %convert_element_type3A, %cond3A : i32
    scf.if %cond3A_36 {
      %swap3A_134 = arith.constant 0xFF800000 : f32
      %swap3A_135 = arith.constant 0 : index
      %swap3A_136 = memref.load %arg13[%swap3A_135] : memref<2xf32, #tpu.memory_space<smem>>
      memref.store %swap3A_134, %arg13[%swap3A_135] : memref<2xf32, #tpu.memory_space<smem>>
      %swap3A_137 = arith.constant 0xFF800000 : f32
      %swap3A_138 = arith.constant 1 : index
      %swap3A_139 = memref.load %arg13[%swap3A_138] : memref<2xf32, #tpu.memory_space<smem>>
      memref.store %swap3A_137, %arg13[%swap3A_138] : memref<2xf32, #tpu.memory_space<smem>>
      %swap3A_140 = arith.constant 0.000000e+00 : f32
      %swap3A_141 = arith.constant 0 : index
      %swap3A_142 = memref.load %arg14[%swap3A_141] : memref<2xf32, #tpu.memory_space<smem>>
      memref.store %swap3A_140, %arg14[%swap3A_141] : memref<2xf32, #tpu.memory_space<smem>>
      %swap3A_143 = arith.constant 0.000000e+00 : f32
      %swap3A_144 = arith.constant 1 : index
      %swap3A_145 = memref.load %arg14[%swap3A_144] : memref<2xf32, #tpu.memory_space<smem>>
      memref.store %swap3A_143, %arg14[%swap3A_144] : memref<2xf32, #tpu.memory_space<smem>>
      %broadcast_in_dim3A_146 = arith.constant 0.000000e+00 : f32
      %broadcast_in_dim3A_147 = vector.broadcast %broadcast_in_dim3A_146 : f32 to vector<2x512xf32>
      %swap3A_148 = arith.constant 0 : index
      %swap3A_149 = arith.constant 0 : index
      %swap3A_150 = vector.load %arg12[%swap3A_148, %swap3A_149] : memref<2x512xf32, #tpu.memory_space<vmem>>, vector<2x512xf32>
      tpu.vector_store %arg12[%swap3A_148, %swap3A_149], %broadcast_in_dim3A_147 {strides = array<i32>} : memref<2x512xf32, #tpu.memory_space<vmem>>, vector<2x512xf32>,
    } else {
    }
    %eq3A_37 = arith.constant 0 : i32
    %eq3A_38 = vector.broadcast %eq3A_37 : i32 to vector<1024x1xi32>
    %eq3A_39 = arith.cmpi eq, %get3A_34, %eq3A_38 : vector<1024x1xi32>
    %jit3A = arith.constant 0xFF800000 : f32
    %broadcast_in_dim3A = vector.broadcast %jit3A : f32 to vector<1024x1xf32>
    %select_n3A = arith.select %eq3A_39, %slice3A, %broadcast_in_dim3A : vector<1024x1xi1>, vector<1024x1xf32>
    %reduce_max3A = vector.shape_cast %select_n3A : vector<1024x1xf32> to vector<1x1024x1xf32>
    %reduce_max3A_40 = arith.constant dense<0xFF800000> : vector<1xf32>
    %reduce_max3A_41 = vector.multi_reduction <maximumf>, %reduce_max3A, %reduce_max3A_40 [1, 2] : vector<1x1024x1xf32> to vector<1xf32>
    %reduce_max3A_42 = vector.shape_cast %reduce_max3A_41 : vector<1xf32> to vector<1x1x1xf32>
    %reduce_max3A_43 = vector.extract %reduce_max3A_42[0, 0, 0] : f32 from vector<1x1x1xf32>
    %get3A_44 = arith.constant 0 : index
    %get3A_45 = memref.load %arg13[%get3A_44] : memref<2xf32, #tpu.memory_space<smem>>
    %max3A_46 = arith.maximumf %get3A_45, %reduce_max3A_43 : f32
    %eq3A_47 = arith.constant 0xFF800000 : f32
    %eq3A_48 = arith.cmpf oeq, %get3A_45, %eq3A_47 : f32
    %sub3A = arith.subf %get3A_45, %max3A_46 : f32
    %exp3A = math.exp %sub3A : f32
    %jit3A_49 = arith.constant 0.000000e+00 : f32
    %select_n3A_50 = arith.select %eq3A_48, %jit3A_49, %exp3A : f32
    %sub3A_51 = vector.broadcast %max3A_46 : f32 to vector<1024x1xf32>
    %sub3A_52 = arith.subf %slice3A, %sub3A_51 : vector<1024x1xf32>
    %exp3A_53 = math.exp %sub3A_52 : vector<1024x1xf32>
    %jit3A_54 = arith.constant 0.000000e+00 : f32
    %broadcast_in_dim3A_55 = vector.broadcast %jit3A_54 : f32 to vector<1024x1xf32>
    %select_n3A_56 = arith.select %eq3A_39, %exp3A_53, %broadcast_in_dim3A_55 : vector<1024x1xi1>, vector<1024x1xf32>
    %get3A_57 = arith.constant 0 : index
    %get3A_58 = memref.load %arg14[%get3A_57] : memref<2xf32, #tpu.memory_space<smem>>
    %mul3A_59 = arith.mulf %get3A_58, %select_n3A_50 : f32
    %reduce_sum3A = vector.shape_cast %select_n3A_56 : vector<1024x1xf32> to vector<1x1024x1xf32>
    %reduce_sum3A_60 = arith.constant dense<0.000000e+00> : vector<1xf32>
    %reduce_sum3A_61 = vector.multi_reduction <add>, %reduce_sum3A, %reduce_sum3A_60 [1, 2] : vector<1x1024x1xf32> to vector<1xf32>
    %reduce_sum3A_62 = vector.shape_cast %reduce_sum3A_61 : vector<1xf32> to vector<1x1x1xf32>
    %reduce_sum3A_63 = vector.extract %reduce_sum3A_62[0, 0, 0] : f32 from vector<1x1x1xf32>
    %add3A_64 = arith.addf %mul3A_59, %reduce_sum3A_63 : f32
    %swap3A = arith.constant 0 : index
    %swap3A_65 = memref.load %arg14[%swap3A] : memref<2xf32, #tpu.memory_space<smem>>
    memref.store %add3A_64, %arg14[%swap3A] : memref<2xf32, #tpu.memory_space<smem>>
    %dot_general3A_66 = arith.constant dense<0.000000e+00> : vector<1x512xf32>
    %dot_general3A_67 = tpu.matmul %select_n3A_56, %max3A_26, %dot_general3A_66 {dimension_numbers = #tpu.dot_dimension_numbers<[0], [0], [1], [1], [0, 1, 1, 1], [], []>, transpose_lhs_hint = false} : vector<1024x1xf32>, vector<1024x512xf32>, vector<1x512xf32> -> vector<1x512xf32>
    %get3A_68 = arith.constant 0 : index
    %get3A_69 = arith.constant 0 : index
    %get3A_70 = vector.load %arg12[%get3A_68, %get3A_69] : memref<2x512xf32, #tpu.memory_space<vmem>>, vector<1x512xf32>
    %mul3A_71 = vector.broadcast %select_n3A_50 : f32 to vector<1x512xf32>
    %mul3A_72 = arith.mulf %get3A_70, %mul3A_71 : vector<1x512xf32>
    %add3A_73 = arith.addf %mul3A_72, %dot_general3A_67 : vector<1x512xf32>
    %swap3A_74 = arith.constant 0 : index
    %swap3A_75 = arith.constant 0 : index
    %swap3A_76 = vector.load %arg12[%swap3A_74, %swap3A_75] : memref<2x512xf32, #tpu.memory_space<vmem>>, vector<1x512xf32>
    tpu.vector_store %arg12[%swap3A_74, %swap3A_75], %add3A_73 {strides = array<i32>} : memref<2x512xf32, #tpu.memory_space<vmem>>, vector<1x512xf32>,
    %swap3A_77 = arith.constant 0 : index
    %swap3A_78 = memref.load %arg13[%swap3A_77] : memref<2xf32, #tpu.memory_space<smem>>
    memref.store %max3A_46, %arg13[%swap3A_77] : memref<2xf32, #tpu.memory_space<smem>>
    %eq3A_79 = arith.constant 1 : i32
    %eq3A_80 = vector.broadcast %eq3A_79 : i32 to vector<1024x1xi32>
    %eq3A_81 = arith.cmpi eq, %get3A_34, %eq3A_80 : vector<1024x1xi32>
    %jit3A_82 = arith.constant 0xFF800000 : f32
    %broadcast_in_dim3A_83 = vector.broadcast %jit3A_82 : f32 to vector<1024x1xf32>
    %select_n3A_84 = arith.select %eq3A_81, %slice3A, %broadcast_in_dim3A_83 : vector<1024x1xi1>, vector<1024x1xf32>
    %reduce_max3A_85 = vector.shape_cast %select_n3A_84 : vector<1024x1xf32> to vector<1x1024x1xf32>
    %reduce_max3A_86 = arith.constant dense<0xFF800000> : vector<1xf32>
    %reduce_max3A_87 = vector.multi_reduction <maximumf>, %reduce_max3A_85, %reduce_max3A_86 [1, 2] : vector<1x1024x1xf32> to vector<1xf32>
    %reduce_max3A_88 = vector.shape_cast %reduce_max3A_87 : vector<1xf32> to vector<1x1x1xf32>
    %reduce_max3A_89 = vector.extract %reduce_max3A_88[0, 0, 0] : f32 from vector<1x1x1xf32>
    %get3A_90 = arith.constant 1 : index
    %get3A_91 = memref.load %arg13[%get3A_90] : memref<2xf32, #tpu.memory_space<smem>>
    %max3A_92 = arith.maximumf %get3A_91, %reduce_max3A_89 : f32
    %eq3A_93 = arith.constant 0xFF800000 : f32
    %eq3A_94 = arith.cmpf oeq, %get3A_91, %eq3A_93 : f32
    %sub3A_95 = arith.subf %get3A_91, %max3A_92 : f32
    %exp3A_96 = math.exp %sub3A_95 : f32
    %jit3A_97 = arith.constant 0.000000e+00 : f32
    %select_n3A_98 = arith.select %eq3A_94, %jit3A_97, %exp3A_96 : f32
    %sub3A_99 = vector.broadcast %max3A_92 : f32 to vector<1024x1xf32>
    %sub3A_100 = arith.subf %slice3A, %sub3A_99 : vector<1024x1xf32>
    %exp3A_101 = math.exp %sub3A_100 : vector<1024x1xf32>
    %jit3A_102 = arith.constant 0.000000e+00 : f32
    %broadcast_in_dim3A_103 = vector.broadcast %jit3A_102 : f32 to vector<1024x1xf32>
    %select_n3A_104 = arith.select %eq3A_81, %exp3A_101, %broadcast_in_dim3A_103 : vector<1024x1xi1>, vector<1024x1xf32>
    %get3A_105 = arith.constant 1 : index
    %get3A_106 = memref.load %arg14[%get3A_105] : memref<2xf32, #tpu.memory_space<smem>>
    %mul3A_107 = arith.mulf %get3A_106, %select_n3A_98 : f32
    %reduce_sum3A_108 = vector.shape_cast %select_n3A_104 : vector<1024x1xf32> to vector<1x1024x1xf32>
    %reduce_sum3A_109 = arith.constant dense<0.000000e+00> : vector<1xf32>
    %reduce_sum3A_110 = vector.multi_reduction <add>, %reduce_sum3A_108, %reduce_sum3A_109 [1, 2] : vector<1x1024x1xf32> to vector<1xf32>
    %reduce_sum3A_111 = vector.shape_cast %reduce_sum3A_110 : vector<1xf32> to vector<1x1x1xf32>
    %reduce_sum3A_112 = vector.extract %reduce_sum3A_111[0, 0, 0] : f32 from vector<1x1x1xf32>
    %add3A_113 = arith.addf %mul3A_107, %reduce_sum3A_112 : f32
    %swap3A_114 = arith.constant 1 : index
    %swap3A_115 = memref.load %arg14[%swap3A_114] : memref<2xf32, #tpu.memory_space<smem>>
    memref.store %add3A_113, %arg14[%swap3A_114] : memref<2xf32, #tpu.memory_space<smem>>
    %dot_general3A_116 = arith.constant dense<0.000000e+00> : vector<1x512xf32>
    %dot_general3A_117 = tpu.matmul %select_n3A_104, %max3A_26, %dot_general3A_116 {dimension_numbers = #tpu.dot_dimension_numbers<[0], [0], [1], [1], [0, 1, 1, 1], [], []>, transpose_lhs_hint = false} : vector<1024x1xf32>, vector<1024x512xf32>, vector<1x512xf32> -> vector<1x512xf32>
    %get3A_118 = arith.constant 1 : index
    %get3A_119 = arith.constant 0 : index
    %get3A_120 = vector.load %arg12[%get3A_118, %get3A_119] : memref<2x512xf32, #tpu.memory_space<vmem>>, vector<1x512xf32>
    %mul3A_121 = vector.broadcast %select_n3A_98 : f32 to vector<1x512xf32>
    %mul3A_122 = arith.mulf %get3A_120, %mul3A_121 : vector<1x512xf32>
    %add3A_123 = arith.addf %mul3A_122, %dot_general3A_117 : vector<1x512xf32>
    %swap3A_124 = arith.constant 1 : index
    %swap3A_125 = arith.constant 0 : index
    %swap3A_126 = vector.load %arg12[%swap3A_124, %swap3A_125] : memref<2x512xf32, #tpu.memory_space<vmem>>, vector<1x512xf32>
    tpu.vector_store %arg12[%swap3A_124, %swap3A_125], %add3A_123 {strides = array<i32>} : memref<2x512xf32, #tpu.memory_space<vmem>>, vector<1x512xf32>,
    %swap3A_127 = arith.constant 1 : index
    %swap3A_128 = memref.load %arg13[%swap3A_127] : memref<2xf32, #tpu.memory_space<smem>>
    memref.store %max3A_92, %arg13[%swap3A_127] : memref<2xf32, #tpu.memory_space<smem>>
    %eq3A_129 = arith.constant 9 : i32
    %eq3A_130 = arith.cmpi eq, %arg0, %eq3A_129 : i32
    %convert_element_type3A_131 = arith.extui %eq3A_130 : i1 to i32
    %cond3A_132 = arith.constant 0 : i32
    %cond3A_133 = arith.cmpi ne, %convert_element_type3A_131, %cond3A_132 : i32
    scf.if %cond3A_133 {
      %get3A_134 = arith.constant 0 : index
      %get3A_135 = memref.load %arg14[%get3A_134] : memref<2xf32, #tpu.memory_space<smem>>
      %get3A_136 = arith.constant 1 : index
      %get3A_137 = memref.load %arg14[%get3A_136] : memref<2xf32, #tpu.memory_space<smem>>
      %gt3A = arith.constant 0.000000e+00 : f32
      %gt3A_138 = arith.cmpf ogt, %get3A_135, %gt3A : f32
      %get3A_139 = arith.constant 0 : index
      %get3A_140 = arith.constant 0 : index
      %get3A_141 = vector.load %arg12[%get3A_139, %get3A_140] : memref<2x512xf32, #tpu.memory_space<vmem>>, vector<1x512xf32>
      %div3A = vector.broadcast %get3A_135 : f32 to vector<1x512xf32>
      %div3A_142 = arith.divf %get3A_141, %div3A : vector<1x512xf32>
      %jit3A_143 = arith.constant 0.000000e+00 : f32
      %broadcast_in_dim3A_144 = vector.broadcast %jit3A_143 : f32 to vector<1x512xf32>
      %select_n3A_145 = arith.select %gt3A_138, %div3A_142, %broadcast_in_dim3A_144 : vector<1x512xf32>
      %gt3A_146 = arith.constant 0.000000e+00 : f32
      %gt3A_147 = arith.cmpf ogt, %get3A_137, %gt3A_146 : f32
      %get3A_148 = arith.constant 1 : index
      %get3A_149 = arith.constant 0 : index
      %get3A_150 = vector.load %arg12[%get3A_148, %get3A_149] : memref<2x512xf32, #tpu.memory_space<vmem>>, vector<1x512xf32>
      %div3A_151 = vector.broadcast %get3A_137 : f32 to vector<1x512xf32>
      %div3A_152 = arith.divf %get3A_150, %div3A_151 : vector<1x512xf32>
      %jit3A_153 = arith.constant 0.000000e+00 : f32
      %broadcast_in_dim3A_154 = vector.broadcast %jit3A_153 : f32 to vector<1x512xf32>
      %select_n3A_155 = arith.select %gt3A_147, %div3A_152, %broadcast_in_dim3A_154 : vector<1x512xf32>
      %concatenate3A = tpu.concatenate %select_n3A_145, %select_n3A_155 in 1 : vector<1x512xf32>, vector<1x512xf32> -> vector<1x1024xf32>
      %get3A_156 = arith.constant 0 : index
      %get3A_157 = arith.constant 0 : index
      %get3A_158 = vector.load %arg8[%get3A_156, %get3A_157] : memref<1024x64xf32, #tpu.memory_space<vmem>>, vector<1024x64xf32>
      %dot_general3A_159 = arith.constant dense<0.000000e+00> : vector<1x64xf32>
      %dot_general3A_160 = tpu.matmul %concatenate3A, %get3A_158, %dot_general3A_159 {dimension_numbers = #tpu.dot_dimension_numbers<[1], [0], [0], [1], [0, 0, 1, 1], [], []>, transpose_lhs_hint = false} : vector<1x1024xf32>, vector<1024x64xf32>, vector<1x64xf32> -> vector<1x64xf32>
      %get3A_161 = arith.constant 0 : index
      %get3A_162 = arith.constant 0 : index
      %get3A_163 = vector.load %arg9[%get3A_161, %get3A_162] : memref<1x64xf32, #tpu.memory_space<vmem>>, vector<1x64xf32>
      %add3A_164 = arith.addf %get3A_163, %dot_general3A_160 : vector<1x64xf32>
      %get3A_165 = arith.constant 0 : index
      %get3A_166 = arith.constant 0 : index
      %get3A_167 = vector.load %arg10[%get3A_165, %get3A_166] : memref<1x64xf32, #tpu.memory_space<vmem>>, vector<1x64xf32>
      %add3A_168 = arith.addf %add3A_164, %get3A_167 : vector<1x64xf32>
      %mul3A_169 = arith.constant 2.500000e-01 : f32
      %mul3A_170 = vector.broadcast %mul3A_169 : f32 to vector<1x64xf32>
      %mul3A_171 = arith.mulf %add3A_168, %mul3A_170 : vector<1x64xf32>
      %swap3A_172 = arith.constant 0 : index
      %swap3A_173 = arith.constant 0 : index
      %swap3A_174 = vector.load %arg11[%swap3A_172, %swap3A_173] : memref<1x64xf32, #tpu.memory_space<vmem>>, vector<1x64xf32>
      tpu.vector_store %arg11[%swap3A_172, %swap3A_173], %mul3A_171 {strides = array<i32>} : memref<1x64xf32, #tpu.memory_space<vmem>>, vector<1x64xf32>,
    } else {
    }
    return
  }
  func.func @transform_0(%arg0: i32) -> (i32, i32) {
    %c0_i32 = arith.constant 0 : i32
    %c0_i32_0 = arith.constant 0 : i32
    return %arg0, %c0_i32 : i32, i32
  }
  func.func @transform_1(%arg0: i32) -> (i32, i32) {
    %c0_i32 = arith.constant 0 : i32
    %c0_i32_0 = arith.constant 0 : i32
    return %arg0, %c0_i32 : i32, i32
  }
  func.func @transform_2(%arg0: i32) -> (i32, i32) {
    %c0_i32 = arith.constant 0 : i32
    %c0_i32_0 = arith.constant 0 : i32
    return %arg0, %c0_i32 : i32, i32
  }
  func.func @transform_3(%arg0: i32) -> (i32, i32) {
    %c0_i32 = arith.constant 0 : i32
    %c0_i32_0 = arith.constant 0 : i32
    return %arg0, %c0_i32 : i32, i32
  }
  func.func @transform_4(%arg0: i32) -> (i32, i32) {
    %c0_i32 = arith.constant 0 : i32
    %c0_i32_0 = arith.constant 0 : i32
    %c0_i32_1 = arith.constant 0 : i32
    return %c0_i32, %c0_i32_0 : i32, i32
  }
  func.func @transform_5(%arg0: i32) -> (i32, i32) {
    %c0_i32 = arith.constant 0 : i32
    %c0_i32_0 = arith.constant 0 : i32
    %c0_i32_1 = arith.constant 0 : i32
    return %c0_i32, %c0_i32_0 : i32, i32
  }
  func.func @transform_6(%arg0: i32) -> (i32, i32) {
    %c0_i32 = arith.constant 0 : i32
    %c0_i32_0 = arith.constant 0 : i32
    %c0_i32_1 = arith.constant 0 : i32
    return %c0_i32, %c0_i32_0 : i32, i32
  }
  func.func @transform_7(%arg0: i32) -> (i32, i32) {
    %c0_i32 = arith.constant 0 : i32
    %c0_i32_0 = arith.constant 0 : i32
    %c0_i32_1 = arith.constant 0 : i32
    return %c0_i32, %c0_i32_0 : i32, i32
  }
  func.func @transform_8(%arg0: i32) -> (i32, i32) {
    %c0_i32 = arith.constant 0 : i32
    %c0_i32_0 = arith.constant 0 : i32
    %c0_i32_1 = arith.constant 0 : i32
    return %c0_i32, %c0_i32_0 : i32, i32
  }
  func.func @transform_9(%arg0: i32) -> (i32, i32) {
    %c0_i32 = arith.constant 0 : i32
    %c0_i32_0 = arith.constant 0 : i32
    %c0_i32_1 = arith.constant 0 : i32
    return %c0_i32, %c0_i32_0 : i32, i32
  }
  func.func @transform_10(%arg0: i32) -> (i32, i32) {
    %c0_i32 = arith.constant 0 : i32
    %c0_i32_0 = arith.constant 0 : i32
    %c0_i32_1 = arith.constant 0 : i32
    return %c0_i32, %c0_i32_0 : i32, i32
  }
}

</mosaic_0001>

<sc_bundles>
// kernel: kernel.6.cloned.1.call-start
scs
__scs_entry_jumppad:
0x0: {  	(pc) =	sbr.rel $0x88, $3  }
0x1: {  	(tag) =	ssettag $0x0;
	lr =	simm.s32 $0x1  }
0x2: {  	[smem:$0x3F92] =	sst lr;
	_ =	strace $0xD0000000  }
0x3: {  	_ = 	snop  }
0x4: {  	_ = 	snop  }
0x5: {  	_ = 	snop  }
0x6: {  	_ = 	snop  }
0x7: {  	_ = 	snop  }
__scs_overlays_trampoline_lowered:
0x8: {  	[smem:$0x3FA1] =	sst s0  }
0x9: {  	[smem:$0x3FA2] =	sst s1  }
0xa: {  	[smem:$0x3FA3] =	sst s2  }
0xb: {  	[smem:$0x3FA4] =	sst s3  }
0xc: {  	[smem:$0x3FA5] =	sst s4  }
0xd: {  	[smem:$0x3FA6] =	sst s5  }
0xe: {  	[smem:$0x3FA7] =	sst s6  }
0xf: {  	[smem:$0x3FA8] =	sst s7  }
0x10: {  	[smem:$0x3FA9] =	sst s8  }
0x11: {  	[smem:$0x3FAA] =	sst s9;
	s0 =	simm.s32 @!p0 $0x0  }
0x12: {  	s1 =	sld [smem:$0x3F90];
	s0 =	simm.s32 @p0 $0x1  }
0x13: {  	[smem:$0x3FAB] =	sst s0;
	s0 =	simm.s32 @!p1 $0x0  }
0x14: {  	s2 =	sld [smem:$0x3F8F];
	s0 =	simm.s32 @p1 $0x1  }
0x15: {  	[smem:$0x3FAC] =	sst s0;
	s0 =	simm.s32 @!p2 $0x0  }
0x16: {  	s3 =	sld [smem:$0x3FDB];
	s0 =	simm.s32 @p2 $0x1  }
0x17: {  	s4 =	simm.s32 $0x1BF5;
	[smem:$0x3FAE] =	sst s0  }
0x18: {  	s0 =	sld [smem:$0x3F91];
	_ =	swait.ge [sflag:s4], $0x0  }
0x19: {  	s7 =	sld [smem:$0x3F92]  }
0x1a: {  	s8 =	sadd.s32 $0xFFFFE003, lr  }
0x1b: {  	s9 =	sadd.s32 $0xFFFFFEF7, lr;
	s5 =	simm.s32 $0xFFFFFFFF;
	p2 =	slt.u32 s8, $0xFFFFF086  }
0x1c: {  	p1 =	slt.u32 s9, $0xF7A;
	s5 =	simm.s32 @!p2 $0x0  }
0x1d: {  	s5 =	simm.s32 @p1 $0x1;
	p0 =	seq.s32 s7, s2  }
0x1e: {  	s7 =	smul.u32 @!p0 $0xF7A, s2;
	p2 =	seq.s32 @!p0 s5, $0x0  }
0x1f: {  	s9 =	smul.u32 $0xF7A, s1;
	s8 =	simm.s32 @!p0 $0x1BF5;
	p2 =	por !p2, p0  }
0x20: {  	[sflag:s8] =	ssyncset.s32 @!p0 $0xFFFFF086;
	s6 =	sadd.s32 @!p0 s3, s7;
	s7 =	simm.s32 @!p0 $0x108  }
0x21: {  	s3 =	sadd.s32 s3, s9;
	s6 =	sadd.s32 @!p0 $0x88, s6;
	s7 =	simm.s32 @p2 $0x1082  }
0x22: {  	[simem:s7], [sflag:s8] =	dma.local @!p0 [hbm:s6], $0xF7A  }
0x23: {  	s9 =	sor.u32 $0xD0000000, s2;
	s6 =	simm.s32 $0x108;
	_ =	swait.ge @!p0 [sflag:s8], $0x0  }
0x24: {  	s3 =	sadd.s32 $0x88, s3;
	s6 =	simm.s32 @!p1 $0x1082;
	[sflag:s4] =	ssyncset.s32 $0xFFFFF086  }
0x25: {  	[simem:s6], [sflag:s4] =	dma.local [hbm:s3], $0xF7A  }
0x26: {  	[smem:$0x3F92] =	sst s1;
	(tag) =	ssettag s2;
	_ =	strace s9  }
0x27: {  	s1 =	sld [smem:$0x3FA2]  }
0x28: {  	s2 =	sld [smem:$0x3FA3]  }
0x29: {  	s4 =	sld [smem:$0x3FA5]  }
0x2a: {  	p0 =	seq.s32 s5, $0x0;
	s5 =	sld [smem:$0x3FA6]  }
0x2b: {  	s6 =	sld [smem:$0x3FA7]  }
0x2c: {  	s7 =	sld [smem:$0x3FA8]  }
0x2d: {  	s3 =	simm.s32 $0x108;
	s8 =	sld [smem:$0x3FA9]  }
0x2e: {  	s3 =	simm.s32 @!p0 $0x1082;
	s9 =	sld [smem:$0x3FAA]  }
0x2f: {  	lr =	sadd.s32 s0, s3;
	s0 =	sld [smem:$0x3FA1]  }
0x30: {  	s3 =	sld [smem:$0x3FA4]  }
0x31: {  	[smem:$0x3FAD] =	sst s10  }
0x32: {  	s10 =	sld [smem:$0x3FAB];
	_ =	sdelay $0x3  }
0x33: {  	p0 =	seq.s32 s10, $0x1;
	s10 =	sld [smem:$0x3FAD];
	_ =	sdelay $0x3  }
0x34: {  	[smem:$0x3FAD] =	sst s10  }
0x35: {  	s10 =	sld [smem:$0x3FAC];
	_ =	sdelay $0x3  }
0x36: {  	p1 =	seq.s32 s10, $0x1;
	s10 =	sld [smem:$0x3FAD];
	_ =	sdelay $0x3  }
0x37: {  	[smem:$0x3FAD] =	sst s10  }
0x38: {  	s10 =	sld [smem:$0x3FAE]  }
0x39: {  	_ = 	snop;
	(pc) =	sbr.ind lr, $3  }
0x3a: {  	_ = 	snop  }
0x3b: {  	_ = 	snop  }
0x3c: {  	p2 =	seq.s32 s10, $0x1;
	s10 =	sld [smem:$0x3FAD]  }
0x3d: {  	_ =	shalt  }
0x3e: {  	_ =	shalt  }
0x3f: {  	_ =	shalt  }
0x40: {  	_ =	shalt  }
0x41: {  	_ =	shalt  }
0x42: {  	_ =	shalt  }
0x43: {  	_ =	shalt  }
0x44: {  	_ =	shalt  }
0x45: {  	_ =	shalt  }
0x46: {  	_ =	shalt  }
0x47: {  	_ =	shalt  }
0x48: {  	_ =	shalt  }
0x49: {  	_ =	shalt  }
0x4a: {  	_ =	shalt  }
0x4b: {  	_ =	shalt  }
0x4c: {  	_ =	shalt  }
0x4d: {  	_ =	shalt  }
0x4e: {  	_ =	shalt  }
0x4f: {  	_ =	shalt  }
0x50: {  	_ =	shalt  }
0x51: {  	_ =	shalt  }
0x52: {  	_ =	shalt  }
0x53: {  	_ =	shalt  }
0x54: {  	_ =	shalt  }
0x55: {  	_ =	shalt  }
0x56: {  	_ =	shalt  }
0x57: {  	_ =	shalt  }
0x58: {  	_ =	shalt  }
0x59: {  	_ =	shalt  }
0x5a: {  	_ =	shalt  }
0x5b: {  	_ =	shalt  }
0x5c: {  	_ =	shalt  }
0x5d: {  	_ =	shalt  }
0x5e: {  	_ =	shalt  }
0x5f: {  	_ =	shalt  }
0x60: {  	_ =	shalt  }
0x61: {  	_ =	shalt  }
0x62: {  	_ =	shalt  }
0x63: {  	_ =	shalt  }
0x64: {  	_ =	shalt  }
0x65: {  	_ =	shalt  }
0x66: {  	_ =	shalt  }
0x67: {  	_ =	shalt  }
0x68: {  	_ =	shalt  }
0x69: {  	_ =	shalt  }
0x6a: {  	_ =	shalt  }
0x6b: {  	_ =	shalt  }
0x6c: {  	_ =	shalt  }
0x6d: {  	_ =	shalt  }
0x6e: {  	_ =	shalt  }
0x6f: {  	_ =	shalt  }
0x70: {  	_ =	shalt  }
0x71: {  	_ =	shalt  }
0x72: {  	_ =	shalt  }
0x73: {  	_ =	shalt  }
0x74: {  	_ =	shalt  }
0x75: {  	_ =	shalt  }
0x76: {  	_ =	shalt  }
0x77: {  	_ =	shalt  }
0x78: {  	_ =	shalt  }
0x79: {  	_ =	shalt  }
0x7a: {  	_ =	shalt  }
0x7b: {  	_ =	shalt  }
0x7c: {  	_ =	shalt  }
0x7d: {  	_ =	shalt  }
0x7e: {  	_ =	shalt  }
0x7f: {  	_ =	shalt  }
0x80: {  	_ =	shalt  }
0x81: {  	_ =	shalt  }
0x82: {  	_ =	shalt  }
0x83: {  	_ =	shalt  }
0x84: {  	_ =	shalt  }
0x85: {  	_ =	shalt  }
0x86: {  	_ =	shalt  }
0x87: {  	_ =	shalt  }
.Lfunc_end0:
.L_simem_size_0:
called_computation_lowered:
.L_overlay_start_0:
0x88: {  	s2 =	sld [smem:$0x3FD9]  }
0x89: {  	s3 =	sld [smem:$0x3FFE];
	_ =	sdelay $0x1  }
0x8a: {  	s1 =	srdreg.scid  }
0x8b: {  	s0 =	sand.u32 $0x1, s1  }
0x8c: {  	s16 =	sshll.u32 s0, $0xA;
	s2 =	sadd.s32 s3, s2  }
0x8d: {  	s2 =	sadd.s32 s2, s16  }
0x8e: {  	[smem:$0x3FB9] =	sst s2  }
0x8f: {  	_ = 	snop  }
0x90: {  	(tm) =	ssettm $0x1  }
0x91: {  	s17 =	sld [smem:$0x3FFB];
	_ =	sdelay $0x3  }
0x92: {  	_ =	strace s17  }
0x93: {  	s2 =	sld [smem:$0x3FFC];
	_ =	sdelay $0x3  }
0x94: {  	_ =	strace s2  }
0x95: {  	s2 =	sld [smem:$0x3FFD];
	_ =	sdelay $0x3  }
0x96: {  	_ =	strace s2  }
0x97: {  	_ =	strace $0x8FFFFFFF  }
0x98: {  	s18 =	sld [smem:$0x3FDB];
	_ =	sdelay $0x1  }
0x99: {  	s19 =	simm.s32 $_scs_section_size  }
0x9a: {  	s4 =	simm.s32 $_size__tile_overlayer_lowered;
	s5 =	simm.s32 $_tile_overlayer_lowered  }
0x9b: {  	s22 =	simm.s32 $0x1BFF;
	s21 =	sshll.u32 s5, $0x1;
	s2 =	sadd.s32 s19, s18  }
0x9c: {  	s6 =	simm.s32 $0x0;
	s20 =	sshll.u32 s4, $0x1;
	s4 =	sadd.s32 s21, s2  }
0x9d: {  	[timem:s6], [sflag:s22] =	dma.local [hbm:s4], s20  }
0x9e: {  	_ =	swait.ge [sflag:s22], s20  }
0x9f: {  	s3 =	ssub.s32 $0x0, s20;
	[sflag:s22] =	ssyncset.done $0x0  }
0xa0: {  	[sflag:s22] =	ssyncadd.s32 s3;
	_ =	sdelay $0x1  }
0xa1: {  	s23 =	simm.s32 $0x1B8B  }
0xa2: {  	_ =	swait.ge [sflag:s23], $0x1  }
0xa3: {  	[sflag:s23] =	ssyncset.done $0x0  }
0xa4: {  	s25 =	simm.s32 $0x1B8E;
	s24 =	sld [smem:$0x3FFE];
	[sflag:s23] =	ssyncadd.s32 $0xFFFFFFFF  }
0xa5: {  	s26 =	simm.s32 $execute0_lowered;
	[smem:$0x3FD2] =	sst s25  }
0xa6: {  	s4 =	sshll.u32 s26, $0x1;
	_ =	strace $0x80000046;
	[dreg:$0x1] =	wrdreg $0xFFFFFFFF  }
0xa7: {  	s28 =	simm.s32 $_size_execute0_lowered;
	s2 =	sadd.s32 s2, s4;
	[dreg:$0x0] =	wrdreg $0x0  }
0xa8: {  	s4 =	sshll.u32 s28, $0x1;
	[dreg:$0x2] =	wrdreg s2  }
0xa9: {  	[dreg:$0x3] =	wrdreg s4  }
0xaa: {  	[dreg:$0x4] =	wrdreg $0xC0  }
0xab: {  	_ =	task [dreg:s6], $0x5FFFF  }
0xac: {  	[dreg:$0x1] =	wrdreg $0xFFFFFFFF  }
0xad: {  	[dreg:$0x0] =	wrdreg $0x60  }
0xae: {  	[dreg:$0x2] =	wrdreg s24  }
0xaf: {  	[dreg:$0x3] =	wrdreg $0x48000  }
0xb0: {  	[dreg:$0x4] =	wrdreg $0x9  }
0xb1: {  	_ =	task.clear_ibuf [dreg:s6], $0x5FFFF;
	_ =	strace $0x90000046  }
0xb2: {  	s29 =	simm.s32 $0x9;
	_ =	strace $0x80000048  }
0xb3: {  	_ =	swait.ge [sflag:s29], $0x1  }
0xb4: {  	[sflag:s29] =	ssyncadd.s32 $0xFFFFFFFF  }
0xb5: {  	_ =	strace $0x90000048  }
0xb6: {  	_ =	sfence  }
0xb7: {  	s30 =	sld [smem:$0x0];
	_ =	sdelay $0x2  }
0xb8: {  	s31 =	sshll.u32 s1, $0xD;
	s1 =	sshrl.u32 s1, $0x2  }
0xb9: {  	s3 =	sand.u32 $0x4000, s31;
	s1 =	sadd.s32 s1, s30  }
0xba: {  	s0 =	sor.u32 s3, s0;
	s1 =	sshll.u32 s1, $0x11  }
0xbb: {  	s0 =	sor.u32 s1, s0  }
0xbc: {  	s0 =	sadd.s32 $0x8F2B, s0  }
0xbd: {  	[sflag:s0] =	ssyncadd.remote.s32 $0x1  }
0xbe: {  	_ =	sfence.sel $0xFFFF  }
0xbf: {  	[dreg:$0x0] =	wrdreg $0xFFFFFFFF;
	(pc) =	sbr.abs _section_cstart, $3  }
0xc0: {  	[dreg:$0x1] =	wrdreg $0xFFFFFFFF  }
0xc1: {  	_ =	task.clear_ibuf [dreg:s6], $0x2FFFF;
	_ =	strace $0x9FFFFFFF  }
0xc2: {  	(tm) =	ssettm $0x7FFFFFFF  }
0xc3: {  	_ =	shalt  }
tec
execute0_lowered:
.L_overlay_start_1:
0x0: {  	(tag) =	ssettag $0x1  }
0x1: {  	s0 =	rddreg [dreg:$0x0]  }
0x2: {  	s2 =	rddreg [dreg:$0x1];
	s3 =	simm.s32 $0x0  }
0x3: {  	s8 =	stileid.u32;
	s1 =	srdreg.scid;
	s28 =	simm.s32 $0x180  }
0x4: {  	s29 =	simm.s32 $0x1;
	s30 =	simm.s32 $0x200;
	s31 =	simm.s32 $0x280  }
0x5: {  	s10 =	simm.s32 $0x680;
	s12 =	simm.s32 $0x700;
	s4 =	smul.u32 $0x500, s8  }
0x6: {  	s13 =	simm.s32 $0x780;
	s14 =	simm.s32 $0x0;
	s7 =	smul.u32 $0x50000, s8  }
0x7: {  	[smem:$0x7FF] =	sst s3;
	s1 =	sand.u32 $0x1, s1;
	s17 =	smul.u32 $0x280, s8  }
0x8: {  	s9 =	sadd.s32 $0xD600, s0;
	s18 =	smul.u32 $0x2800, s8;
	s8 =	simm.s32 $0x580  }
0x9: {  	_ =	strace $0x80000047;
	s5 =	ssub.s32 $0x2, s1;
	[dreg:$0x3] =	wrdreg s9  }
0xa: {  	p0 =	seq.s32 s1, $0x1;
	s1 =	simm.s32 $0x380;
	s9 =	simm.s32 $0x600  }
0xb: {  	s4 =	sadd.s32 s4, s0;
	s6 =	sshrl.u32 s5, $0x1;
	s0 =	sadd.s32 $0x35600, s0  }
0xc: {  	s16 =	sshrl.u32 s7, $0x2;
	[dreg:$0x5] =	wrdreg s18;
	s21 =	sadd.s32 $0x80, s17  }
0xd: {  	s7 =	simm.s32 $0x500;
	[dreg:$0x4] =	wrdreg s0;
	s15 =	ssub.s32 s5, s6  }
0xe: {  	s6 =	sadd.s32 s16, s2;
	[dreg:$0x9] =	wrdreg s21;
	s0 =	smax.u32 s15, $0x1  }
0xf: {  	s16 =	sadd.s32 $0x180, s17;
	s19 =	sadd.s32 $0x4000, s6;
	[dreg:$0x6] =	wrdreg s0  }
0x10: {  	s5 =	simm.s32 $0x480;
	s20 =	sadd.s32 $0x8000, s6;
	[dreg:$0x7] =	wrdreg s19  }
0x11: {  	s22 =	sadd.s32 $0xC000, s6;
	s23 =	sadd.s32 $0x10000, s6;
	[dreg:$0x8] =	wrdreg s20  }
0x12: {  	s15 =	sadd.s32 $0x100, s17;
	s17 =	sadd.s32 $0x200, s17;
	[dreg:$0xa] =	wrdreg s22  }
0x13: {  	s25 =	sshll.u32 s16, $0x4;
	[dreg:$0xb] =	wrdreg s23;
	s0 =	sshll.u32 s21, $0x4  }
.Ltmp0:
0x14: {  	s24 =	sshll.u32 s15, $0x4;
	[dreg:$0xe] =	wrdreg s25;
	(pc) =	sbr.rel .LBB2_1-.Ltmp0, $4  }
0x15: {  	s26 =	sshll.u32 s17, $0x4;
	s21 =	sadd.s32 $0x3600, s4;
	[dreg:$0xc] =	wrdreg s0  }
0x16: {  	s22 =	sadd.s32 $0x8600, s4;
	s23 =	simm.s32 $0x800;
	[dreg:$0xd] =	wrdreg s24  }
0x17: {  	s25 =	simm.s32 $0x80;
	s4 =	simm.s32 $0x400;
	[dreg:$0xf] =	wrdreg s26  }
0x18: {  	v0 =	vimm.f32 $1.000000000e+00;
	s24 =	simm.s32 $0x2;
	s26 =	simm.s32 $0x100;
	s0 =	simm.s32 $0x300  }
.LBB2_6:
0x19: {  	s11 =	sadd.s32 s18, s21;
	[sflag:s29] =	ssyncadd.s32 $0xFFFFC000  }
0x1a: {  	[tilespmem:s3], [sflag:$0x2] =	stream.linear.gather [hbm4b:s11+s3], $0x800, $0x38;
	[tilespmem:$0x18800] =	vst v63  }
0x1b: {  	_ =	swait.ge [sflag:s24], $0x800  }
0x1c: {  	[sflag:s24] =	ssyncset.done $0x0  }
0x1d: {  	[sflag:s24] =	ssyncadd.s32 $0xFFFFF800  }
0x1e: {  	[spmem:s2] =	stream.indirect.scatter.add.f32 [tilespmem:s23], [sflag:$0x1], $0x80, s3, s25, $0xb8;
	[tilespmem:$0x18800] =	vst v63  }
0x1f: {  	_ = 	snop  }
0x20: {  	[spmem:s2] =	stream.indirect.scatter.add.f32 [tilespmem:s23], [sflag:$0x1], $0x80, s25, s25, $0xb8;
	[tilespmem:$0x18800] =	vst v63  }
0x21: {  	_ = 	snop  }
0x22: {  	[spmem:s2] =	stream.indirect.scatter.add.f32 [tilespmem:s23], [sflag:$0x1], $0x80, s26, s25, $0xb8;
	[tilespmem:$0x18800] =	vst v63  }
0x23: {  	_ = 	snop  }
0x24: {  	[spmem:s2] =	stream.indirect.scatter.add.f32 [tilespmem:s23], [sflag:$0x1], $0x80, s28, s25, $0xb8;
	[tilespmem:$0x18800] =	vst v63  }
0x25: {  	_ =	swait.ge [sflag:s29], $0x4000  }
0x26: {  	[sflag:s29] =	ssyncset.done $0x0  }
0x27: {  	[sflag:s29] =	ssyncadd.s32 $0xFFFFC000  }
0x28: {  	_ =	swait.ge [sflag:s29], $0x4000  }
0x29: {  	[sflag:s29] =	ssyncset.done $0x0  }
0x2a: {  	[sflag:s29] =	ssyncadd.s32 $0xFFFFC000  }
0x2b: {  	_ =	swait.ge [sflag:s29], $0x4000  }
0x2c: {  	[sflag:s29] =	ssyncset.done $0x0  }
0x2d: {  	[sflag:s29] =	ssyncadd.s32 $0xFFFFC000  }
0x2e: {  	_ =	swait.ge [sflag:s29], $0x4000  }
0x2f: {  	[sflag:s29] =	ssyncset.done $0x0  }
0x30: {  	[sflag:s29] =	ssyncadd.s32 $0xFFFFC000  }
0x31: {  	[spmem:s2] =	stream.indirect.scatter.add.f32 [tilespmem:s23], [sflag:$0x1], $0x80, s30, s25, $0xb8;
	[tilespmem:$0x18800] =	vst v63  }
0x32: {  	_ = 	snop  }
0x33: {  	[spmem:s2] =	stream.indirect.scatter.add.f32 [tilespmem:s23], [sflag:$0x1], $0x80, s31, s25, $0xb8;
	[tilespmem:$0x18800] =	vst v63  }
0x34: {  	_ = 	snop  }
0x35: {  	[spmem:s2] =	stream.indirect.scatter.add.f32 [tilespmem:s23], [sflag:$0x1], $0x80, s0, s25, $0xb8;
	[tilespmem:$0x18800] =	vst v63  }
0x36: {  	_ = 	snop  }
0x37: {  	[spmem:s2] =	stream.indirect.scatter.add.f32 [tilespmem:s23], [sflag:$0x1], $0x80, s1, s25, $0xb8;
	[tilespmem:$0x18800] =	vst v63  }
0x38: {  	_ =	swait.ge [sflag:s29], $0x4000  }
0x39: {  	[sflag:s29] =	ssyncset.done $0x0  }
0x3a: {  	[sflag:s29] =	ssyncadd.s32 $0xFFFFC000  }
0x3b: {  	_ =	swait.ge [sflag:s29], $0x4000  }
0x3c: {  	[sflag:s29] =	ssyncset.done $0x0  }
0x3d: {  	[sflag:s29] =	ssyncadd.s32 $0xFFFFC000  }
0x3e: {  	_ =	swait.ge [sflag:s29], $0x4000  }
0x3f: {  	[sflag:s29] =	ssyncset.done $0x0  }
0x40: {  	[sflag:s29] =	ssyncadd.s32 $0xFFFFC000  }
0x41: {  	_ =	swait.ge [sflag:s29], $0x4000  }
0x42: {  	[sflag:s29] =	ssyncset.done $0x0  }
0x43: {  	[sflag:s29] =	ssyncadd.s32 $0xFFFFC000  }
0x44: {  	[spmem:s2] =	stream.indirect.scatter.add.f32 [tilespmem:s23], [sflag:$0x1], $0x80, s4, s25, $0xb8;
	[tilespmem:$0x18800] =	vst v63  }
0x45: {  	_ = 	snop  }
0x46: {  	[spmem:s2] =	stream.indirect.scatter.add.f32 [tilespmem:s23], [sflag:$0x1], $0x80, s5, s25, $0xb8;
	[tilespmem:$0x18800] =	vst v63  }
0x47: {  	_ = 	snop  }
0x48: {  	[spmem:s2] =	stream.indirect.scatter.add.f32 [tilespmem:s23], [sflag:$0x1], $0x80, s7, s25, $0xb8;
	[tilespmem:$0x18800] =	vst v63  }
0x49: {  	_ = 	snop  }
0x4a: {  	[spmem:s2] =	stream.indirect.scatter.add.f32 [tilespmem:s23], [sflag:$0x1], $0x80, s8, s25, $0xb8;
	[tilespmem:$0x18800] =	vst v63  }
0x4b: {  	_ =	swait.ge [sflag:s29], $0x4000  }
0x4c: {  	[sflag:s29] =	ssyncset.done $0x0  }
0x4d: {  	[sflag:s29] =	ssyncadd.s32 $0xFFFFC000  }
0x4e: {  	_ =	swait.ge [sflag:s29], $0x4000  }
0x4f: {  	[sflag:s29] =	ssyncset.done $0x0  }
0x50: {  	[sflag:s29] =	ssyncadd.s32 $0xFFFFC000  }
0x51: {  	_ =	swait.ge [sflag:s29], $0x4000  }
0x52: {  	[sflag:s29] =	ssyncset.done $0x0  }
0x53: {  	[sflag:s29] =	ssyncadd.s32 $0xFFFFC000  }
0x54: {  	_ =	swait.ge [sflag:s29], $0x4000  }
0x55: {  	[sflag:s29] =	ssyncset.done $0x0  }
0x56: {  	[sflag:s29] =	ssyncadd.s32 $0xFFFFC000  }
0x57: {  	[spmem:s2] =	stream.indirect.scatter.add.f32 [tilespmem:s23], [sflag:$0x1], $0x80, s9, s25, $0xb8;
	[tilespmem:$0x18800] =	vst v63  }
0x58: {  	_ = 	snop  }
0x59: {  	[spmem:s2] =	stream.indirect.scatter.add.f32 [tilespmem:s23], [sflag:$0x1], $0x80, s10, s25, $0xb8;
	[tilespmem:$0x18800] =	vst v63  }
0x5a: {  	_ = 	snop  }
0x5b: {  	[spmem:s2] =	stream.indirect.scatter.add.f32 [tilespmem:s23], [sflag:$0x1], $0x80, s12, s25, $0xb8;
	[tilespmem:$0x18800] =	vst v63  }
0x5c: {  	_ = 	snop  }
0x5d: {  	[spmem:s2] =	stream.indirect.scatter.add.f32 [tilespmem:s23], [sflag:$0x1], $0x80, s13, s25, $0xb8;
	[tilespmem:$0x18800] =	vst v63  }
0x5e: {  	_ =	swait.ge [sflag:s29], $0x4000  }
0x5f: {  	[sflag:s29] =	ssyncset.done $0x0  }
0x60: {  	[sflag:s29] =	ssyncadd.s32 $0xFFFFC000  }
0x61: {  	_ =	swait.ge [sflag:s29], $0x4000  }
0x62: {  	[sflag:s29] =	ssyncset.done $0x0  }
0x63: {  	[sflag:s29] =	ssyncadd.s32 $0xFFFFC000  }
0x64: {  	_ =	swait.ge [sflag:s29], $0x4000  }
0x65: {  	[sflag:s29] =	ssyncset.done $0x0  }
0x66: {  	[sflag:s29] =	ssyncadd.s32 $0xFFFFC000  }
0x67: {  	_ =	swait.ge [sflag:s29], $0x4000  }
0x68: {  	[sflag:s29] =	ssyncset.done $0x0  }
0x69: {  	s18 =	rddreg [dreg:$0x3];
	[sflag:s29] =	ssyncadd.s32 $0xFFFFC000  }
.LBB2_10:
0x6a: {  	[bflag:$0x0] =	sbarrier.arrive $0xFFFF  }
0x6b: {  	[tilespmem:s23], [sflag:$0x2] =	stream.linear.gather [spmem:s6], $0x4000, $0x38;
	[tilespmem:$0x18800] =	vst v63  }
0x6c: {  	_ =	swait.ge [sflag:s24], $0x4000  }
0x6d: {  	[sflag:s24] =	ssyncset.done $0x0;
	s11 =	rddreg [dreg:$0x5]  }
0x6e: {  	s11 =	sadd.s32 s18, s11;
	[sflag:s24] =	ssyncadd.s32 $0xFFFFC000  }
0x6f: {  	[hbm4b:s11+s3] =	stream.linear.scatter [tilespmem:s23], [sflag:$0x2], $0x4000, $0x38;
	[tilespmem:$0x18800] =	vst v63  }
0x70: {  	_ =	swait.ge [sflag:s24], $0x4000  }
0x71: {  	s20 =	rddreg [dreg:$0x9]  }
0x72: {  	[sflag:s24] =	ssyncset.done $0x0;
	s11 =	sshll.u32 s20, $0x7  }
0x73: {  	[sflag:s24] =	ssyncadd.s32 $0xFFFFC000;
	s11 =	sadd.s32 s11, s2  }
0x74: {  	[tilespmem:s23], [sflag:$0x2] =	stream.linear.gather [spmem:s11], $0x4000, $0x38;
	[tilespmem:$0x18800] =	vst v63  }
0x75: {  	_ =	swait.ge [sflag:s24], $0x4000  }
0x76: {  	[sflag:s24] =	ssyncset.done $0x0;
	s19 =	rddreg [dreg:$0xc]  }
0x77: {  	s11 =	sadd.s32 s18, s19;
	[sflag:s24] =	ssyncadd.s32 $0xFFFFC000  }
0x78: {  	[hbm4b:s11+s3] =	stream.linear.scatter [tilespmem:s23], [sflag:$0x2], $0x4000, $0x38;
	[tilespmem:$0x18800] =	vst v63  }
0x79: {  	_ =	swait.ge [sflag:s24], $0x4000  }
0x7a: {  	s20 =	sshll.u32 s15, $0x7;
	[sflag:s24] =	ssyncset.done $0x0  }
0x7b: {  	s11 =	sadd.s32 s20, s2;
	[sflag:s24] =	ssyncadd.s32 $0xFFFFC000  }
0x7c: {  	[tilespmem:s23], [sflag:$0x2] =	stream.linear.gather [spmem:s11], $0x4000, $0x38;
	[tilespmem:$0x18800] =	vst v63  }
0x7d: {  	_ =	swait.ge [sflag:s24], $0x4000  }
0x7e: {  	[sflag:s24] =	ssyncset.done $0x0;
	s19 =	rddreg [dreg:$0xd]  }
0x7f: {  	s11 =	sadd.s32 s18, s19;
	[sflag:s24] =	ssyncadd.s32 $0xFFFFC000  }
0x80: {  	[hbm4b:s11+s3] =	stream.linear.scatter [tilespmem:s23], [sflag:$0x2], $0x4000, $0x38;
	[tilespmem:$0x18800] =	vst v63  }
0x81: {  	_ =	swait.ge [sflag:s24], $0x4000  }
0x82: {  	s20 =	sshll.u32 s16, $0x7;
	[sflag:s24] =	ssyncset.done $0x0  }
0x83: {  	s11 =	sadd.s32 s20, s2;
	[sflag:s24] =	ssyncadd.s32 $0xFFFFC000  }
0x84: {  	[tilespmem:s23], [sflag:$0x2] =	stream.linear.gather [spmem:s11], $0x4000, $0x38;
	[tilespmem:$0x18800] =	vst v63  }
0x85: {  	_ =	swait.ge [sflag:s24], $0x4000  }
0x86: {  	[sflag:s24] =	ssyncset.done $0x0;
	s19 =	rddreg [dreg:$0xe]  }
0x87: {  	s11 =	sadd.s32 s18, s19;
	[sflag:s24] =	ssyncadd.s32 $0xFFFFC000  }
0x88: {  	[hbm4b:s11+s3] =	stream.linear.scatter [tilespmem:s23], [sflag:$0x2], $0x4000, $0x38;
	[tilespmem:$0x18800] =	vst v63  }
0x89: {  	_ =	swait.ge [sflag:s24], $0x4000  }
0x8a: {  	s20 =	sshll.u32 s17, $0x7;
	[sflag:s24] =	ssyncset.done $0x0  }
0x8b: {  	s11 =	sadd.s32 s20, s2;
	[sflag:s24] =	ssyncadd.s32 $0xFFFFC000  }
0x8c: {  	[tilespmem:s23], [sflag:$0x2] =	stream.linear.gather [spmem:s11], $0x4000, $0x38;
	[tilespmem:$0x18800] =	vst v63  }
0x8d: {  	_ =	swait.ge [sflag:s24], $0x4000  }
0x8e: {  	[sflag:s24] =	ssyncset.done $0x0;
	s19 =	rddreg [dreg:$0xf]  }
0x8f: {  	s11 =	sadd.s32 s18, s19;
	[sflag:s24] =	ssyncadd.s32 $0xFFFFC000  }
0x90: {  	[hbm4b:s11+s3] =	stream.linear.scatter [tilespmem:s23], [sflag:$0x2], $0x4000, $0x38;
	[tilespmem:$0x18800] =	vst v63  }
0x91: {  	_ =	swait.ge [sflag:s24], $0x4000  }
0x92: {  	s14 =	sadd.s32 $0x1, s14;
	s20 =	rddreg [dreg:$0x6]  }
0x93: {  	p1 =	sne.s32 s14, s20  }
.Ltmp1:
0x94: {  	_ = 	snop;
	(pc) =	sbr.rel @!p1 .LBB2_11-.Ltmp1, $3  }
0x95: {  	_ =	sdelay $0x1  }
0x96: {  	[sflag:s24] =	ssyncset.done $0x0  }
0x97: {  	[sflag:s24] =	ssyncadd.s32 $0xFFFFC000  }
.LBB2_1:
0x98: {  	s18 =	simm.s32 $0x0;
	s19 =	simm.s32 $0x200  }
.LBB2_2:
0x99: {  	p1 =	sne.s32 s19, $0xFE00;
	[tilespmem:s18+$0x870] =	vst v0  }
0x9a: {  	[tilespmem:s18+$0x800] =	vst v0  }
0x9b: {  	[tilespmem:s18+$0x810] =	vst v0  }
.Ltmp2:
0x9c: {  	[tilespmem:s18+$0x820] =	vst v0;
	(pc) =	sbr.rel @p1 .LBB2_2-.Ltmp2, $4  }
0x9d: {  	[tilespmem:s18+$0x830] =	vst v0  }
0x9e: {  	[tilespmem:s18+$0x840] =	vst v0  }
0x9f: {  	[tilespmem:s18+$0x850] =	vst v0  }
0xa0: {  	[tilespmem:s18+$0x860] =	vst v0;
	s18 =	sshra.s32 s19, $0x2;
	s19 =	sadd.s32 $0x200, s19  }
0xa1: {  	[tilespmem:s18+$0x870] =	vst v0  }
0xa2: {  	[tilespmem:s18+$0x800] =	vst v0  }
0xa3: {  	[tilespmem:s18+$0x810] =	vst v0  }
0xa4: {  	[tilespmem:s18+$0x820] =	vst v0  }
0xa5: {  	[tilespmem:s18+$0x830] =	vst v0  }
0xa6: {  	[tilespmem:s18+$0x840] =	vst v0  }
0xa7: {  	[tilespmem:s18+$0x850] =	vst v0  }
.Ltmp3:
0xa8: {  	[tilespmem:s18+$0x860] =	vst v0;
	(pc) =	sbr.rel @!p0 .LBB2_4-.Ltmp3, $4  }
0xa9: {  	[spmem:s6] =	stream.linear.scatter [tilespmem:s23], [sflag:$0x2], $0x4000, $0x38;
	[tilespmem:$0x18800] =	vst v63  }
0xaa: {  	_ =	swait.ge [sflag:s24], $0x4000  }
0xab: {  	[sflag:s24] =	ssyncset.done $0x0  }
0xac: {  	[sflag:s24] =	ssyncadd.s32 $0xFFFFC000  }
0xad: {  	s11 =	rddreg [dreg:$0x7]  }
0xae: {  	[spmem:s11] =	stream.linear.scatter [tilespmem:s23], [sflag:$0x2], $0x4000, $0x38;
	[tilespmem:$0x18800] =	vst v63  }
0xaf: {  	_ =	swait.ge [sflag:s24], $0x4000  }
0xb0: {  	[sflag:s24] =	ssyncset.done $0x0  }
0xb1: {  	s20 =	rddreg [dreg:$0x8];
	[sflag:s24] =	ssyncadd.s32 $0xFFFFC000  }
0xb2: {  	[spmem:s20] =	stream.linear.scatter [tilespmem:s23], [sflag:$0x2], $0x4000, $0x38;
	[tilespmem:$0x18800] =	vst v63  }
0xb3: {  	_ =	swait.ge [sflag:s24], $0x4000  }
0xb4: {  	[sflag:s24] =	ssyncset.done $0x0  }
0xb5: {  	s18 =	rddreg [dreg:$0xa];
	[sflag:s24] =	ssyncadd.s32 $0xFFFFC000  }
0xb6: {  	[spmem:s18] =	stream.linear.scatter [tilespmem:s23], [sflag:$0x2], $0x4000, $0x38;
	[tilespmem:$0x18800] =	vst v63  }
0xb7: {  	_ =	swait.ge [sflag:s24], $0x4000  }
0xb8: {  	[sflag:s24] =	ssyncset.done $0x0  }
0xb9: {  	s19 =	rddreg [dreg:$0xb];
	[sflag:s24] =	ssyncadd.s32 $0xFFFFC000  }
0xba: {  	[spmem:s19] =	stream.linear.scatter [tilespmem:s23], [sflag:$0x2], $0x4000, $0x38;
	[tilespmem:$0x18800] =	vst v63  }
0xbb: {  	_ =	swait.ge [sflag:s24], $0x4000  }
0xbc: {  	[sflag:s24] =	ssyncset.done $0x0  }
0xbd: {  	[sflag:s24] =	ssyncadd.s32 $0xFFFFC000  }
0xbe: {  	s20 =	sadd.s32 $0x0, s22;
	[bflag:$0x0] =	sbarrier.arrive $0xFFFF  }
0xbf: {  	[tilespmem:s3], [sflag:$0x2] =	stream.linear.gather [hbm4b:s20+s3], $0x800, $0x38;
	[tilespmem:$0x18800] =	vst v63  }
0xc0: {  	_ =	swait.ge [sflag:s24], $0x800  }
0xc1: {  	[sflag:s24] =	ssyncset.done $0x0  }
0xc2: {  	[sflag:s24] =	ssyncadd.s32 $0xFFFFF800  }
0xc3: {  	[spmem:s2] =	stream.indirect.scatter.add.f32 [tilespmem:s23], [sflag:$0x1], $0x80, s3, s25, $0xb8;
	[tilespmem:$0x18800] =	vst v63  }
0xc4: {  	_ = 	snop  }
0xc5: {  	[spmem:s2] =	stream.indirect.scatter.add.f32 [tilespmem:s23], [sflag:$0x1], $0x80, s25, s25, $0xb8;
	[tilespmem:$0x18800] =	vst v63  }
0xc6: {  	_ = 	snop  }
0xc7: {  	[spmem:s2] =	stream.indirect.scatter.add.f32 [tilespmem:s23], [sflag:$0x1], $0x80, s26, s25, $0xb8;
	[tilespmem:$0x18800] =	vst v63  }
0xc8: {  	_ = 	snop  }
0xc9: {  	[spmem:s2] =	stream.indirect.scatter.add.f32 [tilespmem:s23], [sflag:$0x1], $0x80, s28, s25, $0xb8;
	[tilespmem:$0x18800] =	vst v63  }
0xca: {  	_ =	swait.ge [sflag:s29], $0x4000  }
0xcb: {  	[sflag:s29] =	ssyncset.done $0x0  }
0xcc: {  	[sflag:s29] =	ssyncadd.s32 $0xFFFFC000  }
0xcd: {  	_ =	swait.ge [sflag:s29], $0x4000  }
0xce: {  	[sflag:s29] =	ssyncset.done $0x0  }
0xcf: {  	[sflag:s29] =	ssyncadd.s32 $0xFFFFC000  }
0xd0: {  	_ =	swait.ge [sflag:s29], $0x4000  }
0xd1: {  	[sflag:s29] =	ssyncset.done $0x0  }
0xd2: {  	[sflag:s29] =	ssyncadd.s32 $0xFFFFC000  }
0xd3: {  	_ =	swait.ge [sflag:s29], $0x4000  }
0xd4: {  	[sflag:s29] =	ssyncset.done $0x0  }
0xd5: {  	[sflag:s29] =	ssyncadd.s32 $0xFFFFC000  }
0xd6: {  	[spmem:s2] =	stream.indirect.scatter.add.f32 [tilespmem:s23], [sflag:$0x1], $0x80, s30, s25, $0xb8;
	[tilespmem:$0x18800] =	vst v63  }
0xd7: {  	_ = 	snop  }
0xd8: {  	[spmem:s2] =	stream.indirect.scatter.add.f32 [tilespmem:s23], [sflag:$0x1], $0x80, s31, s25, $0xb8;
	[tilespmem:$0x18800] =	vst v63  }
0xd9: {  	_ = 	snop  }
0xda: {  	[spmem:s2] =	stream.indirect.scatter.add.f32 [tilespmem:s23], [sflag:$0x1], $0x80, s0, s25, $0xb8;
	[tilespmem:$0x18800] =	vst v63  }
0xdb: {  	_ = 	snop  }
0xdc: {  	[spmem:s2] =	stream.indirect.scatter.add.f32 [tilespmem:s23], [sflag:$0x1], $0x80, s1, s25, $0xb8;
	[tilespmem:$0x18800] =	vst v63  }
0xdd: {  	_ =	swait.ge [sflag:s29], $0x4000  }
0xde: {  	[sflag:s29] =	ssyncset.done $0x0  }
0xdf: {  	[sflag:s29] =	ssyncadd.s32 $0xFFFFC000  }
0xe0: {  	_ =	swait.ge [sflag:s29], $0x4000  }
0xe1: {  	[sflag:s29] =	ssyncset.done $0x0  }
0xe2: {  	[sflag:s29] =	ssyncadd.s32 $0xFFFFC000  }
0xe3: {  	_ =	swait.ge [sflag:s29], $0x4000  }
0xe4: {  	[sflag:s29] =	ssyncset.done $0x0  }
0xe5: {  	[sflag:s29] =	ssyncadd.s32 $0xFFFFC000  }
0xe6: {  	_ =	swait.ge [sflag:s29], $0x4000  }
0xe7: {  	[sflag:s29] =	ssyncset.done $0x0  }
0xe8: {  	[sflag:s29] =	ssyncadd.s32 $0xFFFFC000  }
0xe9: {  	[spmem:s2] =	stream.indirect.scatter.add.f32 [tilespmem:s23], [sflag:$0x1], $0x80, s4, s25, $0xb8;
	[tilespmem:$0x18800] =	vst v63  }
0xea: {  	_ = 	snop  }
0xeb: {  	[spmem:s2] =	stream.indirect.scatter.add.f32 [tilespmem:s23], [sflag:$0x1], $0x80, s5, s25, $0xb8;
	[tilespmem:$0x18800] =	vst v63  }
0xec: {  	_ = 	snop  }
0xed: {  	[spmem:s2] =	stream.indirect.scatter.add.f32 [tilespmem:s23], [sflag:$0x1], $0x80, s7, s25, $0xb8;
	[tilespmem:$0x18800] =	vst v63  }
0xee: {  	_ = 	snop  }
0xef: {  	[spmem:s2] =	stream.indirect.scatter.add.f32 [tilespmem:s23], [sflag:$0x1], $0x80, s8, s25, $0xb8;
	[tilespmem:$0x18800] =	vst v63  }
0xf0: {  	_ =	swait.ge [sflag:s29], $0x4000  }
0xf1: {  	[sflag:s29] =	ssyncset.done $0x0  }
0xf2: {  	[sflag:s29] =	ssyncadd.s32 $0xFFFFC000  }
0xf3: {  	_ =	swait.ge [sflag:s29], $0x4000  }
0xf4: {  	[sflag:s29] =	ssyncset.done $0x0  }
0xf5: {  	[sflag:s29] =	ssyncadd.s32 $0xFFFFC000  }
0xf6: {  	_ =	swait.ge [sflag:s29], $0x4000  }
0xf7: {  	[sflag:s29] =	ssyncset.done $0x0  }
0xf8: {  	[sflag:s29] =	ssyncadd.s32 $0xFFFFC000  }
0xf9: {  	_ =	swait.ge [sflag:s29], $0x4000  }
0xfa: {  	[sflag:s29] =	ssyncset.done $0x0  }
0xfb: {  	[sflag:s29] =	ssyncadd.s32 $0xFFFFC000  }
0xfc: {  	[spmem:s2] =	stream.indirect.scatter.add.f32 [tilespmem:s23], [sflag:$0x1], $0x80, s9, s25, $0xb8;
	[tilespmem:$0x18800] =	vst v63  }
0xfd: {  	_ = 	snop  }
0xfe: {  	[spmem:s2] =	stream.indirect.scatter.add.f32 [tilespmem:s23], [sflag:$0x1], $0x80, s10, s25, $0xb8;
	[tilespmem:$0x18800] =	vst v63  }
0xff: {  	_ = 	snop  }
0x100: {  	[spmem:s2] =	stream.indirect.scatter.add.f32 [tilespmem:s23], [sflag:$0x1], $0x80, s12, s25, $0xb8;
	[tilespmem:$0x18800] =	vst v63  }
0x101: {  	_ = 	snop  }
0x102: {  	[spmem:s2] =	stream.indirect.scatter.add.f32 [tilespmem:s23], [sflag:$0x1], $0x80, s13, s25, $0xb8;
	[tilespmem:$0x18800] =	vst v63  }
0x103: {  	_ =	swait.ge [sflag:s29], $0x4000  }
0x104: {  	[sflag:s29] =	ssyncset.done $0x0  }
0x105: {  	[sflag:s29] =	ssyncadd.s32 $0xFFFFC000  }
0x106: {  	_ =	swait.ge [sflag:s29], $0x4000  }
0x107: {  	[sflag:s29] =	ssyncset.done $0x0  }
0x108: {  	[sflag:s29] =	ssyncadd.s32 $0xFFFFC000  }
0x109: {  	_ =	swait.ge [sflag:s29], $0x4000  }
0x10a: {  	[sflag:s29] =	ssyncset.done $0x0  }
0x10b: {  	[sflag:s29] =	ssyncadd.s32 $0xFFFFC000  }
0x10c: {  	_ =	swait.ge [sflag:s29], $0x4000  }
0x10d: {  	s18 =	simm.s32 $0x100;
	s20 =	simm.s32 $0x200;
	[sflag:s29] =	ssyncset.done $0x0  }
.LBB2_8:
0x10e: {  	s11 =	sadd.s32 s18, s22  }
0x10f: {  	[sflag:s29] =	ssyncadd.s32 $0xFFFFC000;
	s18 =	smov.u32 s20;
	s19 =	sadd.s32 $0x100, s20  }
0x110: {  	[tilespmem:s3], [sflag:$0x2] =	stream.linear.gather [hbm4b:s11+s3], $0x800, $0x38;
	[tilespmem:$0x18800] =	vst v63  }
0x111: {  	p1 =	sne.s32 s20, $0x400;
	_ =	swait.ge [sflag:s24], $0x800  }
0x112: {  	[sflag:s24] =	ssyncset.done $0x0  }
0x113: {  	[sflag:s24] =	ssyncadd.s32 $0xFFFFF800  }
0x114: {  	[spmem:s2] =	stream.indirect.scatter.add.f32 [tilespmem:s23], [sflag:$0x1], $0x80, s3, s25, $0xb8;
	[tilespmem:$0x18800] =	vst v63  }
0x115: {  	_ = 	snop  }
0x116: {  	[spmem:s2] =	stream.indirect.scatter.add.f32 [tilespmem:s23], [sflag:$0x1], $0x80, s25, s25, $0xb8;
	[tilespmem:$0x18800] =	vst v63  }
0x117: {  	_ = 	snop  }
0x118: {  	[spmem:s2] =	stream.indirect.scatter.add.f32 [tilespmem:s23], [sflag:$0x1], $0x80, s26, s25, $0xb8;
	[tilespmem:$0x18800] =	vst v63  }
0x119: {  	_ = 	snop  }
0x11a: {  	[spmem:s2] =	stream.indirect.scatter.add.f32 [tilespmem:s23], [sflag:$0x1], $0x80, s28, s25, $0xb8;
	[tilespmem:$0x18800] =	vst v63  }
0x11b: {  	_ =	swait.ge [sflag:s29], $0x4000  }
0x11c: {  	[sflag:s29] =	ssyncset.done $0x0  }
0x11d: {  	[sflag:s29] =	ssyncadd.s32 $0xFFFFC000  }
0x11e: {  	_ =	swait.ge [sflag:s29], $0x4000  }
0x11f: {  	[sflag:s29] =	ssyncset.done $0x0  }
0x120: {  	[sflag:s29] =	ssyncadd.s32 $0xFFFFC000  }
0x121: {  	_ =	swait.ge [sflag:s29], $0x4000  }
0x122: {  	[sflag:s29] =	ssyncset.done $0x0  }
0x123: {  	[sflag:s29] =	ssyncadd.s32 $0xFFFFC000  }
0x124: {  	_ =	swait.ge [sflag:s29], $0x4000  }
0x125: {  	[sflag:s29] =	ssyncset.done $0x0  }
0x126: {  	[sflag:s29] =	ssyncadd.s32 $0xFFFFC000  }
0x127: {  	[spmem:s2] =	stream.indirect.scatter.add.f32 [tilespmem:s23], [sflag:$0x1], $0x80, s30, s25, $0xb8;
	[tilespmem:$0x18800] =	vst v63  }
0x128: {  	_ = 	snop  }
0x129: {  	[spmem:s2] =	stream.indirect.scatter.add.f32 [tilespmem:s23], [sflag:$0x1], $0x80, s31, s25, $0xb8;
	[tilespmem:$0x18800] =	vst v63  }
0x12a: {  	_ = 	snop  }
0x12b: {  	[spmem:s2] =	stream.indirect.scatter.add.f32 [tilespmem:s23], [sflag:$0x1], $0x80, s0, s25, $0xb8;
	[tilespmem:$0x18800] =	vst v63  }
0x12c: {  	_ = 	snop  }
0x12d: {  	[spmem:s2] =	stream.indirect.scatter.add.f32 [tilespmem:s23], [sflag:$0x1], $0x80, s1, s25, $0xb8;
	[tilespmem:$0x18800] =	vst v63  }
0x12e: {  	_ =	swait.ge [sflag:s29], $0x4000  }
0x12f: {  	[sflag:s29] =	ssyncset.done $0x0  }
0x130: {  	[sflag:s29] =	ssyncadd.s32 $0xFFFFC000  }
0x131: {  	_ =	swait.ge [sflag:s29], $0x4000  }
0x132: {  	[sflag:s29] =	ssyncset.done $0x0  }
0x133: {  	[sflag:s29] =	ssyncadd.s32 $0xFFFFC000  }
0x134: {  	_ =	swait.ge [sflag:s29], $0x4000  }
0x135: {  	[sflag:s29] =	ssyncset.done $0x0  }
0x136: {  	[sflag:s29] =	ssyncadd.s32 $0xFFFFC000  }
0x137: {  	_ =	swait.ge [sflag:s29], $0x4000  }
0x138: {  	[sflag:s29] =	ssyncset.done $0x0  }
0x139: {  	[sflag:s29] =	ssyncadd.s32 $0xFFFFC000  }
0x13a: {  	[spmem:s2] =	stream.indirect.scatter.add.f32 [tilespmem:s23], [sflag:$0x1], $0x80, s4, s25, $0xb8;
	[tilespmem:$0x18800] =	vst v63  }
0x13b: {  	_ = 	snop  }
0x13c: {  	[spmem:s2] =	stream.indirect.scatter.add.f32 [tilespmem:s23], [sflag:$0x1], $0x80, s5, s25, $0xb8;
	[tilespmem:$0x18800] =	vst v63  }
0x13d: {  	_ = 	snop  }
0x13e: {  	[spmem:s2] =	stream.indirect.scatter.add.f32 [tilespmem:s23], [sflag:$0x1], $0x80, s7, s25, $0xb8;
	[tilespmem:$0x18800] =	vst v63  }
0x13f: {  	_ = 	snop  }
0x140: {  	[spmem:s2] =	stream.indirect.scatter.add.f32 [tilespmem:s23], [sflag:$0x1], $0x80, s8, s25, $0xb8;
	[tilespmem:$0x18800] =	vst v63  }
0x141: {  	_ =	swait.ge [sflag:s29], $0x4000  }
0x142: {  	[sflag:s29] =	ssyncset.done $0x0  }
0x143: {  	[sflag:s29] =	ssyncadd.s32 $0xFFFFC000  }
0x144: {  	_ =	swait.ge [sflag:s29], $0x4000  }
0x145: {  	[sflag:s29] =	ssyncset.done $0x0  }
0x146: {  	[sflag:s29] =	ssyncadd.s32 $0xFFFFC000  }
0x147: {  	_ =	swait.ge [sflag:s29], $0x4000  }
0x148: {  	[sflag:s29] =	ssyncset.done $0x0  }
0x149: {  	[sflag:s29] =	ssyncadd.s32 $0xFFFFC000  }
0x14a: {  	_ =	swait.ge [sflag:s29], $0x4000  }
0x14b: {  	[sflag:s29] =	ssyncset.done $0x0  }
0x14c: {  	[sflag:s29] =	ssyncadd.s32 $0xFFFFC000  }
0x14d: {  	[spmem:s2] =	stream.indirect.scatter.add.f32 [tilespmem:s23], [sflag:$0x1], $0x80, s9, s25, $0xb8;
	[tilespmem:$0x18800] =	vst v63  }
0x14e: {  	_ = 	snop  }
0x14f: {  	[spmem:s2] =	stream.indirect.scatter.add.f32 [tilespmem:s23], [sflag:$0x1], $0x80, s10, s25, $0xb8;
	[tilespmem:$0x18800] =	vst v63  }
0x150: {  	_ = 	snop  }
0x151: {  	[spmem:s2] =	stream.indirect.scatter.add.f32 [tilespmem:s23], [sflag:$0x1], $0x80, s12, s25, $0xb8;
	[tilespmem:$0x18800] =	vst v63  }
0x152: {  	_ = 	snop  }
0x153: {  	[spmem:s2] =	stream.indirect.scatter.add.f32 [tilespmem:s23], [sflag:$0x1], $0x80, s13, s25, $0xb8;
	[tilespmem:$0x18800] =	vst v63  }
0x154: {  	_ =	swait.ge [sflag:s29], $0x4000  }
0x155: {  	[sflag:s29] =	ssyncset.done $0x0  }
0x156: {  	[sflag:s29] =	ssyncadd.s32 $0xFFFFC000  }
0x157: {  	_ =	swait.ge [sflag:s29], $0x4000  }
0x158: {  	[sflag:s29] =	ssyncset.done $0x0  }
0x159: {  	[sflag:s29] =	ssyncadd.s32 $0xFFFFC000  }
.Ltmp4:
0x15a: {  	_ =	swait.ge [sflag:s29], $0x4000;
	(pc) =	sbr.rel @p1 .LBB2_8-.Ltmp4, $4  }
0x15b: {  	[sflag:s29] =	ssyncset.done $0x0  }
0x15c: {  	[sflag:s29] =	ssyncadd.s32 $0xFFFFC000  }
0x15d: {  	_ =	swait.ge [sflag:s29], $0x4000  }
0x15e: {  	s20 =	smov.u32 s19;
	[sflag:s29] =	ssyncset.done $0x0  }
0x15f: {  	s11 =	sadd.s32 s18, s22;
	[sflag:s29] =	ssyncadd.s32 $0xFFFFC000  }
0x160: {  	[tilespmem:s3], [sflag:$0x2] =	stream.linear.gather [hbm4b:s11+s3], $0x800, $0x38;
	[tilespmem:$0x18800] =	vst v63  }
0x161: {  	_ =	swait.ge [sflag:s24], $0x800  }
0x162: {  	[sflag:s24] =	ssyncset.done $0x0  }
0x163: {  	[sflag:s24] =	ssyncadd.s32 $0xFFFFF800  }
0x164: {  	[spmem:s2] =	stream.indirect.scatter.add.f32 [tilespmem:s23], [sflag:$0x1], $0x80, s3, s25, $0xb8;
	[tilespmem:$0x18800] =	vst v63  }
0x165: {  	_ = 	snop  }
0x166: {  	[spmem:s2] =	stream.indirect.scatter.add.f32 [tilespmem:s23], [sflag:$0x1], $0x80, s25, s25, $0xb8;
	[tilespmem:$0x18800] =	vst v63  }
0x167: {  	_ = 	snop  }
0x168: {  	[spmem:s2] =	stream.indirect.scatter.add.f32 [tilespmem:s23], [sflag:$0x1], $0x80, s26, s25, $0xb8;
	[tilespmem:$0x18800] =	vst v63  }
0x169: {  	_ = 	snop  }
0x16a: {  	[spmem:s2] =	stream.indirect.scatter.add.f32 [tilespmem:s23], [sflag:$0x1], $0x80, s28, s25, $0xb8;
	[tilespmem:$0x18800] =	vst v63  }
0x16b: {  	_ =	swait.ge [sflag:s29], $0x4000  }
0x16c: {  	[sflag:s29] =	ssyncset.done $0x0  }
0x16d: {  	[sflag:s29] =	ssyncadd.s32 $0xFFFFC000  }
0x16e: {  	_ =	swait.ge [sflag:s29], $0x4000  }
0x16f: {  	[sflag:s29] =	ssyncset.done $0x0  }
0x170: {  	[sflag:s29] =	ssyncadd.s32 $0xFFFFC000  }
0x171: {  	_ =	swait.ge [sflag:s29], $0x4000  }
0x172: {  	[sflag:s29] =	ssyncset.done $0x0  }
0x173: {  	[sflag:s29] =	ssyncadd.s32 $0xFFFFC000  }
0x174: {  	_ =	swait.ge [sflag:s29], $0x4000  }
0x175: {  	[sflag:s29] =	ssyncset.done $0x0  }
0x176: {  	[sflag:s29] =	ssyncadd.s32 $0xFFFFC000  }
0x177: {  	[spmem:s2] =	stream.indirect.scatter.add.f32 [tilespmem:s23], [sflag:$0x1], $0x80, s30, s25, $0xb8;
	[tilespmem:$0x18800] =	vst v63  }
0x178: {  	_ = 	snop  }
0x179: {  	[spmem:s2] =	stream.indirect.scatter.add.f32 [tilespmem:s23], [sflag:$0x1], $0x80, s31, s25, $0xb8;
	[tilespmem:$0x18800] =	vst v63  }
0x17a: {  	_ = 	snop  }
0x17b: {  	[spmem:s2] =	stream.indirect.scatter.add.f32 [tilespmem:s23], [sflag:$0x1], $0x80, s0, s25, $0xb8;
	[tilespmem:$0x18800] =	vst v63  }
0x17c: {  	_ = 	snop  }
0x17d: {  	[spmem:s2] =	stream.indirect.scatter.add.f32 [tilespmem:s23], [sflag:$0x1], $0x80, s1, s25, $0xb8;
	[tilespmem:$0x18800] =	vst v63  }
0x17e: {  	_ =	swait.ge [sflag:s29], $0x4000  }
0x17f: {  	[sflag:s29] =	ssyncset.done $0x0  }
0x180: {  	[sflag:s29] =	ssyncadd.s32 $0xFFFFC000  }
0x181: {  	_ =	swait.ge [sflag:s29], $0x4000  }
0x182: {  	[sflag:s29] =	ssyncset.done $0x0  }
0x183: {  	[sflag:s29] =	ssyncadd.s32 $0xFFFFC000  }
0x184: {  	_ =	swait.ge [sflag:s29], $0x4000  }
0x185: {  	[sflag:s29] =	ssyncset.done $0x0  }
0x186: {  	[sflag:s29] =	ssyncadd.s32 $0xFFFFC000  }
0x187: {  	_ =	swait.ge [sflag:s29], $0x4000  }
0x188: {  	[sflag:s29] =	ssyncset.done $0x0  }
0x189: {  	[sflag:s29] =	ssyncadd.s32 $0xFFFFC000  }
0x18a: {  	[spmem:s2] =	stream.indirect.scatter.add.f32 [tilespmem:s23], [sflag:$0x1], $0x80, s4, s25, $0xb8;
	[tilespmem:$0x18800] =	vst v63  }
0x18b: {  	_ = 	snop  }
0x18c: {  	[spmem:s2] =	stream.indirect.scatter.add.f32 [tilespmem:s23], [sflag:$0x1], $0x80, s5, s25, $0xb8;
	[tilespmem:$0x18800] =	vst v63  }
0x18d: {  	_ = 	snop  }
0x18e: {  	[spmem:s2] =	stream.indirect.scatter.add.f32 [tilespmem:s23], [sflag:$0x1], $0x80, s7, s25, $0xb8;
	[tilespmem:$0x18800] =	vst v63  }
0x18f: {  	_ = 	snop  }
0x190: {  	[spmem:s2] =	stream.indirect.scatter.add.f32 [tilespmem:s23], [sflag:$0x1], $0x80, s8, s25, $0xb8;
	[tilespmem:$0x18800] =	vst v63  }
0x191: {  	_ =	swait.ge [sflag:s29], $0x4000  }
0x192: {  	[sflag:s29] =	ssyncset.done $0x0  }
0x193: {  	[sflag:s29] =	ssyncadd.s32 $0xFFFFC000  }
0x194: {  	_ =	swait.ge [sflag:s29], $0x4000  }
0x195: {  	[sflag:s29] =	ssyncset.done $0x0  }
0x196: {  	[sflag:s29] =	ssyncadd.s32 $0xFFFFC000  }
0x197: {  	_ =	swait.ge [sflag:s29], $0x4000  }
0x198: {  	[sflag:s29] =	ssyncset.done $0x0  }
0x199: {  	[sflag:s29] =	ssyncadd.s32 $0xFFFFC000  }
0x19a: {  	_ =	swait.ge [sflag:s29], $0x4000  }
0x19b: {  	[sflag:s29] =	ssyncset.done $0x0  }
0x19c: {  	[sflag:s29] =	ssyncadd.s32 $0xFFFFC000  }
0x19d: {  	[spmem:s2] =	stream.indirect.scatter.add.f32 [tilespmem:s23], [sflag:$0x1], $0x80, s9, s25, $0xb8;
	[tilespmem:$0x18800] =	vst v63  }
0x19e: {  	_ = 	snop  }
0x19f: {  	[spmem:s2] =	stream.indirect.scatter.add.f32 [tilespmem:s23], [sflag:$0x1], $0x80, s10, s25, $0xb8;
	[tilespmem:$0x18800] =	vst v63  }
0x1a0: {  	_ = 	snop  }
0x1a1: {  	[spmem:s2] =	stream.indirect.scatter.add.f32 [tilespmem:s23], [sflag:$0x1], $0x80, s12, s25, $0xb8;
	[tilespmem:$0x18800] =	vst v63  }
0x1a2: {  	_ = 	snop  }
0x1a3: {  	[spmem:s2] =	stream.indirect.scatter.add.f32 [tilespmem:s23], [sflag:$0x1], $0x80, s13, s25, $0xb8;
	[tilespmem:$0x18800] =	vst v63  }
0x1a4: {  	_ =	swait.ge [sflag:s29], $0x4000  }
0x1a5: {  	[sflag:s29] =	ssyncset.done $0x0  }
0x1a6: {  	[sflag:s29] =	ssyncadd.s32 $0xFFFFC000  }
0x1a7: {  	_ =	swait.ge [sflag:s29], $0x4000  }
0x1a8: {  	[sflag:s29] =	ssyncset.done $0x0  }
0x1a9: {  	[sflag:s29] =	ssyncadd.s32 $0xFFFFC000  }
0x1aa: {  	_ =	swait.ge [sflag:s29], $0x4000  }
.Ltmp5:
0x1ab: {  	[sflag:s29] =	ssyncset.done $0x0;
	(pc) =	sbr.rel .LBB2_10-.Ltmp5, $4  }
0x1ac: {  	[sflag:s29] =	ssyncadd.s32 $0xFFFFC000  }
0x1ad: {  	_ =	swait.ge [sflag:s29], $0x4000  }
0x1ae: {  	[sflag:s29] =	ssyncset.done $0x0  }
0x1af: {  	s18 =	rddreg [dreg:$0x4];
	[sflag:s29] =	ssyncadd.s32 $0xFFFFC000  }
.LBB2_4:
0x1b0: {  	s11 =	rddreg [dreg:$0x7]  }
0x1b1: {  	[spmem:s11] =	stream.linear.scatter [tilespmem:s23], [sflag:$0x2], $0x4000, $0x38;
	[tilespmem:$0x18800] =	vst v63  }
0x1b2: {  	_ =	swait.ge [sflag:s24], $0x4000  }
0x1b3: {  	[sflag:s24] =	ssyncset.done $0x0  }
0x1b4: {  	s18 =	rddreg [dreg:$0x8];
	[sflag:s24] =	ssyncadd.s32 $0xFFFFC000  }
0x1b5: {  	[spmem:s18] =	stream.linear.scatter [tilespmem:s23], [sflag:$0x2], $0x4000, $0x38;
	[tilespmem:$0x18800] =	vst v63  }
0x1b6: {  	_ =	swait.ge [sflag:s24], $0x4000  }
0x1b7: {  	[sflag:s24] =	ssyncset.done $0x0  }
0x1b8: {  	s19 =	rddreg [dreg:$0xa];
	[sflag:s24] =	ssyncadd.s32 $0xFFFFC000  }
0x1b9: {  	[spmem:s19] =	stream.linear.scatter [tilespmem:s23], [sflag:$0x2], $0x4000, $0x38;
	[tilespmem:$0x18800] =	vst v63  }
0x1ba: {  	_ =	swait.ge [sflag:s24], $0x4000  }
0x1bb: {  	[sflag:s24] =	ssyncset.done $0x0  }
0x1bc: {  	s20 =	rddreg [dreg:$0xb];
	[sflag:s24] =	ssyncadd.s32 $0xFFFFC000  }
0x1bd: {  	[spmem:s20] =	stream.linear.scatter [tilespmem:s23], [sflag:$0x2], $0x4000, $0x38;
	[tilespmem:$0x18800] =	vst v63  }
0x1be: {  	_ =	swait.ge [sflag:s24], $0x4000  }
0x1bf: {  	[sflag:s24] =	ssyncset.done $0x0  }
0x1c0: {  	[sflag:s24] =	ssyncadd.s32 $0xFFFFC000  }
0x1c1: {  	s18 =	sadd.s32 $0x0, s21;
	[bflag:$0x0] =	sbarrier.arrive $0xFFFF  }
0x1c2: {  	[tilespmem:s3], [sflag:$0x2] =	stream.linear.gather [hbm4b:s18+s3], $0x800, $0x38;
	[tilespmem:$0x18800] =	vst v63  }
0x1c3: {  	_ =	swait.ge [sflag:s24], $0x800  }
0x1c4: {  	[sflag:s24] =	ssyncset.done $0x0  }
0x1c5: {  	[sflag:s24] =	ssyncadd.s32 $0xFFFFF800  }
0x1c6: {  	[spmem:s2] =	stream.indirect.scatter.add.f32 [tilespmem:s23], [sflag:$0x1], $0x80, s3, s25, $0xb8;
	[tilespmem:$0x18800] =	vst v63  }
0x1c7: {  	_ = 	snop  }
0x1c8: {  	[spmem:s2] =	stream.indirect.scatter.add.f32 [tilespmem:s23], [sflag:$0x1], $0x80, s25, s25, $0xb8;
	[tilespmem:$0x18800] =	vst v63  }
0x1c9: {  	_ = 	snop  }
0x1ca: {  	[spmem:s2] =	stream.indirect.scatter.add.f32 [tilespmem:s23], [sflag:$0x1], $0x80, s26, s25, $0xb8;
	[tilespmem:$0x18800] =	vst v63  }
0x1cb: {  	_ = 	snop  }
0x1cc: {  	[spmem:s2] =	stream.indirect.scatter.add.f32 [tilespmem:s23], [sflag:$0x1], $0x80, s28, s25, $0xb8;
	[tilespmem:$0x18800] =	vst v63  }
0x1cd: {  	_ =	swait.ge [sflag:s29], $0x4000  }
0x1ce: {  	[sflag:s29] =	ssyncset.done $0x0  }
0x1cf: {  	[sflag:s29] =	ssyncadd.s32 $0xFFFFC000  }
0x1d0: {  	_ =	swait.ge [sflag:s29], $0x4000  }
0x1d1: {  	[sflag:s29] =	ssyncset.done $0x0  }
0x1d2: {  	[sflag:s29] =	ssyncadd.s32 $0xFFFFC000  }
0x1d3: {  	_ =	swait.ge [sflag:s29], $0x4000  }
0x1d4: {  	[sflag:s29] =	ssyncset.done $0x0  }
0x1d5: {  	[sflag:s29] =	ssyncadd.s32 $0xFFFFC000  }
0x1d6: {  	_ =	swait.ge [sflag:s29], $0x4000  }
0x1d7: {  	[sflag:s29] =	ssyncset.done $0x0  }
0x1d8: {  	[sflag:s29] =	ssyncadd.s32 $0xFFFFC000  }
0x1d9: {  	[spmem:s2] =	stream.indirect.scatter.add.f32 [tilespmem:s23], [sflag:$0x1], $0x80, s30, s25, $0xb8;
	[tilespmem:$0x18800] =	vst v63  }
0x1da: {  	_ = 	snop  }
0x1db: {  	[spmem:s2] =	stream.indirect.scatter.add.f32 [tilespmem:s23], [sflag:$0x1], $0x80, s31, s25, $0xb8;
	[tilespmem:$0x18800] =	vst v63  }
0x1dc: {  	_ = 	snop  }
0x1dd: {  	[spmem:s2] =	stream.indirect.scatter.add.f32 [tilespmem:s23], [sflag:$0x1], $0x80, s0, s25, $0xb8;
	[tilespmem:$0x18800] =	vst v63  }
0x1de: {  	_ = 	snop  }
0x1df: {  	[spmem:s2] =	stream.indirect.scatter.add.f32 [tilespmem:s23], [sflag:$0x1], $0x80, s1, s25, $0xb8;
	[tilespmem:$0x18800] =	vst v63  }
0x1e0: {  	_ =	swait.ge [sflag:s29], $0x4000  }
0x1e1: {  	[sflag:s29] =	ssyncset.done $0x0  }
0x1e2: {  	[sflag:s29] =	ssyncadd.s32 $0xFFFFC000  }
0x1e3: {  	_ =	swait.ge [sflag:s29], $0x4000  }
0x1e4: {  	[sflag:s29] =	ssyncset.done $0x0  }
0x1e5: {  	[sflag:s29] =	ssyncadd.s32 $0xFFFFC000  }
0x1e6: {  	_ =	swait.ge [sflag:s29], $0x4000  }
0x1e7: {  	[sflag:s29] =	ssyncset.done $0x0  }
0x1e8: {  	[sflag:s29] =	ssyncadd.s32 $0xFFFFC000  }
0x1e9: {  	_ =	swait.ge [sflag:s29], $0x4000  }
0x1ea: {  	[sflag:s29] =	ssyncset.done $0x0  }
0x1eb: {  	[sflag:s29] =	ssyncadd.s32 $0xFFFFC000  }
0x1ec: {  	[spmem:s2] =	stream.indirect.scatter.add.f32 [tilespmem:s23], [sflag:$0x1], $0x80, s4, s25, $0xb8;
	[tilespmem:$0x18800] =	vst v63  }
0x1ed: {  	_ = 	snop  }
0x1ee: {  	[spmem:s2] =	stream.indirect.scatter.add.f32 [tilespmem:s23], [sflag:$0x1], $0x80, s5, s25, $0xb8;
	[tilespmem:$0x18800] =	vst v63  }
0x1ef: {  	_ = 	snop  }
0x1f0: {  	[spmem:s2] =	stream.indirect.scatter.add.f32 [tilespmem:s23], [sflag:$0x1], $0x80, s7, s25, $0xb8;
	[tilespmem:$0x18800] =	vst v63  }
0x1f1: {  	_ = 	snop  }
0x1f2: {  	[spmem:s2] =	stream.indirect.scatter.add.f32 [tilespmem:s23], [sflag:$0x1], $0x80, s8, s25, $0xb8;
	[tilespmem:$0x18800] =	vst v63  }
0x1f3: {  	_ =	swait.ge [sflag:s29], $0x4000  }
0x1f4: {  	[sflag:s29] =	ssyncset.done $0x0  }
0x1f5: {  	[sflag:s29] =	ssyncadd.s32 $0xFFFFC000  }
0x1f6: {  	_ =	swait.ge [sflag:s29], $0x4000  }
0x1f7: {  	[sflag:s29] =	ssyncset.done $0x0  }
0x1f8: {  	[sflag:s29] =	ssyncadd.s32 $0xFFFFC000  }
0x1f9: {  	_ =	swait.ge [sflag:s29], $0x4000  }
0x1fa: {  	[sflag:s29] =	ssyncset.done $0x0  }
0x1fb: {  	[sflag:s29] =	ssyncadd.s32 $0xFFFFC000  }
0x1fc: {  	_ =	swait.ge [sflag:s29], $0x4000  }
0x1fd: {  	[sflag:s29] =	ssyncset.done $0x0  }
0x1fe: {  	[sflag:s29] =	ssyncadd.s32 $0xFFFFC000  }
0x1ff: {  	[spmem:s2] =	stream.indirect.scatter.add.f32 [tilespmem:s23], [sflag:$0x1], $0x80, s9, s25, $0xb8;
	[tilespmem:$0x18800] =	vst v63  }
0x200: {  	_ = 	snop  }
0x201: {  	[spmem:s2] =	stream.indirect.scatter.add.f32 [tilespmem:s23], [sflag:$0x1], $0x80, s10, s25, $0xb8;
	[tilespmem:$0x18800] =	vst v63  }
0x202: {  	_ = 	snop  }
0x203: {  	[spmem:s2] =	stream.indirect.scatter.add.f32 [tilespmem:s23], [sflag:$0x1], $0x80, s12, s25, $0xb8;
	[tilespmem:$0x18800] =	vst v63  }
0x204: {  	_ = 	snop  }
0x205: {  	[spmem:s2] =	stream.indirect.scatter.add.f32 [tilespmem:s23], [sflag:$0x1], $0x80, s13, s25, $0xb8;
	[tilespmem:$0x18800] =	vst v63  }
0x206: {  	_ =	swait.ge [sflag:s29], $0x4000  }
0x207: {  	[sflag:s29] =	ssyncset.done $0x0  }
0x208: {  	[sflag:s29] =	ssyncadd.s32 $0xFFFFC000  }
0x209: {  	_ =	swait.ge [sflag:s29], $0x4000  }
0x20a: {  	[sflag:s29] =	ssyncset.done $0x0  }
0x20b: {  	[sflag:s29] =	ssyncadd.s32 $0xFFFFC000  }
0x20c: {  	_ =	swait.ge [sflag:s29], $0x4000  }
0x20d: {  	[sflag:s29] =	ssyncset.done $0x0  }
0x20e: {  	[sflag:s29] =	ssyncadd.s32 $0xFFFFC000  }
0x20f: {  	_ =	swait.ge [sflag:s29], $0x4000  }
0x210: {  	s19 =	simm.s32 $0x200;
	s18 =	simm.s32 $0x100;
	[sflag:s29] =	ssyncset.done $0x0  }
.LBB2_5:
0x211: {  	s11 =	sadd.s32 s18, s21  }
0x212: {  	[sflag:s29] =	ssyncadd.s32 $0xFFFFC000;
	s18 =	smov.u32 s19;
	s20 =	sadd.s32 $0x100, s19  }
0x213: {  	[tilespmem:s3], [sflag:$0x2] =	stream.linear.gather [hbm4b:s11+s3], $0x800, $0x38;
	[tilespmem:$0x18800] =	vst v63  }
0x214: {  	p1 =	seq.s32 s19, $0x400;
	_ =	swait.ge [sflag:s24], $0x800  }
0x215: {  	[sflag:s24] =	ssyncset.done $0x0  }
0x216: {  	[sflag:s24] =	ssyncadd.s32 $0xFFFFF800  }
0x217: {  	[spmem:s2] =	stream.indirect.scatter.add.f32 [tilespmem:s23], [sflag:$0x1], $0x80, s3, s25, $0xb8;
	[tilespmem:$0x18800] =	vst v63  }
0x218: {  	_ = 	snop  }
0x219: {  	[spmem:s2] =	stream.indirect.scatter.add.f32 [tilespmem:s23], [sflag:$0x1], $0x80, s25, s25, $0xb8;
	[tilespmem:$0x18800] =	vst v63  }
0x21a: {  	_ = 	snop  }
0x21b: {  	[spmem:s2] =	stream.indirect.scatter.add.f32 [tilespmem:s23], [sflag:$0x1], $0x80, s26, s25, $0xb8;
	[tilespmem:$0x18800] =	vst v63  }
0x21c: {  	_ = 	snop  }
0x21d: {  	[spmem:s2] =	stream.indirect.scatter.add.f32 [tilespmem:s23], [sflag:$0x1], $0x80, s28, s25, $0xb8;
	[tilespmem:$0x18800] =	vst v63  }
0x21e: {  	_ =	swait.ge [sflag:s29], $0x4000  }
0x21f: {  	[sflag:s29] =	ssyncset.done $0x0  }
0x220: {  	[sflag:s29] =	ssyncadd.s32 $0xFFFFC000  }
0x221: {  	_ =	swait.ge [sflag:s29], $0x4000  }
0x222: {  	[sflag:s29] =	ssyncset.done $0x0  }
0x223: {  	[sflag:s29] =	ssyncadd.s32 $0xFFFFC000  }
0x224: {  	_ =	swait.ge [sflag:s29], $0x4000  }
0x225: {  	[sflag:s29] =	ssyncset.done $0x0  }
0x226: {  	[sflag:s29] =	ssyncadd.s32 $0xFFFFC000  }
0x227: {  	_ =	swait.ge [sflag:s29], $0x4000  }
0x228: {  	[sflag:s29] =	ssyncset.done $0x0  }
0x229: {  	[sflag:s29] =	ssyncadd.s32 $0xFFFFC000  }
0x22a: {  	[spmem:s2] =	stream.indirect.scatter.add.f32 [tilespmem:s23], [sflag:$0x1], $0x80, s30, s25, $0xb8;
	[tilespmem:$0x18800] =	vst v63  }
0x22b: {  	_ = 	snop  }
0x22c: {  	[spmem:s2] =	stream.indirect.scatter.add.f32 [tilespmem:s23], [sflag:$0x1], $0x80, s31, s25, $0xb8;
	[tilespmem:$0x18800] =	vst v63  }
0x22d: {  	_ = 	snop  }
0x22e: {  	[spmem:s2] =	stream.indirect.scatter.add.f32 [tilespmem:s23], [sflag:$0x1], $0x80, s0, s25, $0xb8;
	[tilespmem:$0x18800] =	vst v63  }
0x22f: {  	_ = 	snop  }
0x230: {  	[spmem:s2] =	stream.indirect.scatter.add.f32 [tilespmem:s23], [sflag:$0x1], $0x80, s1, s25, $0xb8;
	[tilespmem:$0x18800] =	vst v63  }
0x231: {  	_ =	swait.ge [sflag:s29], $0x4000  }
0x232: {  	[sflag:s29] =	ssyncset.done $0x0  }
0x233: {  	[sflag:s29] =	ssyncadd.s32 $0xFFFFC000  }
0x234: {  	_ =	swait.ge [sflag:s29], $0x4000  }
0x235: {  	[sflag:s29] =	ssyncset.done $0x0  }
0x236: {  	[sflag:s29] =	ssyncadd.s32 $0xFFFFC000  }
0x237: {  	_ =	swait.ge [sflag:s29], $0x4000  }
0x238: {  	[sflag:s29] =	ssyncset.done $0x0  }
0x239: {  	[sflag:s29] =	ssyncadd.s32 $0xFFFFC000  }
0x23a: {  	_ =	swait.ge [sflag:s29], $0x4000  }
0x23b: {  	[sflag:s29] =	ssyncset.done $0x0  }
0x23c: {  	[sflag:s29] =	ssyncadd.s32 $0xFFFFC000  }
0x23d: {  	[spmem:s2] =	stream.indirect.scatter.add.f32 [tilespmem:s23], [sflag:$0x1], $0x80, s4, s25, $0xb8;
	[tilespmem:$0x18800] =	vst v63  }
0x23e: {  	_ = 	snop  }
0x23f: {  	[spmem:s2] =	stream.indirect.scatter.add.f32 [tilespmem:s23], [sflag:$0x1], $0x80, s5, s25, $0xb8;
	[tilespmem:$0x18800] =	vst v63  }
0x240: {  	_ = 	snop  }
0x241: {  	[spmem:s2] =	stream.indirect.scatter.add.f32 [tilespmem:s23], [sflag:$0x1], $0x80, s7, s25, $0xb8;
	[tilespmem:$0x18800] =	vst v63  }
0x242: {  	_ = 	snop  }
0x243: {  	[spmem:s2] =	stream.indirect.scatter.add.f32 [tilespmem:s23], [sflag:$0x1], $0x80, s8, s25, $0xb8;
	[tilespmem:$0x18800] =	vst v63  }
0x244: {  	_ =	swait.ge [sflag:s29], $0x4000  }
0x245: {  	[sflag:s29] =	ssyncset.done $0x0  }
0x246: {  	[sflag:s29] =	ssyncadd.s32 $0xFFFFC000  }
0x247: {  	_ =	swait.ge [sflag:s29], $0x4000  }
0x248: {  	[sflag:s29] =	ssyncset.done $0x0  }
0x249: {  	[sflag:s29] =	ssyncadd.s32 $0xFFFFC000  }
0x24a: {  	_ =	swait.ge [sflag:s29], $0x4000  }
0x24b: {  	[sflag:s29] =	ssyncset.done $0x0  }
0x24c: {  	[sflag:s29] =	ssyncadd.s32 $0xFFFFC000  }
0x24d: {  	_ =	swait.ge [sflag:s29], $0x4000  }
0x24e: {  	[sflag:s29] =	ssyncset.done $0x0  }
0x24f: {  	[sflag:s29] =	ssyncadd.s32 $0xFFFFC000  }
0x250: {  	[spmem:s2] =	stream.indirect.scatter.add.f32 [tilespmem:s23], [sflag:$0x1], $0x80, s9, s25, $0xb8;
	[tilespmem:$0x18800] =	vst v63  }
0x251: {  	_ = 	snop  }
0x252: {  	[spmem:s2] =	stream.indirect.scatter.add.f32 [tilespmem:s23], [sflag:$0x1], $0x80, s10, s25, $0xb8;
	[tilespmem:$0x18800] =	vst v63  }
0x253: {  	_ = 	snop  }
0x254: {  	[spmem:s2] =	stream.indirect.scatter.add.f32 [tilespmem:s23], [sflag:$0x1], $0x80, s12, s25, $0xb8;
	[tilespmem:$0x18800] =	vst v63  }
0x255: {  	_ = 	snop  }
0x256: {  	[spmem:s2] =	stream.indirect.scatter.add.f32 [tilespmem:s23], [sflag:$0x1], $0x80, s13, s25, $0xb8;
	[tilespmem:$0x18800] =	vst v63  }
0x257: {  	_ =	swait.ge [sflag:s29], $0x4000  }
0x258: {  	[sflag:s29] =	ssyncset.done $0x0  }
0x259: {  	[sflag:s29] =	ssyncadd.s32 $0xFFFFC000  }
0x25a: {  	_ =	swait.ge [sflag:s29], $0x4000  }
0x25b: {  	[sflag:s29] =	ssyncset.done $0x0  }
0x25c: {  	[sflag:s29] =	ssyncadd.s32 $0xFFFFC000  }
.Ltmp6:
0x25d: {  	_ =	swait.ge [sflag:s29], $0x4000;
	(pc) =	sbr.rel @!p1 .LBB2_5-.Ltmp6, $4  }
0x25e: {  	[sflag:s29] =	ssyncset.done $0x0  }
0x25f: {  	[sflag:s29] =	ssyncadd.s32 $0xFFFFC000  }
0x260: {  	_ =	swait.ge [sflag:s29], $0x4000  }
0x261: {  	s19 =	smov.u32 s20;
	[sflag:s29] =	ssyncset.done $0x0  }
.Ltmp7:
0x262: {  	_ = 	snop;
	(pc) =	sbr.rel .LBB2_6-.Ltmp7, $1  }
0x263: {  	_ =	sdelay $0x3  }
.LBB2_11:
0x264: {  	_ =	sfence.sel $0x180000  }
0x265: {  	[bflag:$0x0] =	sbarrier.arrive $0xFFFF  }
0x266: {  	_ =	strace $0x90000047  }
0x267: {  	s0 =	stileid.u32;
	[bflag:$0x2] =	sbarrier.arrive $0xFFFF  }
0x268: {  	p0 =	sne.s32 s0, $0x0;
	s0 =	rddreg [dreg:$0x2]  }
0x269: {  	s0 =	sadd.s32 @!p0 $0x100000, s0  }
0x26a: {  	[sflag:s0] =	ssyncadd.tile.s32 @!p0 $0x1;
	_ =	shalt  }
.Lfunc_end2:
_tile_overlayer_lowered:
.L_overlay_start_2:
0x26b: {  	(tag) =	ssettag $0x2  }
0x26c: {  	s0 =	rddreg [dreg:$0x0];
	s2 =	stileid.u32  }
0x26d: {  	s1 =	rddreg [dreg:$0x1];
	p0 =	sne.s32 s2, $0x0  }
0x26e: {  	s3 =	rddreg [dreg:$0x2];
	[bflag:$0x3] =	sbarrier.arrive $0xFFFF;
	s2 =	simm.s32 @!p0 $0x1C02  }
0x26f: {  	[timem:s3], [sflag:s2] =	dma.local @!p0 [hbm:s0], s1  }
0x270: {  	s0 =	simm.s32 @!p0 $0x2  }
0x271: {  	_ =	swait.ge @!p0 [sflag:s0], s1  }
0x272: {  	s1 =	ssub.s32 @!p0 $0x0, s1;
	[sflag:s0] =	ssyncset.done @!p0 $0x0  }
0x273: {  	[sflag:s0] =	ssyncadd.s32 @!p0 s1  }
0x274: {  	[bflag:$0x3] =	sbarrier.arrive $0xFFFF  }
0x275: {  	_ =	shalt  }

// kernel: kernel.9.cloned.1.call-start
scs
__scs_entry_jumppad:
0x0: {  	(pc) =	sbr.rel $0x88, $3  }
0x1: {  	(tag) =	ssettag $0x0;
	lr =	simm.s32 $0x1  }
0x2: {  	[smem:$0x3F92] =	sst lr;
	_ =	strace $0xD0000000  }
0x3: {  	_ = 	snop  }
0x4: {  	_ = 	snop  }
0x5: {  	_ = 	snop  }
0x6: {  	_ = 	snop  }
0x7: {  	_ = 	snop  }
__scs_overlays_trampoline_lowered:
0x8: {  	[smem:$0x3FA1] =	sst s0  }
0x9: {  	[smem:$0x3FA2] =	sst s1  }
0xa: {  	[smem:$0x3FA3] =	sst s2  }
0xb: {  	[smem:$0x3FA4] =	sst s3  }
0xc: {  	[smem:$0x3FA5] =	sst s4  }
0xd: {  	[smem:$0x3FA6] =	sst s5  }
0xe: {  	[smem:$0x3FA7] =	sst s6  }
0xf: {  	[smem:$0x3FA8] =	sst s7  }
0x10: {  	[smem:$0x3FA9] =	sst s8  }
0x11: {  	[smem:$0x3FAA] =	sst s9;
	s0 =	simm.s32 @!p0 $0x0  }
0x12: {  	s1 =	sld [smem:$0x3F90];
	s0 =	simm.s32 @p0 $0x1  }
0x13: {  	[smem:$0x3FAB] =	sst s0;
	s0 =	simm.s32 @!p1 $0x0  }
0x14: {  	s2 =	sld [smem:$0x3F8F];
	s0 =	simm.s32 @p1 $0x1  }
0x15: {  	[smem:$0x3FAC] =	sst s0;
	s0 =	simm.s32 @!p2 $0x0  }
0x16: {  	s3 =	sld [smem:$0x3FDB];
	s0 =	simm.s32 @p2 $0x1  }
0x17: {  	s4 =	simm.s32 $0x1BF5;
	[smem:$0x3FAE] =	sst s0  }
0x18: {  	s0 =	sld [smem:$0x3F91];
	_ =	swait.ge [sflag:s4], $0x0  }
0x19: {  	s7 =	sld [smem:$0x3F92]  }
0x1a: {  	s8 =	sadd.s32 $0xFFFFE003, lr  }
0x1b: {  	s9 =	sadd.s32 $0xFFFFFEF7, lr;
	s5 =	simm.s32 $0xFFFFFFFF;
	p2 =	slt.u32 s8, $0xFFFFF086  }
0x1c: {  	p1 =	slt.u32 s9, $0xF7A;
	s5 =	simm.s32 @!p2 $0x0  }
0x1d: {  	s5 =	simm.s32 @p1 $0x1;
	p0 =	seq.s32 s7, s2  }
0x1e: {  	s7 =	smul.u32 @!p0 $0xF7A, s2;
	p2 =	seq.s32 @!p0 s5, $0x0  }
0x1f: {  	s9 =	smul.u32 $0xF7A, s1;
	s8 =	simm.s32 @!p0 $0x1BF5;
	p2 =	por !p2, p0  }
0x20: {  	[sflag:s8] =	ssyncset.s32 @!p0 $0xFFFFF086;
	s6 =	sadd.s32 @!p0 s3, s7;
	s7 =	simm.s32 @!p0 $0x108  }
0x21: {  	s3 =	sadd.s32 s3, s9;
	s6 =	sadd.s32 @!p0 $0x88, s6;
	s7 =	simm.s32 @p2 $0x1082  }
0x22: {  	[simem:s7], [sflag:s8] =	dma.local @!p0 [hbm:s6], $0xF7A  }
0x23: {  	s9 =	sor.u32 $0xD0000000, s2;
	s6 =	simm.s32 $0x108;
	_ =	swait.ge @!p0 [sflag:s8], $0x0  }
0x24: {  	s3 =	sadd.s32 $0x88, s3;
	s6 =	simm.s32 @!p1 $0x1082;
	[sflag:s4] =	ssyncset.s32 $0xFFFFF086  }
0x25: {  	[simem:s6], [sflag:s4] =	dma.local [hbm:s3], $0xF7A  }
0x26: {  	[smem:$0x3F92] =	sst s1;
	(tag) =	ssettag s2;
	_ =	strace s9  }
0x27: {  	s1 =	sld [smem:$0x3FA2]  }
0x28: {  	s2 =	sld [smem:$0x3FA3]  }
0x29: {  	s4 =	sld [smem:$0x3FA5]  }
0x2a: {  	p0 =	seq.s32 s5, $0x0;
	s5 =	sld [smem:$0x3FA6]  }
0x2b: {  	s6 =	sld [smem:$0x3FA7]  }
0x2c: {  	s7 =	sld [smem:$0x3FA8]  }
0x2d: {  	s3 =	simm.s32 $0x108;
	s8 =	sld [smem:$0x3FA9]  }
0x2e: {  	s3 =	simm.s32 @!p0 $0x1082;
	s9 =	sld [smem:$0x3FAA]  }
0x2f: {  	lr =	sadd.s32 s0, s3;
	s0 =	sld [smem:$0x3FA1]  }
0x30: {  	s3 =	sld [smem:$0x3FA4]  }
0x31: {  	[smem:$0x3FAD] =	sst s10  }
0x32: {  	s10 =	sld [smem:$0x3FAB];
	_ =	sdelay $0x3  }
0x33: {  	p0 =	seq.s32 s10, $0x1;
	s10 =	sld [smem:$0x3FAD];
	_ =	sdelay $0x3  }
0x34: {  	[smem:$0x3FAD] =	sst s10  }
0x35: {  	s10 =	sld [smem:$0x3FAC];
	_ =	sdelay $0x3  }
0x36: {  	p1 =	seq.s32 s10, $0x1;
	s10 =	sld [smem:$0x3FAD];
	_ =	sdelay $0x3  }
0x37: {  	[smem:$0x3FAD] =	sst s10  }
0x38: {  	s10 =	sld [smem:$0x3FAE]  }
0x39: {  	_ = 	snop;
	(pc) =	sbr.ind lr, $3  }
0x3a: {  	_ = 	snop  }
0x3b: {  	_ = 	snop  }
0x3c: {  	p2 =	seq.s32 s10, $0x1;
	s10 =	sld [smem:$0x3FAD]  }
0x3d: {  	_ =	shalt  }
0x3e: {  	_ =	shalt  }
0x3f: {  	_ =	shalt  }
0x40: {  	_ =	shalt  }
0x41: {  	_ =	shalt  }
0x42: {  	_ =	shalt  }
0x43: {  	_ =	shalt  }
0x44: {  	_ =	shalt  }
0x45: {  	_ =	shalt  }
0x46: {  	_ =	shalt  }
0x47: {  	_ =	shalt  }
0x48: {  	_ =	shalt  }
0x49: {  	_ =	shalt  }
0x4a: {  	_ =	shalt  }
0x4b: {  	_ =	shalt  }
0x4c: {  	_ =	shalt  }
0x4d: {  	_ =	shalt  }
0x4e: {  	_ =	shalt  }
0x4f: {  	_ =	shalt  }
0x50: {  	_ =	shalt  }
0x51: {  	_ =	shalt  }
0x52: {  	_ =	shalt  }
0x53: {  	_ =	shalt  }
0x54: {  	_ =	shalt  }
0x55: {  	_ =	shalt  }
0x56: {  	_ =	shalt  }
0x57: {  	_ =	shalt  }
0x58: {  	_ =	shalt  }
0x59: {  	_ =	shalt  }
0x5a: {  	_ =	shalt  }
0x5b: {  	_ =	shalt  }
0x5c: {  	_ =	shalt  }
0x5d: {  	_ =	shalt  }
0x5e: {  	_ =	shalt  }
0x5f: {  	_ =	shalt  }
0x60: {  	_ =	shalt  }
0x61: {  	_ =	shalt  }
0x62: {  	_ =	shalt  }
0x63: {  	_ =	shalt  }
0x64: {  	_ =	shalt  }
0x65: {  	_ =	shalt  }
0x66: {  	_ =	shalt  }
0x67: {  	_ =	shalt  }
0x68: {  	_ =	shalt  }
0x69: {  	_ =	shalt  }
0x6a: {  	_ =	shalt  }
0x6b: {  	_ =	shalt  }
0x6c: {  	_ =	shalt  }
0x6d: {  	_ =	shalt  }
0x6e: {  	_ =	shalt  }
0x6f: {  	_ =	shalt  }
0x70: {  	_ =	shalt  }
0x71: {  	_ =	shalt  }
0x72: {  	_ =	shalt  }
0x73: {  	_ =	shalt  }
0x74: {  	_ =	shalt  }
0x75: {  	_ =	shalt  }
0x76: {  	_ =	shalt  }
0x77: {  	_ =	shalt  }
0x78: {  	_ =	shalt  }
0x79: {  	_ =	shalt  }
0x7a: {  	_ =	shalt  }
0x7b: {  	_ =	shalt  }
0x7c: {  	_ =	shalt  }
0x7d: {  	_ =	shalt  }
0x7e: {  	_ =	shalt  }
0x7f: {  	_ =	shalt  }
0x80: {  	_ =	shalt  }
0x81: {  	_ =	shalt  }
0x82: {  	_ =	shalt  }
0x83: {  	_ =	shalt  }
0x84: {  	_ =	shalt  }
0x85: {  	_ =	shalt  }
0x86: {  	_ =	shalt  }
0x87: {  	_ =	shalt  }
.Lfunc_end0:
.L_simem_size_0:
called_computation.1_lowered:
.L_overlay_start_0:
0x88: {  	s2 =	sld [smem:$0x3FD9]  }
0x89: {  	s3 =	sld [smem:$0x3FFE];
	_ =	sdelay $0x1  }
0x8a: {  	s1 =	srdreg.scid  }
0x8b: {  	s0 =	sand.u32 $0x1, s1  }
0x8c: {  	s16 =	sshll.u32 s0, $0xA;
	s2 =	sadd.s32 s3, s2  }
0x8d: {  	s2 =	sadd.s32 s2, s16  }
0x8e: {  	[smem:$0x3FB9] =	sst s2  }
0x8f: {  	_ = 	snop  }
0x90: {  	(tm) =	ssettm $0x1  }
0x91: {  	s17 =	sld [smem:$0x3FFB];
	_ =	sdelay $0x3  }
0x92: {  	_ =	strace s17  }
0x93: {  	s2 =	sld [smem:$0x3FFC];
	_ =	sdelay $0x3  }
0x94: {  	_ =	strace s2  }
0x95: {  	s2 =	sld [smem:$0x3FFD];
	_ =	sdelay $0x3  }
0x96: {  	_ =	strace s2  }
0x97: {  	_ =	strace $0x8FFFFFFF  }
0x98: {  	s18 =	sld [smem:$0x3FDB];
	_ =	sdelay $0x1  }
0x99: {  	s19 =	simm.s32 $_scs_section_size  }
0x9a: {  	s4 =	simm.s32 $_size__tile_overlayer_lowered;
	s5 =	simm.s32 $_tile_overlayer_lowered  }
0x9b: {  	s22 =	simm.s32 $0x1BFF;
	s21 =	sshll.u32 s5, $0x1;
	s2 =	sadd.s32 s19, s18  }
0x9c: {  	s6 =	simm.s32 $0x0;
	s20 =	sshll.u32 s4, $0x1;
	s4 =	sadd.s32 s21, s2  }
0x9d: {  	[timem:s6], [sflag:s22] =	dma.local [hbm:s4], s20  }
0x9e: {  	_ =	swait.ge [sflag:s22], s20  }
0x9f: {  	s3 =	ssub.s32 $0x0, s20;
	[sflag:s22] =	ssyncset.done $0x0  }
0xa0: {  	[sflag:s22] =	ssyncadd.s32 s3;
	_ =	sdelay $0x1  }
0xa1: {  	s23 =	simm.s32 $0x1B8B  }
0xa2: {  	_ =	swait.ge [sflag:s23], $0x1  }
0xa3: {  	[sflag:s23] =	ssyncset.done $0x0  }
0xa4: {  	s25 =	simm.s32 $0x1B8E;
	s24 =	sld [smem:$0x3FFE];
	[sflag:s23] =	ssyncadd.s32 $0xFFFFFFFF  }
0xa5: {  	s26 =	simm.s32 $execute0_lowered;
	[smem:$0x3FD2] =	sst s25  }
0xa6: {  	s4 =	sshll.u32 s26, $0x1;
	_ =	strace $0x80000049;
	[dreg:$0x1] =	wrdreg $0xFFFFFFFF  }
0xa7: {  	s28 =	simm.s32 $_size_execute0_lowered;
	s2 =	sadd.s32 s2, s4;
	[dreg:$0x0] =	wrdreg $0x0  }
0xa8: {  	s4 =	sshll.u32 s28, $0x1;
	[dreg:$0x2] =	wrdreg s2  }
0xa9: {  	[dreg:$0x3] =	wrdreg s4  }
0xaa: {  	[dreg:$0x4] =	wrdreg $0xC0  }
0xab: {  	_ =	task [dreg:s6], $0x5FFFF  }
0xac: {  	[dreg:$0x1] =	wrdreg $0xFFFFFFFF  }
0xad: {  	[dreg:$0x0] =	wrdreg $0x60  }
0xae: {  	[dreg:$0x2] =	wrdreg s24  }
0xaf: {  	[dreg:$0x3] =	wrdreg $0x90000  }
0xb0: {  	[dreg:$0x4] =	wrdreg $0x9  }
0xb1: {  	_ =	task.clear_ibuf [dreg:s6], $0x5FFFF;
	_ =	strace $0x90000049  }
0xb2: {  	s29 =	simm.s32 $0x9;
	_ =	strace $0x8000004B  }
0xb3: {  	_ =	swait.ge [sflag:s29], $0x1  }
0xb4: {  	[sflag:s29] =	ssyncadd.s32 $0xFFFFFFFF  }
0xb5: {  	_ =	strace $0x9000004B  }
0xb6: {  	_ =	sfence  }
0xb7: {  	s30 =	sld [smem:$0x0];
	_ =	sdelay $0x2  }
0xb8: {  	s31 =	sshll.u32 s1, $0xD;
	s1 =	sshrl.u32 s1, $0x2  }
0xb9: {  	s3 =	sand.u32 $0x4000, s31;
	s1 =	sadd.s32 s1, s30  }
0xba: {  	s0 =	sor.u32 s3, s0;
	s1 =	sshll.u32 s1, $0x11  }
0xbb: {  	s0 =	sor.u32 s1, s0  }
0xbc: {  	s0 =	sadd.s32 $0x8F2B, s0  }
0xbd: {  	[sflag:s0] =	ssyncadd.remote.s32 $0x1  }
0xbe: {  	_ =	sfence.sel $0xFFFF  }
0xbf: {  	[dreg:$0x0] =	wrdreg $0xFFFFFFFF;
	(pc) =	sbr.abs _section_cstart, $3  }
0xc0: {  	[dreg:$0x1] =	wrdreg $0xFFFFFFFF  }
0xc1: {  	_ =	task.clear_ibuf [dreg:s6], $0x2FFFF;
	_ =	strace $0x9FFFFFFF  }
0xc2: {  	(tm) =	ssettm $0x7FFFFFFF  }
0xc3: {  	_ =	shalt  }
tec
execute0_lowered:
.L_overlay_start_1:
0x0: {  	(tag) =	ssettag $0x1  }
0x1: {  	s0 =	rddreg [dreg:$0x0]  }
0x2: {  	s2 =	rddreg [dreg:$0x1];
	s11 =	stileid.u32  }
0x3: {  	s3 =	simm.s32 $0x0;
	s6 =	srdreg.scid;
	s1 =	smul.u32 $0x500, s11  }
0x4: {  	[smem:$0x7FF] =	sst s3;
	s8 =	smul.u32 $0x280, s11  }
0x5: {  	s4 =	sadd.s32 $0xD600, s0;
	s5 =	sadd.s32 $0x5D600, s0;
	s10 =	smul.u32 $0x50000, s11  }
0x6: {  	s6 =	sand.u32 $0x1, s6;
	s9 =	sadd.s32 $0x85600, s0;
	s30 =	smul.u32 $0x2800, s11  }
0x7: {  	_ =	strace $0x8000004A;
	s7 =	ssub.s32 $0x2, s6;
	[dreg:$0x3] =	wrdreg s9  }
0x8: {  	s1 =	sadd.s32 s1, s0;
	s0 =	sadd.s32 $0xAD600, s0;
	[dreg:$0x5] =	wrdreg s30  }
0x9: {  	s31 =	sshrl.u32 s10, $0x2;
	s9 =	sadd.s32 s4, s30;
	[dreg:$0x4] =	wrdreg s0  }
0xa: {  	s10 =	sadd.s32 $0x80, s8;
	s26 =	sadd.s32 s5, s30;
	[dreg:$0x7] =	wrdreg s9  }
0xb: {  	s12 =	sadd.s32 $0x100, s8;
	s11 =	sshll.u32 s10, $0x4;
	[dreg:$0x15] =	wrdreg s26  }
0xc: {  	s18 =	sadd.s32 $0x180, s8;
	s14 =	sshll.u32 s12, $0x4;
	[dreg:$0x9] =	wrdreg s11  }
0xd: {  	s21 =	sadd.s32 $0x200, s8;
	s19 =	sshll.u32 s18, $0x4;
	[dreg:$0xc] =	wrdreg s14  }
0xe: {  	s28 =	sshrl.u32 s7, $0x1;
	s23 =	sshll.u32 s21, $0x4;
	[dreg:$0xf] =	wrdreg s19  }
0xf: {  	s29 =	ssub.s32 s7, s28;
	s17 =	sadd.s32 s31, s2;
	[dreg:$0x11] =	wrdreg s23  }
0x10: {  	s0 =	smax.u32 s29, $0x1;
	[dreg:$0x8] =	wrdreg s17  }
0x11: {  	s13 =	sadd.s32 s4, s11;
	[dreg:$0x6] =	wrdreg s0  }
0x12: {  	p0 =	seq.s32 s6, $0x1;
	s15 =	sadd.s32 s4, s14;
	[dreg:$0xa] =	wrdreg s13  }
0x13: {  	s6 =	sshll.u32 s18, $0x7;
	s22 =	sadd.s32 s4, s19;
	[dreg:$0xd] =	wrdreg s15  }
0x14: {  	s8 =	simm.s32 $0x0;
	s6 =	sadd.s32 s6, s2;
	[dreg:$0x10] =	wrdreg s22  }
0x15: {  	s16 =	sshll.u32 s12, $0x7;
	s25 =	sadd.s32 s4, s23;
	[dreg:$0x12] =	wrdreg s6  }
0x16: {  	s24 =	sadd.s32 $0x8600, s1;
	s28 =	sadd.s32 s5, s11;
	[dreg:$0x13] =	wrdreg s25  }
0x17: {  	s7 =	simm.s32 $0x1;
	s29 =	sadd.s32 s5, s14;
	[dreg:$0x16] =	wrdreg s28  }
0x18: {  	s30 =	sadd.s32 s5, s19;
	s31 =	sadd.s32 s5, s23;
	[dreg:$0x17] =	wrdreg s29  }
0x19: {  	s19 =	simm.s32 $0x2;
	s0 =	sshll.u32 s10, $0x7;
	[dreg:$0x18] =	wrdreg s30  }
.Ltmp0:
0x1a: {  	s25 =	sadd.s32 $0x3600, s1;
	[dreg:$0x19] =	wrdreg s31;
	(pc) =	sbr.rel .LBB2_1-.Ltmp0, $4  }
0x1b: {  	s1 =	simm.s32 $0x3;
	s20 =	sadd.s32 s0, s2;
	s0 =	sadd.s32 s16, s2  }
0x1c: {  	s10 =	simm.s32 $0x800;
	[dreg:$0xe] =	wrdreg s0;
	s0 =	sshll.u32 s21, $0x7  }
0x1d: {  	s6 =	simm.s32 $0x80;
	[dreg:$0xb] =	wrdreg s20;
	s0 =	sadd.s32 s0, s2  }
0x1e: {  	s13 =	simm.s32 $0x5000;
	[dreg:$0x14] =	wrdreg s0;
	s0 =	simm.s32 $0x1000  }
.LBB2_7:
0x1f: {  	s11 =	sadd.s32 s18, s25;
	[sflag:s1] =	ssyncadd.s32 $0xFFFFC000  }
0x20: {  	[tilespmem:s3], [sflag:$0x3] =	stream.linear.gather [hbm4b:s11+s3], $0x800, $0x38;
	[tilespmem:$0x1D000] =	vst v63  }
0x21: {  	_ =	swait.ge [sflag:s1], $0x800  }
0x22: {  	[sflag:s1] =	ssyncset.done $0x0  }
0x23: {  	s20 =	sadd.s32 s18, s24;
	[sflag:s1] =	ssyncadd.s32 $0xFFFFF800  }
0x24: {  	[tilespmem:s10], [sflag:$0x3] =	stream.linear.gather [hbm4b:s20+s3], $0x800, $0x38;
	[tilespmem:$0x1D000] =	vst v63  }
0x25: {  	_ =	swait.ge [sflag:s1], $0x800  }
0x26: {  	[sflag:s1] =	ssyncset.done $0x0  }
0x27: {  	[sflag:s1] =	ssyncadd.s32 $0xFFFFF800  }
0x28: {  	[tilespmem:s0], [sflag:$0x1] =	stream.indirect.gather [hbm4b:s5+s6], $0x80, s3, s6, $0xb8;
	[tilespmem:$0x1D000] =	vst v63  }
0x29: {  	_ = 	snop  }
0x2a: {  	[tilespmem:s13], [sflag:$0x2] =	stream.indirect.gather [hbm4b:s5+s6], $0x80, s6, s6, $0xb8;
	[tilespmem:$0x1D000] =	vst v63  }
0x2b: {  	_ =	swait.ge [sflag:s7], $0x4000  }
0x2c: {  	[sflag:s7] =	ssyncset.done $0x0  }
0x2d: {  	[sflag:s7] =	ssyncadd.s32 $0xFFFFC000  }
0x2e: {  	[spmem:s2] =	stream.indirect.scatter.add.f32 [tilespmem:s0], [sflag:$0x3], $0x80, s10, s6, $0xb8;
	[tilespmem:$0x1D000] =	vst v63  }
0x2f: {  	_ =	swait.ge [sflag:s1], $0x4000  }
0x30: {  	[sflag:s1] =	ssyncset.done $0x0  }
0x31: {  	[sflag:s1] =	ssyncadd.s32 $0xFFFFC000  }
0x32: {  	[tilespmem:s0], [sflag:$0x1] =	stream.indirect.gather [hbm4b:s5+s6], $0x80, s14, s6, $0xb8;
	[tilespmem:$0x1D000] =	vst v63  }
0x33: {  	_ =	swait.ge [sflag:s19], $0x4000  }
0x34: {  	[sflag:s19] =	ssyncset.done $0x0  }
0x35: {  	[sflag:s19] =	ssyncadd.s32 $0xFFFFC000  }
0x36: {  	[spmem:s2] =	stream.indirect.scatter.add.f32 [tilespmem:s13], [sflag:$0x3], $0x80, s17, s6, $0xb8;
	[tilespmem:$0x1D000] =	vst v63  }
0x37: {  	_ =	swait.ge [sflag:s1], $0x4000  }
0x38: {  	[sflag:s1] =	ssyncset.done $0x0  }
0x39: {  	[sflag:s1] =	ssyncadd.s32 $0xFFFFC000  }
0x3a: {  	[tilespmem:s13], [sflag:$0x2] =	stream.indirect.gather [hbm4b:s5+s6], $0x80, s21, s6, $0xb8;
	[tilespmem:$0x1D000] =	vst v63  }
0x3b: {  	_ =	swait.ge [sflag:s7], $0x4000  }
0x3c: {  	[sflag:s7] =	ssyncset.done $0x0  }
0x3d: {  	[sflag:s7] =	ssyncadd.s32 $0xFFFFC000  }
0x3e: {  	[spmem:s2] =	stream.indirect.scatter.add.f32 [tilespmem:s0], [sflag:$0x3], $0x80, s23, s6, $0xb8;
	[tilespmem:$0x1D000] =	vst v63  }
0x3f: {  	_ =	swait.ge [sflag:s1], $0x4000  }
0x40: {  	[sflag:s1] =	ssyncset.done $0x0  }
0x41: {  	[sflag:s1] =	ssyncadd.s32 $0xFFFFC000  }
0x42: {  	[tilespmem:s0], [sflag:$0x1] =	stream.indirect.gather [hbm4b:s5+s6], $0x80, s16, s6, $0xb8;
	[tilespmem:$0x1D000] =	vst v63  }
0x43: {  	_ =	swait.ge [sflag:s19], $0x4000  }
0x44: {  	[sflag:s19] =	ssyncset.done $0x0  }
0x45: {  	[sflag:s19] =	ssyncadd.s32 $0xFFFFC000  }
0x46: {  	[spmem:s2] =	stream.indirect.scatter.add.f32 [tilespmem:s13], [sflag:$0x3], $0x80, s22, s6, $0xb8;
	[tilespmem:$0x1D000] =	vst v63  }
0x47: {  	_ =	swait.ge [sflag:s1], $0x4000  }
0x48: {  	[sflag:s1] =	ssyncset.done $0x0  }
0x49: {  	[sflag:s1] =	ssyncadd.s32 $0xFFFFC000  }
0x4a: {  	[tilespmem:s13], [sflag:$0x2] =	stream.indirect.gather [hbm4b:s5+s6], $0x80, s26, s6, $0xb8;
	[tilespmem:$0x1D000] =	vst v63  }
0x4b: {  	_ =	swait.ge [sflag:s7], $0x4000  }
0x4c: {  	[sflag:s7] =	ssyncset.done $0x0  }
0x4d: {  	[sflag:s7] =	ssyncadd.s32 $0xFFFFC000  }
0x4e: {  	[spmem:s2] =	stream.indirect.scatter.add.f32 [tilespmem:s0], [sflag:$0x3], $0x80, s28, s6, $0xb8;
	[tilespmem:$0x1D000] =	vst v63  }
0x4f: {  	_ =	swait.ge [sflag:s1], $0x4000  }
0x50: {  	[sflag:s1] =	ssyncset.done $0x0  }
0x51: {  	[sflag:s1] =	ssyncadd.s32 $0xFFFFC000  }
0x52: {  	[tilespmem:s0], [sflag:$0x1] =	stream.indirect.gather [hbm4b:s5+s6], $0x80, s29, s6, $0xb8;
	[tilespmem:$0x1D000] =	vst v63  }
0x53: {  	_ =	swait.ge [sflag:s19], $0x4000  }
0x54: {  	[sflag:s19] =	ssyncset.done $0x0  }
0x55: {  	[sflag:s19] =	ssyncadd.s32 $0xFFFFC000  }
0x56: {  	[spmem:s2] =	stream.indirect.scatter.add.f32 [tilespmem:s13], [sflag:$0x3], $0x80, s30, s6, $0xb8;
	[tilespmem:$0x1D000] =	vst v63  }
0x57: {  	_ =	swait.ge [sflag:s1], $0x4000  }
0x58: {  	[sflag:s1] =	ssyncset.done $0x0  }
0x59: {  	[sflag:s1] =	ssyncadd.s32 $0xFFFFC000  }
0x5a: {  	[tilespmem:s13], [sflag:$0x2] =	stream.indirect.gather [hbm4b:s5+s6], $0x80, s31, s6, $0xb8;
	[tilespmem:$0x1D000] =	vst v63  }
0x5b: {  	_ =	swait.ge [sflag:s7], $0x4000  }
0x5c: {  	[sflag:s7] =	ssyncset.done $0x0  }
0x5d: {  	[sflag:s7] =	ssyncadd.s32 $0xFFFFC000  }
0x5e: {  	[spmem:s2] =	stream.indirect.scatter.add.f32 [tilespmem:s0], [sflag:$0x3], $0x80, s9, s6, $0xb8;
	[tilespmem:$0x1D000] =	vst v63  }
0x5f: {  	_ =	swait.ge [sflag:s1], $0x4000  }
0x60: {  	[sflag:s1] =	ssyncset.done $0x0  }
0x61: {  	[sflag:s1] =	ssyncadd.s32 $0xFFFFC000  }
0x62: {  	[tilespmem:s0], [sflag:$0x1] =	stream.indirect.gather [hbm4b:s5+s6], $0x80, s8, s6, $0xb8;
	[tilespmem:$0x1D000] =	vst v63  }
0x63: {  	_ =	swait.ge [sflag:s19], $0x4000  }
0x64: {  	[sflag:s19] =	ssyncset.done $0x0  }
0x65: {  	[sflag:s19] =	ssyncadd.s32 $0xFFFFC000  }
0x66: {  	[spmem:s2] =	stream.indirect.scatter.add.f32 [tilespmem:s13], [sflag:$0x3], $0x80, s12, s6, $0xb8;
	[tilespmem:$0x1D000] =	vst v63  }
0x67: {  	_ =	swait.ge [sflag:s1], $0x4000  }
0x68: {  	[sflag:s1] =	ssyncset.done $0x0  }
0x69: {  	[sflag:s1] =	ssyncadd.s32 $0xFFFFC000  }
0x6a: {  	[tilespmem:s13], [sflag:$0x2] =	stream.indirect.gather [hbm4b:s5+s6], $0x80, s15, s6, $0xb8;
	[tilespmem:$0x1D000] =	vst v63  }
0x6b: {  	_ =	swait.ge [sflag:s7], $0x4000  }
0x6c: {  	[sflag:s7] =	ssyncset.done $0x0  }
0x6d: {  	s14 =	simm.s32 $0xC00;
	[sflag:s7] =	ssyncadd.s32 $0xFFFFC000  }
0x6e: {  	[spmem:s2] =	stream.indirect.scatter.add.f32 [tilespmem:s0], [sflag:$0x3], $0x80, s14, s6, $0xb8;
	[tilespmem:$0x1D000] =	vst v63  }
0x6f: {  	_ =	swait.ge [sflag:s1], $0x4000  }
0x70: {  	[sflag:s1] =	ssyncset.done $0x0  }
0x71: {  	s15 =	simm.s32 $0x500;
	[sflag:s1] =	ssyncadd.s32 $0xFFFFC000  }
0x72: {  	[tilespmem:s0], [sflag:$0x1] =	stream.indirect.gather [hbm4b:s5+s6], $0x80, s15, s6, $0xb8;
	[tilespmem:$0x1D000] =	vst v63  }
0x73: {  	_ =	swait.ge [sflag:s19], $0x4000  }
0x74: {  	[sflag:s19] =	ssyncset.done $0x0  }
0x75: {  	s16 =	simm.s32 $0xC80;
	[sflag:s19] =	ssyncadd.s32 $0xFFFFC000  }
0x76: {  	[spmem:s2] =	stream.indirect.scatter.add.f32 [tilespmem:s13], [sflag:$0x3], $0x80, s16, s6, $0xb8;
	[tilespmem:$0x1D000] =	vst v63  }
0x77: {  	_ =	swait.ge [sflag:s1], $0x4000  }
0x78: {  	[sflag:s1] =	ssyncset.done $0x0  }
0x79: {  	s17 =	simm.s32 $0x580;
	[sflag:s1] =	ssyncadd.s32 $0xFFFFC000  }
0x7a: {  	[tilespmem:s13], [sflag:$0x2] =	stream.indirect.gather [hbm4b:s5+s6], $0x80, s17, s6, $0xb8;
	[tilespmem:$0x1D000] =	vst v63  }
0x7b: {  	_ =	swait.ge [sflag:s7], $0x4000  }
0x7c: {  	[sflag:s7] =	ssyncset.done $0x0  }
0x7d: {  	s18 =	simm.s32 $0xD00;
	[sflag:s7] =	ssyncadd.s32 $0xFFFFC000  }
0x7e: {  	[spmem:s2] =	stream.indirect.scatter.add.f32 [tilespmem:s0], [sflag:$0x3], $0x80, s18, s6, $0xb8;
	[tilespmem:$0x1D000] =	vst v63  }
0x7f: {  	_ =	swait.ge [sflag:s1], $0x4000  }
0x80: {  	[sflag:s1] =	ssyncset.done $0x0  }
0x81: {  	s20 =	simm.s32 $0x600;
	[sflag:s1] =	ssyncadd.s32 $0xFFFFC000  }
0x82: {  	[tilespmem:s0], [sflag:$0x1] =	stream.indirect.gather [hbm4b:s5+s6], $0x80, s20, s6, $0xb8;
	[tilespmem:$0x1D000] =	vst v63  }
0x83: {  	_ =	swait.ge [sflag:s19], $0x4000  }
0x84: {  	[sflag:s19] =	ssyncset.done $0x0  }
0x85: {  	s21 =	simm.s32 $0xD80;
	[sflag:s19] =	ssyncadd.s32 $0xFFFFC000  }
0x86: {  	[spmem:s2] =	stream.indirect.scatter.add.f32 [tilespmem:s13], [sflag:$0x3], $0x80, s21, s6, $0xb8;
	[tilespmem:$0x1D000] =	vst v63  }
0x87: {  	_ =	swait.ge [sflag:s1], $0x4000  }
0x88: {  	[sflag:s1] =	ssyncset.done $0x0  }
0x89: {  	s22 =	simm.s32 $0x680;
	[sflag:s1] =	ssyncadd.s32 $0xFFFFC000  }
0x8a: {  	[tilespmem:s13], [sflag:$0x2] =	stream.indirect.gather [hbm4b:s5+s6], $0x80, s22, s6, $0xb8;
	[tilespmem:$0x1D000] =	vst v63  }
0x8b: {  	_ =	swait.ge [sflag:s7], $0x4000  }
0x8c: {  	[sflag:s7] =	ssyncset.done $0x0  }
0x8d: {  	s23 =	simm.s32 $0xE00;
	[sflag:s7] =	ssyncadd.s32 $0xFFFFC000  }
0x8e: {  	[spmem:s2] =	stream.indirect.scatter.add.f32 [tilespmem:s0], [sflag:$0x3], $0x80, s23, s6, $0xb8;
	[tilespmem:$0x1D000] =	vst v63  }
0x8f: {  	_ =	swait.ge [sflag:s1], $0x4000  }
0x90: {  	[sflag:s1] =	ssyncset.done $0x0  }
0x91: {  	s26 =	simm.s32 $0x700;
	[sflag:s1] =	ssyncadd.s32 $0xFFFFC000  }
0x92: {  	[tilespmem:s0], [sflag:$0x1] =	stream.indirect.gather [hbm4b:s5+s6], $0x80, s26, s6, $0xb8;
	[tilespmem:$0x1D000] =	vst v63  }
0x93: {  	_ =	swait.ge [sflag:s19], $0x4000  }
0x94: {  	[sflag:s19] =	ssyncset.done $0x0  }
0x95: {  	s28 =	simm.s32 $0xE80;
	[sflag:s19] =	ssyncadd.s32 $0xFFFFC000  }
0x96: {  	[spmem:s2] =	stream.indirect.scatter.add.f32 [tilespmem:s13], [sflag:$0x3], $0x80, s28, s6, $0xb8;
	[tilespmem:$0x1D000] =	vst v63  }
0x97: {  	_ =	swait.ge [sflag:s1], $0x4000  }
0x98: {  	[sflag:s1] =	ssyncset.done $0x0  }
0x99: {  	s29 =	simm.s32 $0x780;
	[sflag:s1] =	ssyncadd.s32 $0xFFFFC000  }
0x9a: {  	[tilespmem:s13], [sflag:$0x2] =	stream.indirect.gather [hbm4b:s5+s6], $0x80, s29, s6, $0xb8;
	[tilespmem:$0x1D000] =	vst v63  }
0x9b: {  	_ =	swait.ge [sflag:s7], $0x4000  }
0x9c: {  	[sflag:s7] =	ssyncset.done $0x0  }
0x9d: {  	s30 =	simm.s32 $0xF00;
	[sflag:s7] =	ssyncadd.s32 $0xFFFFC000  }
0x9e: {  	[spmem:s2] =	stream.indirect.scatter.add.f32 [tilespmem:s0], [sflag:$0x3], $0x80, s30, s6, $0xb8;
	[tilespmem:$0x1D000] =	vst v63  }
0x9f: {  	_ =	swait.ge [sflag:s1], $0x4000  }
0xa0: {  	[sflag:s1] =	ssyncset.done $0x0  }
0xa1: {  	[sflag:s1] =	ssyncadd.s32 $0xFFFFC000  }
0xa2: {  	_ =	swait.ge [sflag:s19], $0x4000  }
0xa3: {  	[sflag:s19] =	ssyncset.done $0x0  }
0xa4: {  	s31 =	simm.s32 $0xF80;
	[sflag:s19] =	ssyncadd.s32 $0xFFFFC000  }
0xa5: {  	[spmem:s2] =	stream.indirect.scatter.add.f32 [tilespmem:s13], [sflag:$0x3], $0x80, s31, s6, $0xb8;
	[tilespmem:$0x1D000] =	vst v63  }
0xa6: {  	_ =	swait.ge [sflag:s1], $0x4000  }
0xa7: {  	[sflag:s1] =	ssyncset.done $0x0;
	s18 =	rddreg [dreg:$0x4]  }
0xa8: {  	s8 =	rddreg [dreg:$0x1a];
	[sflag:s1] =	ssyncadd.s32 $0xFFFFC000  }
.LBB2_8:
0xa9: {  	[bflag:$0x0] =	sbarrier.arrive $0xFFFF  }
0xaa: {  	s17 =	rddreg [dreg:$0x8]  }
0xab: {  	[tilespmem:s0], [sflag:$0x3] =	stream.linear.gather [spmem:s17], $0x4000, $0x38;
	[tilespmem:$0x1D000] =	vst v63  }
0xac: {  	_ =	swait.ge [sflag:s1], $0x4000  }
0xad: {  	[sflag:s1] =	ssyncset.done $0x0;
	s11 =	rddreg [dreg:$0x5]  }
0xae: {  	s11 =	sadd.s32 s18, s11;
	[sflag:s1] =	ssyncadd.s32 $0xFFFFC000  }
0xaf: {  	[hbm4b:s11+s3] =	stream.linear.scatter [tilespmem:s0], [sflag:$0x3], $0x4000, $0x38;
	[tilespmem:$0x1D000] =	vst v63  }
0xb0: {  	_ =	swait.ge [sflag:s1], $0x4000  }
0xb1: {  	[sflag:s1] =	ssyncset.done $0x0  }
0xb2: {  	s20 =	rddreg [dreg:$0xb];
	[sflag:s1] =	ssyncadd.s32 $0xFFFFC000  }
0xb3: {  	[tilespmem:s0], [sflag:$0x3] =	stream.linear.gather [spmem:s20], $0x4000, $0x38;
	[tilespmem:$0x1D000] =	vst v63  }
0xb4: {  	_ =	swait.ge [sflag:s1], $0x4000  }
0xb5: {  	[sflag:s1] =	ssyncset.done $0x0;
	s21 =	rddreg [dreg:$0x9]  }
0xb6: {  	s11 =	sadd.s32 s18, s21;
	[sflag:s1] =	ssyncadd.s32 $0xFFFFC000  }
0xb7: {  	[hbm4b:s11+s3] =	stream.linear.scatter [tilespmem:s0], [sflag:$0x3], $0x4000, $0x38;
	[tilespmem:$0x1D000] =	vst v63  }
0xb8: {  	_ =	swait.ge [sflag:s1], $0x4000  }
0xb9: {  	[sflag:s1] =	ssyncset.done $0x0  }
0xba: {  	s22 =	rddreg [dreg:$0xe];
	[sflag:s1] =	ssyncadd.s32 $0xFFFFC000  }
0xbb: {  	[tilespmem:s0], [sflag:$0x3] =	stream.linear.gather [spmem:s22], $0x4000, $0x38;
	[tilespmem:$0x1D000] =	vst v63  }
0xbc: {  	_ =	swait.ge [sflag:s1], $0x4000  }
0xbd: {  	[sflag:s1] =	ssyncset.done $0x0;
	s23 =	rddreg [dreg:$0xc]  }
0xbe: {  	s11 =	sadd.s32 s18, s23;
	[sflag:s1] =	ssyncadd.s32 $0xFFFFC000  }
0xbf: {  	[hbm4b:s11+s3] =	stream.linear.scatter [tilespmem:s0], [sflag:$0x3], $0x4000, $0x38;
	[tilespmem:$0x1D000] =	vst v63  }
0xc0: {  	_ =	swait.ge [sflag:s1], $0x4000  }
0xc1: {  	[sflag:s1] =	ssyncset.done $0x0  }
0xc2: {  	s26 =	rddreg [dreg:$0x12];
	[sflag:s1] =	ssyncadd.s32 $0xFFFFC000  }
0xc3: {  	[tilespmem:s0], [sflag:$0x3] =	stream.linear.gather [spmem:s26], $0x4000, $0x38;
	[tilespmem:$0x1D000] =	vst v63  }
0xc4: {  	_ =	swait.ge [sflag:s1], $0x4000  }
0xc5: {  	[sflag:s1] =	ssyncset.done $0x0;
	s28 =	rddreg [dreg:$0xf]  }
0xc6: {  	s11 =	sadd.s32 s18, s28;
	[sflag:s1] =	ssyncadd.s32 $0xFFFFC000  }
0xc7: {  	[hbm4b:s11+s3] =	stream.linear.scatter [tilespmem:s0], [sflag:$0x3], $0x4000, $0x38;
	[tilespmem:$0x1D000] =	vst v63  }
0xc8: {  	_ =	swait.ge [sflag:s1], $0x4000  }
0xc9: {  	[sflag:s1] =	ssyncset.done $0x0  }
0xca: {  	s29 =	rddreg [dreg:$0x14];
	[sflag:s1] =	ssyncadd.s32 $0xFFFFC000  }
0xcb: {  	[tilespmem:s0], [sflag:$0x3] =	stream.linear.gather [spmem:s29], $0x4000, $0x38;
	[tilespmem:$0x1D000] =	vst v63  }
0xcc: {  	_ =	swait.ge [sflag:s1], $0x4000  }
0xcd: {  	[sflag:s1] =	ssyncset.done $0x0;
	s30 =	rddreg [dreg:$0x11]  }
0xce: {  	s11 =	sadd.s32 s18, s30;
	[sflag:s1] =	ssyncadd.s32 $0xFFFFC000  }
0xcf: {  	[hbm4b:s11+s3] =	stream.linear.scatter [tilespmem:s0], [sflag:$0x3], $0x4000, $0x38;
	[tilespmem:$0x1D000] =	vst v63  }
0xd0: {  	_ =	swait.ge [sflag:s1], $0x4000  }
0xd1: {  	s8 =	sadd.s32 $0x1, s8;
	s31 =	rddreg [dreg:$0x6]  }
0xd2: {  	p1 =	sne.s32 s8, s31  }
.Ltmp1:
0xd3: {  	_ = 	snop;
	(pc) =	sbr.rel @!p1 .LBB2_9-.Ltmp1, $3  }
0xd4: {  	_ =	sdelay $0x1  }
0xd5: {  	[sflag:s1] =	ssyncset.done $0x0  }
0xd6: {  	[sflag:s1] =	ssyncadd.s32 $0xFFFFC000  }
.LBB2_1:
.Ltmp2:
0xd7: {  	(pc) =	sbr.rel @!p0 .LBB2_2-.Ltmp2, $2  }
0xd8: {  	_ =	sdelay $0x2  }
0xd9: {  	[dreg:$0x1a] =	wrdreg s8;
	s11 =	simm.s32 $0x0  }
0xda: {  	s14 =	rddreg [dreg:$0x15]  }
0xdb: {  	[tilespmem:s0], [sflag:$0x3] =	stream.linear.gather [hbm4b:s14+s11], $0x4000, $0x38;
	[tilespmem:$0x1D000] =	vst v63  }
0xdc: {  	_ =	swait.ge [sflag:s1], $0x4000  }
0xdd: {  	[sflag:s1] =	ssyncset.done $0x0  }
0xde: {  	[sflag:s1] =	ssyncadd.s32 $0xFFFFC000  }
0xdf: {  	[spmem:s17] =	stream.linear.scatter [tilespmem:s0], [sflag:$0x3], $0x4000, $0x38;
	[tilespmem:$0x1D000] =	vst v63  }
0xe0: {  	_ =	swait.ge [sflag:s1], $0x4000  }
0xe1: {  	[sflag:s1] =	ssyncset.done $0x0  }
0xe2: {  	s21 =	rddreg [dreg:$0x16];
	[sflag:s1] =	ssyncadd.s32 $0xFFFFC000  }
0xe3: {  	[tilespmem:s0], [sflag:$0x3] =	stream.linear.gather [hbm4b:s21+s11], $0x4000, $0x38;
	[tilespmem:$0x1D000] =	vst v63  }
0xe4: {  	_ =	swait.ge [sflag:s1], $0x4000  }
0xe5: {  	[sflag:s1] =	ssyncset.done $0x0  }
0xe6: {  	[sflag:s1] =	ssyncadd.s32 $0xFFFFC000  }
0xe7: {  	[spmem:s20] =	stream.linear.scatter [tilespmem:s0], [sflag:$0x3], $0x4000, $0x38;
	[tilespmem:$0x1D000] =	vst v63  }
0xe8: {  	_ =	swait.ge [sflag:s1], $0x4000  }
0xe9: {  	[sflag:s1] =	ssyncset.done $0x0  }
0xea: {  	s22 =	rddreg [dreg:$0x17];
	[sflag:s1] =	ssyncadd.s32 $0xFFFFC000  }
0xeb: {  	[tilespmem:s0], [sflag:$0x3] =	stream.linear.gather [hbm4b:s22+s11], $0x4000, $0x38;
	[tilespmem:$0x1D000] =	vst v63  }
0xec: {  	_ =	swait.ge [sflag:s1], $0x4000  }
0xed: {  	[sflag:s1] =	ssyncset.done $0x0  }
0xee: {  	s23 =	rddreg [dreg:$0xe];
	[sflag:s1] =	ssyncadd.s32 $0xFFFFC000  }
0xef: {  	[spmem:s23] =	stream.linear.scatter [tilespmem:s0], [sflag:$0x3], $0x4000, $0x38;
	[tilespmem:$0x1D000] =	vst v63  }
0xf0: {  	_ =	swait.ge [sflag:s1], $0x4000  }
0xf1: {  	[sflag:s1] =	ssyncset.done $0x0  }
0xf2: {  	s26 =	rddreg [dreg:$0x18];
	[sflag:s1] =	ssyncadd.s32 $0xFFFFC000  }
0xf3: {  	[tilespmem:s0], [sflag:$0x3] =	stream.linear.gather [hbm4b:s26+s11], $0x4000, $0x38;
	[tilespmem:$0x1D000] =	vst v63  }
0xf4: {  	_ =	swait.ge [sflag:s1], $0x4000  }
0xf5: {  	[sflag:s1] =	ssyncset.done $0x0  }
0xf6: {  	s8 =	rddreg [dreg:$0x12];
	[sflag:s1] =	ssyncadd.s32 $0xFFFFC000  }
0xf7: {  	[spmem:s8] =	stream.linear.scatter [tilespmem:s0], [sflag:$0x3], $0x4000, $0x38;
	[tilespmem:$0x1D000] =	vst v63  }
0xf8: {  	_ =	swait.ge [sflag:s1], $0x4000  }
0xf9: {  	[sflag:s1] =	ssyncset.done $0x0  }
0xfa: {  	s9 =	rddreg [dreg:$0x19];
	[sflag:s1] =	ssyncadd.s32 $0xFFFFC000  }
0xfb: {  	[tilespmem:s0], [sflag:$0x3] =	stream.linear.gather [hbm4b:s9+s11], $0x4000, $0x38;
	[tilespmem:$0x1D000] =	vst v63  }
0xfc: {  	_ =	swait.ge [sflag:s1], $0x4000  }
0xfd: {  	[sflag:s1] =	ssyncset.done $0x0  }
0xfe: {  	s12 =	rddreg [dreg:$0x14];
	[sflag:s1] =	ssyncadd.s32 $0xFFFFC000  }
0xff: {  	[spmem:s12] =	stream.linear.scatter [tilespmem:s0], [sflag:$0x3], $0x4000, $0x38;
	[tilespmem:$0x1D000] =	vst v63  }
0x100: {  	_ =	swait.ge [sflag:s1], $0x4000  }
0x101: {  	[sflag:s1] =	ssyncset.done $0x0  }
0x102: {  	[sflag:s1] =	ssyncadd.s32 $0xFFFFC000  }
0x103: {  	s14 =	sadd.s32 $0x0, s25;
	[bflag:$0x0] =	sbarrier.arrive $0xFFFF  }
0x104: {  	[tilespmem:s3], [sflag:$0x3] =	stream.linear.gather [hbm4b:s14+s3], $0x800, $0x38;
	[tilespmem:$0x1D000] =	vst v63  }
0x105: {  	_ =	swait.ge [sflag:s1], $0x800  }
0x106: {  	[sflag:s1] =	ssyncset.done $0x0  }
0x107: {  	s15 =	sadd.s32 $0x0, s24;
	[sflag:s1] =	ssyncadd.s32 $0xFFFFF800  }
0x108: {  	[tilespmem:s10], [sflag:$0x3] =	stream.linear.gather [hbm4b:s15+s3], $0x800, $0x38;
	[tilespmem:$0x1D000] =	vst v63  }
0x109: {  	_ =	swait.ge [sflag:s1], $0x800  }
0x10a: {  	[sflag:s1] =	ssyncset.done $0x0  }
0x10b: {  	[sflag:s1] =	ssyncadd.s32 $0xFFFFF800  }
0x10c: {  	[tilespmem:s0], [sflag:$0x1] =	stream.indirect.gather [hbm4b:s5+s6], $0x80, s3, s6, $0xb8;
	[tilespmem:$0x1D000] =	vst v63  }
0x10d: {  	_ = 	snop  }
0x10e: {  	[tilespmem:s13], [sflag:$0x2] =	stream.indirect.gather [hbm4b:s5+s6], $0x80, s6, s6, $0xb8;
	[tilespmem:$0x1D000] =	vst v63  }
0x10f: {  	_ =	swait.ge [sflag:s7], $0x4000  }
0x110: {  	[sflag:s7] =	ssyncset.done $0x0  }
0x111: {  	[sflag:s7] =	ssyncadd.s32 $0xFFFFC000  }
0x112: {  	[spmem:s2] =	stream.indirect.scatter.add.f32 [tilespmem:s0], [sflag:$0x3], $0x80, s10, s6, $0xb8;
	[tilespmem:$0x1D000] =	vst v63  }
0x113: {  	_ =	swait.ge [sflag:s1], $0x4000  }
0x114: {  	[sflag:s1] =	ssyncset.done $0x0  }
0x115: {  	s16 =	simm.s32 $0x100;
	[sflag:s1] =	ssyncadd.s32 $0xFFFFC000  }
0x116: {  	[tilespmem:s0], [sflag:$0x1] =	stream.indirect.gather [hbm4b:s5+s6], $0x80, s16, s6, $0xb8;
	[tilespmem:$0x1D000] =	vst v63  }
0x117: {  	_ =	swait.ge [sflag:s19], $0x4000  }
0x118: {  	[sflag:s19] =	ssyncset.done $0x0  }
0x119: {  	s17 =	simm.s32 $0x880;
	[sflag:s19] =	ssyncadd.s32 $0xFFFFC000  }
0x11a: {  	[spmem:s2] =	stream.indirect.scatter.add.f32 [tilespmem:s13], [sflag:$0x3], $0x80, s17, s6, $0xb8;
	[tilespmem:$0x1D000] =	vst v63  }
0x11b: {  	_ =	swait.ge [sflag:s1], $0x4000  }
0x11c: {  	[sflag:s1] =	ssyncset.done $0x0  }
0x11d: {  	s21 =	simm.s32 $0x180;
	[sflag:s1] =	ssyncadd.s32 $0xFFFFC000  }
0x11e: {  	[tilespmem:s13], [sflag:$0x2] =	stream.indirect.gather [hbm4b:s5+s6], $0x80, s21, s6, $0xb8;
	[tilespmem:$0x1D000] =	vst v63  }
0x11f: {  	_ =	swait.ge [sflag:s7], $0x4000  }
0x120: {  	[sflag:s7] =	ssyncset.done $0x0  }
0x121: {  	s23 =	simm.s32 $0x900;
	[sflag:s7] =	ssyncadd.s32 $0xFFFFC000  }
0x122: {  	[spmem:s2] =	stream.indirect.scatter.add.f32 [tilespmem:s0], [sflag:$0x3], $0x80, s23, s6, $0xb8;
	[tilespmem:$0x1D000] =	vst v63  }
0x123: {  	_ =	swait.ge [sflag:s1], $0x4000  }
0x124: {  	[sflag:s1] =	ssyncset.done $0x0  }
0x125: {  	s16 =	simm.s32 $0x200;
	[sflag:s1] =	ssyncadd.s32 $0xFFFFC000  }
0x126: {  	[tilespmem:s0], [sflag:$0x1] =	stream.indirect.gather [hbm4b:s5+s6], $0x80, s16, s6, $0xb8;
	[tilespmem:$0x1D000] =	vst v63  }
0x127: {  	_ =	swait.ge [sflag:s19], $0x4000  }
0x128: {  	[sflag:s19] =	ssyncset.done $0x0  }
0x129: {  	s22 =	simm.s32 $0x980;
	[sflag:s19] =	ssyncadd.s32 $0xFFFFC000  }
0x12a: {  	[spmem:s2] =	stream.indirect.scatter.add.f32 [tilespmem:s13], [sflag:$0x3], $0x80, s22, s6, $0xb8;
	[tilespmem:$0x1D000] =	vst v63  }
0x12b: {  	_ =	swait.ge [sflag:s1], $0x4000  }
0x12c: {  	[sflag:s1] =	ssyncset.done $0x0  }
0x12d: {  	s26 =	simm.s32 $0x280;
	[sflag:s1] =	ssyncadd.s32 $0xFFFFC000  }
0x12e: {  	[tilespmem:s13], [sflag:$0x2] =	stream.indirect.gather [hbm4b:s5+s6], $0x80, s26, s6, $0xb8;
	[tilespmem:$0x1D000] =	vst v63  }
0x12f: {  	_ =	swait.ge [sflag:s7], $0x4000  }
0x130: {  	[sflag:s7] =	ssyncset.done $0x0  }
0x131: {  	s28 =	simm.s32 $0xA00;
	[sflag:s7] =	ssyncadd.s32 $0xFFFFC000  }
0x132: {  	[spmem:s2] =	stream.indirect.scatter.add.f32 [tilespmem:s0], [sflag:$0x3], $0x80, s28, s6, $0xb8;
	[tilespmem:$0x1D000] =	vst v63  }
0x133: {  	_ =	swait.ge [sflag:s1], $0x4000  }
0x134: {  	[sflag:s1] =	ssyncset.done $0x0  }
0x135: {  	s29 =	simm.s32 $0x300;
	[sflag:s1] =	ssyncadd.s32 $0xFFFFC000  }
0x136: {  	[tilespmem:s0], [sflag:$0x1] =	stream.indirect.gather [hbm4b:s5+s6], $0x80, s29, s6, $0xb8;
	[tilespmem:$0x1D000] =	vst v63  }
0x137: {  	_ =	swait.ge [sflag:s19], $0x4000  }
0x138: {  	[sflag:s19] =	ssyncset.done $0x0  }
0x139: {  	s30 =	simm.s32 $0xA80;
	[sflag:s19] =	ssyncadd.s32 $0xFFFFC000  }
0x13a: {  	[spmem:s2] =	stream.indirect.scatter.add.f32 [tilespmem:s13], [sflag:$0x3], $0x80, s30, s6, $0xb8;
	[tilespmem:$0x1D000] =	vst v63  }
0x13b: {  	_ =	swait.ge [sflag:s1], $0x4000  }
0x13c: {  	[sflag:s1] =	ssyncset.done $0x0  }
0x13d: {  	s31 =	simm.s32 $0x380;
	[sflag:s1] =	ssyncadd.s32 $0xFFFFC000  }
0x13e: {  	[tilespmem:s13], [sflag:$0x2] =	stream.indirect.gather [hbm4b:s5+s6], $0x80, s31, s6, $0xb8;
	[tilespmem:$0x1D000] =	vst v63  }
0x13f: {  	_ =	swait.ge [sflag:s7], $0x4000  }
0x140: {  	[sflag:s7] =	ssyncset.done $0x0  }
0x141: {  	s9 =	simm.s32 $0xB00;
	[sflag:s7] =	ssyncadd.s32 $0xFFFFC000  }
0x142: {  	[spmem:s2] =	stream.indirect.scatter.add.f32 [tilespmem:s0], [sflag:$0x3], $0x80, s9, s6, $0xb8;
	[tilespmem:$0x1D000] =	vst v63  }
0x143: {  	_ =	swait.ge [sflag:s1], $0x4000  }
0x144: {  	[sflag:s1] =	ssyncset.done $0x0  }
0x145: {  	s8 =	simm.s32 $0x400;
	[sflag:s1] =	ssyncadd.s32 $0xFFFFC000  }
0x146: {  	[tilespmem:s0], [sflag:$0x1] =	stream.indirect.gather [hbm4b:s5+s6], $0x80, s8, s6, $0xb8;
	[tilespmem:$0x1D000] =	vst v63  }
0x147: {  	_ =	swait.ge [sflag:s19], $0x4000  }
0x148: {  	[sflag:s19] =	ssyncset.done $0x0  }
0x149: {  	s12 =	simm.s32 $0xB80;
	[sflag:s19] =	ssyncadd.s32 $0xFFFFC000  }
0x14a: {  	[spmem:s2] =	stream.indirect.scatter.add.f32 [tilespmem:s13], [sflag:$0x3], $0x80, s12, s6, $0xb8;
	[tilespmem:$0x1D000] =	vst v63  }
0x14b: {  	_ =	swait.ge [sflag:s1], $0x4000  }
0x14c: {  	[sflag:s1] =	ssyncset.done $0x0  }
0x14d: {  	s15 =	simm.s32 $0x480;
	[sflag:s1] =	ssyncadd.s32 $0xFFFFC000  }
0x14e: {  	[tilespmem:s13], [sflag:$0x2] =	stream.indirect.gather [hbm4b:s5+s6], $0x80, s15, s6, $0xb8;
	[tilespmem:$0x1D000] =	vst v63  }
0x14f: {  	_ =	swait.ge [sflag:s7], $0x4000  }
0x150: {  	[sflag:s7] =	ssyncset.done $0x0  }
0x151: {  	s18 =	simm.s32 $0xC00;
	[sflag:s7] =	ssyncadd.s32 $0xFFFFC000  }
0x152: {  	[spmem:s2] =	stream.indirect.scatter.add.f32 [tilespmem:s0], [sflag:$0x3], $0x80, s18, s6, $0xb8;
	[tilespmem:$0x1D000] =	vst v63  }
0x153: {  	_ =	swait.ge [sflag:s1], $0x4000  }
0x154: {  	[sflag:s1] =	ssyncset.done $0x0  }
0x155: {  	s20 =	simm.s32 $0x500;
	[sflag:s1] =	ssyncadd.s32 $0xFFFFC000  }
0x156: {  	[tilespmem:s0], [sflag:$0x1] =	stream.indirect.gather [hbm4b:s5+s6], $0x80, s20, s6, $0xb8;
	[tilespmem:$0x1D000] =	vst v63  }
0x157: {  	_ =	swait.ge [sflag:s19], $0x4000  }
0x158: {  	[sflag:s19] =	ssyncset.done $0x0  }
0x159: {  	s14 =	simm.s32 $0xC80;
	[sflag:s19] =	ssyncadd.s32 $0xFFFFC000  }
0x15a: {  	[spmem:s2] =	stream.indirect.scatter.add.f32 [tilespmem:s13], [sflag:$0x3], $0x80, s14, s6, $0xb8;
	[tilespmem:$0x1D000] =	vst v63  }
0x15b: {  	_ =	swait.ge [sflag:s1], $0x4000  }
0x15c: {  	[sflag:s1] =	ssyncset.done $0x0  }
0x15d: {  	s17 =	simm.s32 $0x580;
	[sflag:s1] =	ssyncadd.s32 $0xFFFFC000  }
0x15e: {  	[tilespmem:s13], [sflag:$0x2] =	stream.indirect.gather [hbm4b:s5+s6], $0x80, s17, s6, $0xb8;
	[tilespmem:$0x1D000] =	vst v63  }
0x15f: {  	_ =	swait.ge [sflag:s7], $0x4000  }
0x160: {  	[sflag:s7] =	ssyncset.done $0x0  }
0x161: {  	s18 =	simm.s32 $0xD00;
	[sflag:s7] =	ssyncadd.s32 $0xFFFFC000  }
0x162: {  	[spmem:s2] =	stream.indirect.scatter.add.f32 [tilespmem:s0], [sflag:$0x3], $0x80, s18, s6, $0xb8;
	[tilespmem:$0x1D000] =	vst v63  }
0x163: {  	_ =	swait.ge [sflag:s1], $0x4000  }
0x164: {  	[sflag:s1] =	ssyncset.done $0x0  }
0x165: {  	s20 =	simm.s32 $0x600;
	[sflag:s1] =	ssyncadd.s32 $0xFFFFC000  }
0x166: {  	[tilespmem:s0], [sflag:$0x1] =	stream.indirect.gather [hbm4b:s5+s6], $0x80, s20, s6, $0xb8;
	[tilespmem:$0x1D000] =	vst v63  }
0x167: {  	_ =	swait.ge [sflag:s19], $0x4000  }
0x168: {  	[sflag:s19] =	ssyncset.done $0x0  }
0x169: {  	s14 =	simm.s32 $0xD80;
	[sflag:s19] =	ssyncadd.s32 $0xFFFFC000  }
0x16a: {  	[spmem:s2] =	stream.indirect.scatter.add.f32 [tilespmem:s13], [sflag:$0x3], $0x80, s14, s6, $0xb8;
	[tilespmem:$0x1D000] =	vst v63  }
0x16b: {  	_ =	swait.ge [sflag:s1], $0x4000  }
0x16c: {  	[sflag:s1] =	ssyncset.done $0x0  }
0x16d: {  	s17 =	simm.s32 $0x680;
	[sflag:s1] =	ssyncadd.s32 $0xFFFFC000  }
0x16e: {  	[tilespmem:s13], [sflag:$0x2] =	stream.indirect.gather [hbm4b:s5+s6], $0x80, s17, s6, $0xb8;
	[tilespmem:$0x1D000] =	vst v63  }
0x16f: {  	_ =	swait.ge [sflag:s7], $0x4000  }
0x170: {  	[sflag:s7] =	ssyncset.done $0x0  }
0x171: {  	s18 =	simm.s32 $0xE00;
	[sflag:s7] =	ssyncadd.s32 $0xFFFFC000  }
0x172: {  	[spmem:s2] =	stream.indirect.scatter.add.f32 [tilespmem:s0], [sflag:$0x3], $0x80, s18, s6, $0xb8;
	[tilespmem:$0x1D000] =	vst v63  }
0x173: {  	_ =	swait.ge [sflag:s1], $0x4000  }
0x174: {  	[sflag:s1] =	ssyncset.done $0x0  }
0x175: {  	s20 =	simm.s32 $0x700;
	[sflag:s1] =	ssyncadd.s32 $0xFFFFC000  }
0x176: {  	[tilespmem:s0], [sflag:$0x1] =	stream.indirect.gather [hbm4b:s5+s6], $0x80, s20, s6, $0xb8;
	[tilespmem:$0x1D000] =	vst v63  }
0x177: {  	_ =	swait.ge [sflag:s19], $0x4000  }
0x178: {  	[sflag:s19] =	ssyncset.done $0x0  }
0x179: {  	s14 =	simm.s32 $0xE80;
	[sflag:s19] =	ssyncadd.s32 $0xFFFFC000  }
0x17a: {  	[spmem:s2] =	stream.indirect.scatter.add.f32 [tilespmem:s13], [sflag:$0x3], $0x80, s14, s6, $0xb8;
	[tilespmem:$0x1D000] =	vst v63  }
0x17b: {  	_ =	swait.ge [sflag:s1], $0x4000  }
0x17c: {  	[sflag:s1] =	ssyncset.done $0x0  }
0x17d: {  	s17 =	simm.s32 $0x780;
	[sflag:s1] =	ssyncadd.s32 $0xFFFFC000  }
0x17e: {  	[tilespmem:s13], [sflag:$0x2] =	stream.indirect.gather [hbm4b:s5+s6], $0x80, s17, s6, $0xb8;
	[tilespmem:$0x1D000] =	vst v63  }
0x17f: {  	_ =	swait.ge [sflag:s7], $0x4000  }
0x180: {  	[sflag:s7] =	ssyncset.done $0x0  }
0x181: {  	s18 =	simm.s32 $0xF00;
	[sflag:s7] =	ssyncadd.s32 $0xFFFFC000  }
0x182: {  	[spmem:s2] =	stream.indirect.scatter.add.f32 [tilespmem:s0], [sflag:$0x3], $0x80, s18, s6, $0xb8;
	[tilespmem:$0x1D000] =	vst v63  }
0x183: {  	_ =	swait.ge [sflag:s1], $0x4000  }
0x184: {  	[sflag:s1] =	ssyncset.done $0x0  }
0x185: {  	[sflag:s1] =	ssyncadd.s32 $0xFFFFC000  }
0x186: {  	_ =	swait.ge [sflag:s19], $0x4000  }
0x187: {  	[sflag:s19] =	ssyncset.done $0x0  }
0x188: {  	s20 =	simm.s32 $0xF80;
	[sflag:s19] =	ssyncadd.s32 $0xFFFFC000  }
0x189: {  	[spmem:s2] =	stream.indirect.scatter.add.f32 [tilespmem:s13], [sflag:$0x3], $0x80, s20, s6, $0xb8;
	[tilespmem:$0x1D000] =	vst v63  }
0x18a: {  	_ =	swait.ge [sflag:s1], $0x4000  }
0x18b: {  	s11 =	simm.s32 $0x200;
	s18 =	simm.s32 $0x100;
	[sflag:s1] =	ssyncset.done $0x0  }
.LBB2_6:
0x18c: {  	s14 =	sadd.s32 s18, s25  }
0x18d: {  	[sflag:s1] =	ssyncadd.s32 $0xFFFFC000;
	s17 =	smov.u32 s11;
	s20 =	sadd.s32 $0x100, s11  }
0x18e: {  	[tilespmem:s3], [sflag:$0x3] =	stream.linear.gather [hbm4b:s14+s3], $0x800, $0x38;
	[tilespmem:$0x1D000] =	vst v63  }
0x18f: {  	s14 =	simm.s32 $0x100  }
0x190: {  	p1 =	sne.s32 s11, $0x400;
	_ =	swait.ge [sflag:s1], $0x800  }
0x191: {  	s11 =	sadd.s32 s18, s24;
	[sflag:s1] =	ssyncset.done $0x0  }
0x192: {  	s18 =	smov.u32 s17;
	s17 =	simm.s32 $0x880;
	[sflag:s1] =	ssyncadd.s32 $0xFFFFF800  }
0x193: {  	[tilespmem:s10], [sflag:$0x3] =	stream.linear.gather [hbm4b:s11+s3], $0x800, $0x38;
	[tilespmem:$0x1D000] =	vst v63  }
0x194: {  	_ =	swait.ge [sflag:s1], $0x800  }
0x195: {  	[sflag:s1] =	ssyncset.done $0x0  }
0x196: {  	[sflag:s1] =	ssyncadd.s32 $0xFFFFF800  }
0x197: {  	[tilespmem:s0], [sflag:$0x1] =	stream.indirect.gather [hbm4b:s5+s6], $0x80, s3, s6, $0xb8;
	[tilespmem:$0x1D000] =	vst v63  }
0x198: {  	_ = 	snop  }
0x199: {  	[tilespmem:s13], [sflag:$0x2] =	stream.indirect.gather [hbm4b:s5+s6], $0x80, s6, s6, $0xb8;
	[tilespmem:$0x1D000] =	vst v63  }
0x19a: {  	_ =	swait.ge [sflag:s7], $0x4000  }
0x19b: {  	[sflag:s7] =	ssyncset.done $0x0  }
0x19c: {  	[sflag:s7] =	ssyncadd.s32 $0xFFFFC000  }
0x19d: {  	[spmem:s2] =	stream.indirect.scatter.add.f32 [tilespmem:s0], [sflag:$0x3], $0x80, s10, s6, $0xb8;
	[tilespmem:$0x1D000] =	vst v63  }
0x19e: {  	_ =	swait.ge [sflag:s1], $0x4000  }
0x19f: {  	[sflag:s1] =	ssyncset.done $0x0  }
0x1a0: {  	[sflag:s1] =	ssyncadd.s32 $0xFFFFC000  }
0x1a1: {  	[tilespmem:s0], [sflag:$0x1] =	stream.indirect.gather [hbm4b:s5+s6], $0x80, s14, s6, $0xb8;
	[tilespmem:$0x1D000] =	vst v63  }
0x1a2: {  	_ =	swait.ge [sflag:s19], $0x4000  }
0x1a3: {  	[sflag:s19] =	ssyncset.done $0x0  }
0x1a4: {  	[sflag:s19] =	ssyncadd.s32 $0xFFFFC000  }
0x1a5: {  	[spmem:s2] =	stream.indirect.scatter.add.f32 [tilespmem:s13], [sflag:$0x3], $0x80, s17, s6, $0xb8;
	[tilespmem:$0x1D000] =	vst v63  }
0x1a6: {  	_ =	swait.ge [sflag:s1], $0x4000  }
0x1a7: {  	[sflag:s1] =	ssyncset.done $0x0  }
0x1a8: {  	[sflag:s1] =	ssyncadd.s32 $0xFFFFC000  }
0x1a9: {  	[tilespmem:s13], [sflag:$0x2] =	stream.indirect.gather [hbm4b:s5+s6], $0x80, s21, s6, $0xb8;
	[tilespmem:$0x1D000] =	vst v63  }
0x1aa: {  	_ =	swait.ge [sflag:s7], $0x4000  }
0x1ab: {  	[sflag:s7] =	ssyncset.done $0x0  }
0x1ac: {  	[sflag:s7] =	ssyncadd.s32 $0xFFFFC000  }
0x1ad: {  	[spmem:s2] =	stream.indirect.scatter.add.f32 [tilespmem:s0], [sflag:$0x3], $0x80, s23, s6, $0xb8;
	[tilespmem:$0x1D000] =	vst v63  }
0x1ae: {  	_ =	swait.ge [sflag:s1], $0x4000  }
0x1af: {  	[sflag:s1] =	ssyncset.done $0x0  }
0x1b0: {  	[sflag:s1] =	ssyncadd.s32 $0xFFFFC000  }
0x1b1: {  	[tilespmem:s0], [sflag:$0x1] =	stream.indirect.gather [hbm4b:s5+s6], $0x80, s16, s6, $0xb8;
	[tilespmem:$0x1D000] =	vst v63  }
0x1b2: {  	_ =	swait.ge [sflag:s19], $0x4000  }
0x1b3: {  	[sflag:s19] =	ssyncset.done $0x0  }
0x1b4: {  	[sflag:s19] =	ssyncadd.s32 $0xFFFFC000  }
0x1b5: {  	[spmem:s2] =	stream.indirect.scatter.add.f32 [tilespmem:s13], [sflag:$0x3], $0x80, s22, s6, $0xb8;
	[tilespmem:$0x1D000] =	vst v63  }
0x1b6: {  	_ =	swait.ge [sflag:s1], $0x4000  }
0x1b7: {  	[sflag:s1] =	ssyncset.done $0x0  }
0x1b8: {  	[sflag:s1] =	ssyncadd.s32 $0xFFFFC000  }
0x1b9: {  	[tilespmem:s13], [sflag:$0x2] =	stream.indirect.gather [hbm4b:s5+s6], $0x80, s26, s6, $0xb8;
	[tilespmem:$0x1D000] =	vst v63  }
0x1ba: {  	_ =	swait.ge [sflag:s7], $0x4000  }
0x1bb: {  	[sflag:s7] =	ssyncset.done $0x0  }
0x1bc: {  	[sflag:s7] =	ssyncadd.s32 $0xFFFFC000  }
0x1bd: {  	[spmem:s2] =	stream.indirect.scatter.add.f32 [tilespmem:s0], [sflag:$0x3], $0x80, s28, s6, $0xb8;
	[tilespmem:$0x1D000] =	vst v63  }
0x1be: {  	_ =	swait.ge [sflag:s1], $0x4000  }
0x1bf: {  	[sflag:s1] =	ssyncset.done $0x0  }
0x1c0: {  	[sflag:s1] =	ssyncadd.s32 $0xFFFFC000  }
0x1c1: {  	[tilespmem:s0], [sflag:$0x1] =	stream.indirect.gather [hbm4b:s5+s6], $0x80, s29, s6, $0xb8;
	[tilespmem:$0x1D000] =	vst v63  }
0x1c2: {  	_ =	swait.ge [sflag:s19], $0x4000  }
0x1c3: {  	[sflag:s19] =	ssyncset.done $0x0  }
0x1c4: {  	[sflag:s19] =	ssyncadd.s32 $0xFFFFC000  }
0x1c5: {  	[spmem:s2] =	stream.indirect.scatter.add.f32 [tilespmem:s13], [sflag:$0x3], $0x80, s30, s6, $0xb8;
	[tilespmem:$0x1D000] =	vst v63  }
0x1c6: {  	_ =	swait.ge [sflag:s1], $0x4000  }
0x1c7: {  	[sflag:s1] =	ssyncset.done $0x0  }
0x1c8: {  	[sflag:s1] =	ssyncadd.s32 $0xFFFFC000  }
0x1c9: {  	[tilespmem:s13], [sflag:$0x2] =	stream.indirect.gather [hbm4b:s5+s6], $0x80, s31, s6, $0xb8;
	[tilespmem:$0x1D000] =	vst v63  }
0x1ca: {  	_ =	swait.ge [sflag:s7], $0x4000  }
0x1cb: {  	[sflag:s7] =	ssyncset.done $0x0  }
0x1cc: {  	[sflag:s7] =	ssyncadd.s32 $0xFFFFC000  }
0x1cd: {  	[spmem:s2] =	stream.indirect.scatter.add.f32 [tilespmem:s0], [sflag:$0x3], $0x80, s9, s6, $0xb8;
	[tilespmem:$0x1D000] =	vst v63  }
0x1ce: {  	_ =	swait.ge [sflag:s1], $0x4000  }
0x1cf: {  	[sflag:s1] =	ssyncset.done $0x0  }
0x1d0: {  	[sflag:s1] =	ssyncadd.s32 $0xFFFFC000  }
0x1d1: {  	[tilespmem:s0], [sflag:$0x1] =	stream.indirect.gather [hbm4b:s5+s6], $0x80, s8, s6, $0xb8;
	[tilespmem:$0x1D000] =	vst v63  }
0x1d2: {  	_ =	swait.ge [sflag:s19], $0x4000  }
0x1d3: {  	[sflag:s19] =	ssyncset.done $0x0  }
0x1d4: {  	[sflag:s19] =	ssyncadd.s32 $0xFFFFC000  }
0x1d5: {  	[spmem:s2] =	stream.indirect.scatter.add.f32 [tilespmem:s13], [sflag:$0x3], $0x80, s12, s6, $0xb8;
	[tilespmem:$0x1D000] =	vst v63  }
0x1d6: {  	_ =	swait.ge [sflag:s1], $0x4000  }
0x1d7: {  	[sflag:s1] =	ssyncset.done $0x0  }
0x1d8: {  	[sflag:s1] =	ssyncadd.s32 $0xFFFFC000  }
0x1d9: {  	[tilespmem:s13], [sflag:$0x2] =	stream.indirect.gather [hbm4b:s5+s6], $0x80, s15, s6, $0xb8;
	[tilespmem:$0x1D000] =	vst v63  }
0x1da: {  	_ =	swait.ge [sflag:s7], $0x4000  }
0x1db: {  	[sflag:s7] =	ssyncset.done $0x0  }
0x1dc: {  	s11 =	simm.s32 $0xC00;
	[sflag:s7] =	ssyncadd.s32 $0xFFFFC000  }
0x1dd: {  	[spmem:s2] =	stream.indirect.scatter.add.f32 [tilespmem:s0], [sflag:$0x3], $0x80, s11, s6, $0xb8;
	[tilespmem:$0x1D000] =	vst v63  }
0x1de: {  	_ =	swait.ge [sflag:s1], $0x4000  }
0x1df: {  	[sflag:s1] =	ssyncset.done $0x0  }
0x1e0: {  	s11 =	simm.s32 $0x500;
	[sflag:s1] =	ssyncadd.s32 $0xFFFFC000  }
0x1e1: {  	[tilespmem:s0], [sflag:$0x1] =	stream.indirect.gather [hbm4b:s5+s6], $0x80, s11, s6, $0xb8;
	[tilespmem:$0x1D000] =	vst v63  }
0x1e2: {  	_ =	swait.ge [sflag:s19], $0x4000  }
0x1e3: {  	[sflag:s19] =	ssyncset.done $0x0  }
0x1e4: {  	s11 =	simm.s32 $0xC80;
	[sflag:s19] =	ssyncadd.s32 $0xFFFFC000  }
0x1e5: {  	[spmem:s2] =	stream.indirect.scatter.add.f32 [tilespmem:s13], [sflag:$0x3], $0x80, s11, s6, $0xb8;
	[tilespmem:$0x1D000] =	vst v63  }
0x1e6: {  	_ =	swait.ge [sflag:s1], $0x4000  }
0x1e7: {  	[sflag:s1] =	ssyncset.done $0x0  }
0x1e8: {  	s11 =	simm.s32 $0x580;
	[sflag:s1] =	ssyncadd.s32 $0xFFFFC000  }
0x1e9: {  	[tilespmem:s13], [sflag:$0x2] =	stream.indirect.gather [hbm4b:s5+s6], $0x80, s11, s6, $0xb8;
	[tilespmem:$0x1D000] =	vst v63  }
0x1ea: {  	_ =	swait.ge [sflag:s7], $0x4000  }
0x1eb: {  	[sflag:s7] =	ssyncset.done $0x0  }
0x1ec: {  	s11 =	simm.s32 $0xD00;
	[sflag:s7] =	ssyncadd.s32 $0xFFFFC000  }
0x1ed: {  	[spmem:s2] =	stream.indirect.scatter.add.f32 [tilespmem:s0], [sflag:$0x3], $0x80, s11, s6, $0xb8;
	[tilespmem:$0x1D000] =	vst v63  }
0x1ee: {  	_ =	swait.ge [sflag:s1], $0x4000  }
0x1ef: {  	[sflag:s1] =	ssyncset.done $0x0  }
0x1f0: {  	s11 =	simm.s32 $0x600;
	[sflag:s1] =	ssyncadd.s32 $0xFFFFC000  }
0x1f1: {  	[tilespmem:s0], [sflag:$0x1] =	stream.indirect.gather [hbm4b:s5+s6], $0x80, s11, s6, $0xb8;
	[tilespmem:$0x1D000] =	vst v63  }
0x1f2: {  	_ =	swait.ge [sflag:s19], $0x4000  }
0x1f3: {  	[sflag:s19] =	ssyncset.done $0x0  }
0x1f4: {  	s11 =	simm.s32 $0xD80;
	[sflag:s19] =	ssyncadd.s32 $0xFFFFC000  }
0x1f5: {  	[spmem:s2] =	stream.indirect.scatter.add.f32 [tilespmem:s13], [sflag:$0x3], $0x80, s11, s6, $0xb8;
	[tilespmem:$0x1D000] =	vst v63  }
0x1f6: {  	_ =	swait.ge [sflag:s1], $0x4000  }
0x1f7: {  	[sflag:s1] =	ssyncset.done $0x0  }
0x1f8: {  	s11 =	simm.s32 $0x680;
	[sflag:s1] =	ssyncadd.s32 $0xFFFFC000  }
0x1f9: {  	[tilespmem:s13], [sflag:$0x2] =	stream.indirect.gather [hbm4b:s5+s6], $0x80, s11, s6, $0xb8;
	[tilespmem:$0x1D000] =	vst v63  }
0x1fa: {  	_ =	swait.ge [sflag:s7], $0x4000  }
0x1fb: {  	[sflag:s7] =	ssyncset.done $0x0  }
0x1fc: {  	s11 =	simm.s32 $0xE00;
	[sflag:s7] =	ssyncadd.s32 $0xFFFFC000  }
0x1fd: {  	[spmem:s2] =	stream.indirect.scatter.add.f32 [tilespmem:s0], [sflag:$0x3], $0x80, s11, s6, $0xb8;
	[tilespmem:$0x1D000] =	vst v63  }
0x1fe: {  	_ =	swait.ge [sflag:s1], $0x4000  }
0x1ff: {  	[sflag:s1] =	ssyncset.done $0x0  }
0x200: {  	s11 =	simm.s32 $0x700;
	[sflag:s1] =	ssyncadd.s32 $0xFFFFC000  }
0x201: {  	[tilespmem:s0], [sflag:$0x1] =	stream.indirect.gather [hbm4b:s5+s6], $0x80, s11, s6, $0xb8;
	[tilespmem:$0x1D000] =	vst v63  }
0x202: {  	_ =	swait.ge [sflag:s19], $0x4000  }
0x203: {  	[sflag:s19] =	ssyncset.done $0x0  }
0x204: {  	s11 =	simm.s32 $0xE80;
	[sflag:s19] =	ssyncadd.s32 $0xFFFFC000  }
0x205: {  	[spmem:s2] =	stream.indirect.scatter.add.f32 [tilespmem:s13], [sflag:$0x3], $0x80, s11, s6, $0xb8;
	[tilespmem:$0x1D000] =	vst v63  }
0x206: {  	_ =	swait.ge [sflag:s1], $0x4000  }
0x207: {  	[sflag:s1] =	ssyncset.done $0x0  }
0x208: {  	s11 =	simm.s32 $0x780;
	[sflag:s1] =	ssyncadd.s32 $0xFFFFC000  }
0x209: {  	[tilespmem:s13], [sflag:$0x2] =	stream.indirect.gather [hbm4b:s5+s6], $0x80, s11, s6, $0xb8;
	[tilespmem:$0x1D000] =	vst v63  }
0x20a: {  	_ =	swait.ge [sflag:s7], $0x4000  }
0x20b: {  	[sflag:s7] =	ssyncset.done $0x0  }
0x20c: {  	s11 =	simm.s32 $0xF00;
	[sflag:s7] =	ssyncadd.s32 $0xFFFFC000  }
0x20d: {  	[spmem:s2] =	stream.indirect.scatter.add.f32 [tilespmem:s0], [sflag:$0x3], $0x80, s11, s6, $0xb8;
	[tilespmem:$0x1D000] =	vst v63  }
0x20e: {  	_ =	swait.ge [sflag:s1], $0x4000  }
0x20f: {  	[sflag:s1] =	ssyncset.done $0x0  }
0x210: {  	[sflag:s1] =	ssyncadd.s32 $0xFFFFC000  }
0x211: {  	_ =	swait.ge [sflag:s19], $0x4000  }
.Ltmp3:
0x212: {  	[sflag:s19] =	ssyncset.done $0x0;
	(pc) =	sbr.rel @p1 .LBB2_6-.Ltmp3, $4  }
0x213: {  	s11 =	simm.s32 $0xF80;
	[sflag:s19] =	ssyncadd.s32 $0xFFFFC000  }
0x214: {  	[spmem:s2] =	stream.indirect.scatter.add.f32 [tilespmem:s13], [sflag:$0x3], $0x80, s11, s6, $0xb8;
	[tilespmem:$0x1D000] =	vst v63  }
0x215: {  	_ =	swait.ge [sflag:s1], $0x4000  }
0x216: {  	s11 =	smov.u32 s20;
	[sflag:s1] =	ssyncset.done $0x0  }
.Ltmp4:
0x217: {  	_ = 	snop;
	(pc) =	sbr.rel .LBB2_7-.Ltmp4, $1  }
0x218: {  	_ =	sdelay $0x3  }
.LBB2_2:
0x219: {  	s14 =	rddreg [dreg:$0x7]  }
0x21a: {  	[tilespmem:s0], [sflag:$0x3] =	stream.linear.gather [hbm4b:s14+s11], $0x4000, $0x38;
	[tilespmem:$0x1D000] =	vst v63  }
0x21b: {  	_ =	swait.ge [sflag:s1], $0x4000  }
0x21c: {  	[sflag:s1] =	ssyncset.done $0x0  }
0x21d: {  	[sflag:s1] =	ssyncadd.s32 $0xFFFFC000  }
0x21e: {  	[spmem:s17] =	stream.linear.scatter [tilespmem:s0], [sflag:$0x3], $0x4000, $0x38;
	[tilespmem:$0x1D000] =	vst v63  }
0x21f: {  	_ =	swait.ge [sflag:s1], $0x4000  }
0x220: {  	[sflag:s1] =	ssyncset.done $0x0  }
0x221: {  	s21 =	rddreg [dreg:$0xa];
	[sflag:s1] =	ssyncadd.s32 $0xFFFFC000  }
0x222: {  	[tilespmem:s0], [sflag:$0x3] =	stream.linear.gather [hbm4b:s21+s11], $0x4000, $0x38;
	[tilespmem:$0x1D000] =	vst v63  }
0x223: {  	_ =	swait.ge [sflag:s1], $0x4000  }
0x224: {  	[sflag:s1] =	ssyncset.done $0x0  }
0x225: {  	[sflag:s1] =	ssyncadd.s32 $0xFFFFC000  }
0x226: {  	[spmem:s20] =	stream.linear.scatter [tilespmem:s0], [sflag:$0x3], $0x4000, $0x38;
	[tilespmem:$0x1D000] =	vst v63  }
0x227: {  	_ =	swait.ge [sflag:s1], $0x4000  }
0x228: {  	[sflag:s1] =	ssyncset.done $0x0  }
0x229: {  	s22 =	rddreg [dreg:$0xd];
	[sflag:s1] =	ssyncadd.s32 $0xFFFFC000  }
0x22a: {  	[tilespmem:s0], [sflag:$0x3] =	stream.linear.gather [hbm4b:s22+s11], $0x4000, $0x38;
	[tilespmem:$0x1D000] =	vst v63  }
0x22b: {  	_ =	swait.ge [sflag:s1], $0x4000  }
0x22c: {  	[sflag:s1] =	ssyncset.done $0x0  }
0x22d: {  	s23 =	rddreg [dreg:$0xe];
	[sflag:s1] =	ssyncadd.s32 $0xFFFFC000  }
0x22e: {  	[spmem:s23] =	stream.linear.scatter [tilespmem:s0], [sflag:$0x3], $0x4000, $0x38;
	[tilespmem:$0x1D000] =	vst v63  }
0x22f: {  	_ =	swait.ge [sflag:s1], $0x4000  }
0x230: {  	[sflag:s1] =	ssyncset.done $0x0  }
0x231: {  	s26 =	rddreg [dreg:$0x10];
	[sflag:s1] =	ssyncadd.s32 $0xFFFFC000  }
0x232: {  	[tilespmem:s0], [sflag:$0x3] =	stream.linear.gather [hbm4b:s26+s11], $0x4000, $0x38;
	[tilespmem:$0x1D000] =	vst v63  }
0x233: {  	_ =	swait.ge [sflag:s1], $0x4000  }
0x234: {  	[sflag:s1] =	ssyncset.done $0x0  }
0x235: {  	s8 =	rddreg [dreg:$0x12];
	[sflag:s1] =	ssyncadd.s32 $0xFFFFC000  }
0x236: {  	[spmem:s8] =	stream.linear.scatter [tilespmem:s0], [sflag:$0x3], $0x4000, $0x38;
	[tilespmem:$0x1D000] =	vst v63  }
0x237: {  	_ =	swait.ge [sflag:s1], $0x4000  }
0x238: {  	[sflag:s1] =	ssyncset.done $0x0  }
0x239: {  	s9 =	rddreg [dreg:$0x13];
	[sflag:s1] =	ssyncadd.s32 $0xFFFFC000  }
0x23a: {  	[tilespmem:s0], [sflag:$0x3] =	stream.linear.gather [hbm4b:s9+s11], $0x4000, $0x38;
	[tilespmem:$0x1D000] =	vst v63  }
0x23b: {  	_ =	swait.ge [sflag:s1], $0x4000  }
0x23c: {  	[sflag:s1] =	ssyncset.done $0x0  }
0x23d: {  	s12 =	rddreg [dreg:$0x14];
	[sflag:s1] =	ssyncadd.s32 $0xFFFFC000  }
0x23e: {  	[spmem:s12] =	stream.linear.scatter [tilespmem:s0], [sflag:$0x3], $0x4000, $0x38;
	[tilespmem:$0x1D000] =	vst v63  }
0x23f: {  	_ =	swait.ge [sflag:s1], $0x4000  }
0x240: {  	[sflag:s1] =	ssyncset.done $0x0  }
0x241: {  	[sflag:s1] =	ssyncadd.s32 $0xFFFFC000  }
0x242: {  	s14 =	sadd.s32 $0x0, s25;
	[bflag:$0x0] =	sbarrier.arrive $0xFFFF  }
0x243: {  	[tilespmem:s3], [sflag:$0x3] =	stream.linear.gather [hbm4b:s14+s3], $0x800, $0x38;
	[tilespmem:$0x1D000] =	vst v63  }
0x244: {  	_ =	swait.ge [sflag:s1], $0x800  }
0x245: {  	[sflag:s1] =	ssyncset.done $0x0  }
0x246: {  	s15 =	sadd.s32 $0x0, s24;
	[sflag:s1] =	ssyncadd.s32 $0xFFFFF800  }
0x247: {  	[tilespmem:s10], [sflag:$0x3] =	stream.linear.gather [hbm4b:s15+s3], $0x800, $0x38;
	[tilespmem:$0x1D000] =	vst v63  }
0x248: {  	_ =	swait.ge [sflag:s1], $0x800  }
0x249: {  	[sflag:s1] =	ssyncset.done $0x0  }
0x24a: {  	[sflag:s1] =	ssyncadd.s32 $0xFFFFF800  }
0x24b: {  	[tilespmem:s0], [sflag:$0x1] =	stream.indirect.gather [hbm4b:s4+s6], $0x80, s3, s6, $0xb8;
	[tilespmem:$0x1D000] =	vst v63  }
0x24c: {  	_ = 	snop  }
0x24d: {  	[tilespmem:s13], [sflag:$0x2] =	stream.indirect.gather [hbm4b:s4+s6], $0x80, s6, s6, $0xb8;
	[tilespmem:$0x1D000] =	vst v63  }
0x24e: {  	_ =	swait.ge [sflag:s7], $0x4000  }
0x24f: {  	[sflag:s7] =	ssyncset.done $0x0  }
0x250: {  	[sflag:s7] =	ssyncadd.s32 $0xFFFFC000  }
0x251: {  	[spmem:s2] =	stream.indirect.scatter.add.f32 [tilespmem:s0], [sflag:$0x3], $0x80, s10, s6, $0xb8;
	[tilespmem:$0x1D000] =	vst v63  }
0x252: {  	_ =	swait.ge [sflag:s1], $0x4000  }
0x253: {  	[sflag:s1] =	ssyncset.done $0x0  }
0x254: {  	s16 =	simm.s32 $0x100;
	[sflag:s1] =	ssyncadd.s32 $0xFFFFC000  }
0x255: {  	[tilespmem:s0], [sflag:$0x1] =	stream.indirect.gather [hbm4b:s4+s6], $0x80, s16, s6, $0xb8;
	[tilespmem:$0x1D000] =	vst v63  }
0x256: {  	_ =	swait.ge [sflag:s19], $0x4000  }
0x257: {  	[sflag:s19] =	ssyncset.done $0x0  }
0x258: {  	s17 =	simm.s32 $0x880;
	[sflag:s19] =	ssyncadd.s32 $0xFFFFC000  }
0x259: {  	[spmem:s2] =	stream.indirect.scatter.add.f32 [tilespmem:s13], [sflag:$0x3], $0x80, s17, s6, $0xb8;
	[tilespmem:$0x1D000] =	vst v63  }
0x25a: {  	_ =	swait.ge [sflag:s1], $0x4000  }
0x25b: {  	[sflag:s1] =	ssyncset.done $0x0  }
0x25c: {  	s21 =	simm.s32 $0x180;
	[sflag:s1] =	ssyncadd.s32 $0xFFFFC000  }
0x25d: {  	[tilespmem:s13], [sflag:$0x2] =	stream.indirect.gather [hbm4b:s4+s6], $0x80, s21, s6, $0xb8;
	[tilespmem:$0x1D000] =	vst v63  }
0x25e: {  	_ =	swait.ge [sflag:s7], $0x4000  }
0x25f: {  	[sflag:s7] =	ssyncset.done $0x0  }
0x260: {  	s23 =	simm.s32 $0x900;
	[sflag:s7] =	ssyncadd.s32 $0xFFFFC000  }
0x261: {  	[spmem:s2] =	stream.indirect.scatter.add.f32 [tilespmem:s0], [sflag:$0x3], $0x80, s23, s6, $0xb8;
	[tilespmem:$0x1D000] =	vst v63  }
0x262: {  	_ =	swait.ge [sflag:s1], $0x4000  }
0x263: {  	[sflag:s1] =	ssyncset.done $0x0  }
0x264: {  	s16 =	simm.s32 $0x200;
	[sflag:s1] =	ssyncadd.s32 $0xFFFFC000  }
0x265: {  	[tilespmem:s0], [sflag:$0x1] =	stream.indirect.gather [hbm4b:s4+s6], $0x80, s16, s6, $0xb8;
	[tilespmem:$0x1D000] =	vst v63  }
0x266: {  	_ =	swait.ge [sflag:s19], $0x4000  }
0x267: {  	[sflag:s19] =	ssyncset.done $0x0  }
0x268: {  	s22 =	simm.s32 $0x980;
	[sflag:s19] =	ssyncadd.s32 $0xFFFFC000  }
0x269: {  	[spmem:s2] =	stream.indirect.scatter.add.f32 [tilespmem:s13], [sflag:$0x3], $0x80, s22, s6, $0xb8;
	[tilespmem:$0x1D000] =	vst v63  }
0x26a: {  	_ =	swait.ge [sflag:s1], $0x4000  }
0x26b: {  	[sflag:s1] =	ssyncset.done $0x0  }
0x26c: {  	s26 =	simm.s32 $0x280;
	[sflag:s1] =	ssyncadd.s32 $0xFFFFC000  }
0x26d: {  	[tilespmem:s13], [sflag:$0x2] =	stream.indirect.gather [hbm4b:s4+s6], $0x80, s26, s6, $0xb8;
	[tilespmem:$0x1D000] =	vst v63  }
0x26e: {  	_ =	swait.ge [sflag:s7], $0x4000  }
0x26f: {  	[sflag:s7] =	ssyncset.done $0x0  }
0x270: {  	s28 =	simm.s32 $0xA00;
	[sflag:s7] =	ssyncadd.s32 $0xFFFFC000  }
0x271: {  	[spmem:s2] =	stream.indirect.scatter.add.f32 [tilespmem:s0], [sflag:$0x3], $0x80, s28, s6, $0xb8;
	[tilespmem:$0x1D000] =	vst v63  }
0x272: {  	_ =	swait.ge [sflag:s1], $0x4000  }
0x273: {  	[sflag:s1] =	ssyncset.done $0x0  }
0x274: {  	s29 =	simm.s32 $0x300;
	[sflag:s1] =	ssyncadd.s32 $0xFFFFC000  }
0x275: {  	[tilespmem:s0], [sflag:$0x1] =	stream.indirect.gather [hbm4b:s4+s6], $0x80, s29, s6, $0xb8;
	[tilespmem:$0x1D000] =	vst v63  }
0x276: {  	_ =	swait.ge [sflag:s19], $0x4000  }
0x277: {  	[sflag:s19] =	ssyncset.done $0x0  }
0x278: {  	s30 =	simm.s32 $0xA80;
	[sflag:s19] =	ssyncadd.s32 $0xFFFFC000  }
0x279: {  	[spmem:s2] =	stream.indirect.scatter.add.f32 [tilespmem:s13], [sflag:$0x3], $0x80, s30, s6, $0xb8;
	[tilespmem:$0x1D000] =	vst v63  }
0x27a: {  	_ =	swait.ge [sflag:s1], $0x4000  }
0x27b: {  	[sflag:s1] =	ssyncset.done $0x0  }
0x27c: {  	s31 =	simm.s32 $0x380;
	[sflag:s1] =	ssyncadd.s32 $0xFFFFC000  }
0x27d: {  	[tilespmem:s13], [sflag:$0x2] =	stream.indirect.gather [hbm4b:s4+s6], $0x80, s31, s6, $0xb8;
	[tilespmem:$0x1D000] =	vst v63  }
0x27e: {  	_ =	swait.ge [sflag:s7], $0x4000  }
0x27f: {  	[sflag:s7] =	ssyncset.done $0x0  }
0x280: {  	s9 =	simm.s32 $0xB00;
	[sflag:s7] =	ssyncadd.s32 $0xFFFFC000  }
0x281: {  	[spmem:s2] =	stream.indirect.scatter.add.f32 [tilespmem:s0], [sflag:$0x3], $0x80, s9, s6, $0xb8;
	[tilespmem:$0x1D000] =	vst v63  }
0x282: {  	_ =	swait.ge [sflag:s1], $0x4000  }
0x283: {  	[sflag:s1] =	ssyncset.done $0x0  }
0x284: {  	s8 =	simm.s32 $0x400;
	[sflag:s1] =	ssyncadd.s32 $0xFFFFC000  }
0x285: {  	[tilespmem:s0], [sflag:$0x1] =	stream.indirect.gather [hbm4b:s4+s6], $0x80, s8, s6, $0xb8;
	[tilespmem:$0x1D000] =	vst v63  }
0x286: {  	_ =	swait.ge [sflag:s19], $0x4000  }
0x287: {  	[sflag:s19] =	ssyncset.done $0x0  }
0x288: {  	s12 =	simm.s32 $0xB80;
	[sflag:s19] =	ssyncadd.s32 $0xFFFFC000  }
0x289: {  	[spmem:s2] =	stream.indirect.scatter.add.f32 [tilespmem:s13], [sflag:$0x3], $0x80, s12, s6, $0xb8;
	[tilespmem:$0x1D000] =	vst v63  }
0x28a: {  	_ =	swait.ge [sflag:s1], $0x4000  }
0x28b: {  	[sflag:s1] =	ssyncset.done $0x0  }
0x28c: {  	s15 =	simm.s32 $0x480;
	[sflag:s1] =	ssyncadd.s32 $0xFFFFC000  }
0x28d: {  	[tilespmem:s13], [sflag:$0x2] =	stream.indirect.gather [hbm4b:s4+s6], $0x80, s15, s6, $0xb8;
	[tilespmem:$0x1D000] =	vst v63  }
0x28e: {  	_ =	swait.ge [sflag:s7], $0x4000  }
0x28f: {  	[sflag:s7] =	ssyncset.done $0x0  }
0x290: {  	s18 =	simm.s32 $0xC00;
	[sflag:s7] =	ssyncadd.s32 $0xFFFFC000  }
0x291: {  	[spmem:s2] =	stream.indirect.scatter.add.f32 [tilespmem:s0], [sflag:$0x3], $0x80, s18, s6, $0xb8;
	[tilespmem:$0x1D000] =	vst v63  }
0x292: {  	_ =	swait.ge [sflag:s1], $0x4000  }
0x293: {  	[sflag:s1] =	ssyncset.done $0x0  }
0x294: {  	s20 =	simm.s32 $0x500;
	[sflag:s1] =	ssyncadd.s32 $0xFFFFC000  }
0x295: {  	[tilespmem:s0], [sflag:$0x1] =	stream.indirect.gather [hbm4b:s4+s6], $0x80, s20, s6, $0xb8;
	[tilespmem:$0x1D000] =	vst v63  }
0x296: {  	_ =	swait.ge [sflag:s19], $0x4000  }
0x297: {  	[sflag:s19] =	ssyncset.done $0x0  }
0x298: {  	s14 =	simm.s32 $0xC80;
	[sflag:s19] =	ssyncadd.s32 $0xFFFFC000  }
0x299: {  	[spmem:s2] =	stream.indirect.scatter.add.f32 [tilespmem:s13], [sflag:$0x3], $0x80, s14, s6, $0xb8;
	[tilespmem:$0x1D000] =	vst v63  }
0x29a: {  	_ =	swait.ge [sflag:s1], $0x4000  }
0x29b: {  	[sflag:s1] =	ssyncset.done $0x0  }
0x29c: {  	s17 =	simm.s32 $0x580;
	[sflag:s1] =	ssyncadd.s32 $0xFFFFC000  }
0x29d: {  	[tilespmem:s13], [sflag:$0x2] =	stream.indirect.gather [hbm4b:s4+s6], $0x80, s17, s6, $0xb8;
	[tilespmem:$0x1D000] =	vst v63  }
0x29e: {  	_ =	swait.ge [sflag:s7], $0x4000  }
0x29f: {  	[sflag:s7] =	ssyncset.done $0x0  }
0x2a0: {  	s18 =	simm.s32 $0xD00;
	[sflag:s7] =	ssyncadd.s32 $0xFFFFC000  }
0x2a1: {  	[spmem:s2] =	stream.indirect.scatter.add.f32 [tilespmem:s0], [sflag:$0x3], $0x80, s18, s6, $0xb8;
	[tilespmem:$0x1D000] =	vst v63  }
0x2a2: {  	_ =	swait.ge [sflag:s1], $0x4000  }
0x2a3: {  	[sflag:s1] =	ssyncset.done $0x0  }
0x2a4: {  	s20 =	simm.s32 $0x600;
	[sflag:s1] =	ssyncadd.s32 $0xFFFFC000  }
0x2a5: {  	[tilespmem:s0], [sflag:$0x1] =	stream.indirect.gather [hbm4b:s4+s6], $0x80, s20, s6, $0xb8;
	[tilespmem:$0x1D000] =	vst v63  }
0x2a6: {  	_ =	swait.ge [sflag:s19], $0x4000  }
0x2a7: {  	[sflag:s19] =	ssyncset.done $0x0  }
0x2a8: {  	s14 =	simm.s32 $0xD80;
	[sflag:s19] =	ssyncadd.s32 $0xFFFFC000  }
0x2a9: {  	[spmem:s2] =	stream.indirect.scatter.add.f32 [tilespmem:s13], [sflag:$0x3], $0x80, s14, s6, $0xb8;
	[tilespmem:$0x1D000] =	vst v63  }
0x2aa: {  	_ =	swait.ge [sflag:s1], $0x4000  }
0x2ab: {  	[sflag:s1] =	ssyncset.done $0x0  }
0x2ac: {  	s17 =	simm.s32 $0x680;
	[sflag:s1] =	ssyncadd.s32 $0xFFFFC000  }
0x2ad: {  	[tilespmem:s13], [sflag:$0x2] =	stream.indirect.gather [hbm4b:s4+s6], $0x80, s17, s6, $0xb8;
	[tilespmem:$0x1D000] =	vst v63  }
0x2ae: {  	_ =	swait.ge [sflag:s7], $0x4000  }
0x2af: {  	[sflag:s7] =	ssyncset.done $0x0  }
0x2b0: {  	s18 =	simm.s32 $0xE00;
	[sflag:s7] =	ssyncadd.s32 $0xFFFFC000  }
0x2b1: {  	[spmem:s2] =	stream.indirect.scatter.add.f32 [tilespmem:s0], [sflag:$0x3], $0x80, s18, s6, $0xb8;
	[tilespmem:$0x1D000] =	vst v63  }
0x2b2: {  	_ =	swait.ge [sflag:s1], $0x4000  }
0x2b3: {  	[sflag:s1] =	ssyncset.done $0x0  }
0x2b4: {  	s20 =	simm.s32 $0x700;
	[sflag:s1] =	ssyncadd.s32 $0xFFFFC000  }
0x2b5: {  	[tilespmem:s0], [sflag:$0x1] =	stream.indirect.gather [hbm4b:s4+s6], $0x80, s20, s6, $0xb8;
	[tilespmem:$0x1D000] =	vst v63  }
0x2b6: {  	_ =	swait.ge [sflag:s19], $0x4000  }
0x2b7: {  	[sflag:s19] =	ssyncset.done $0x0  }
0x2b8: {  	s14 =	simm.s32 $0xE80;
	[sflag:s19] =	ssyncadd.s32 $0xFFFFC000  }
0x2b9: {  	[spmem:s2] =	stream.indirect.scatter.add.f32 [tilespmem:s13], [sflag:$0x3], $0x80, s14, s6, $0xb8;
	[tilespmem:$0x1D000] =	vst v63  }
0x2ba: {  	_ =	swait.ge [sflag:s1], $0x4000  }
0x2bb: {  	[sflag:s1] =	ssyncset.done $0x0  }
0x2bc: {  	s17 =	simm.s32 $0x780;
	[sflag:s1] =	ssyncadd.s32 $0xFFFFC000  }
0x2bd: {  	[tilespmem:s13], [sflag:$0x2] =	stream.indirect.gather [hbm4b:s4+s6], $0x80, s17, s6, $0xb8;
	[tilespmem:$0x1D000] =	vst v63  }
0x2be: {  	_ =	swait.ge [sflag:s7], $0x4000  }
0x2bf: {  	[sflag:s7] =	ssyncset.done $0x0  }
0x2c0: {  	s18 =	simm.s32 $0xF00;
	[sflag:s7] =	ssyncadd.s32 $0xFFFFC000  }
0x2c1: {  	[spmem:s2] =	stream.indirect.scatter.add.f32 [tilespmem:s0], [sflag:$0x3], $0x80, s18, s6, $0xb8;
	[tilespmem:$0x1D000] =	vst v63  }
0x2c2: {  	_ =	swait.ge [sflag:s1], $0x4000  }
0x2c3: {  	[sflag:s1] =	ssyncset.done $0x0  }
0x2c4: {  	[sflag:s1] =	ssyncadd.s32 $0xFFFFC000  }
0x2c5: {  	_ =	swait.ge [sflag:s19], $0x4000  }
0x2c6: {  	[sflag:s19] =	ssyncset.done $0x0  }
0x2c7: {  	s20 =	simm.s32 $0xF80;
	[sflag:s19] =	ssyncadd.s32 $0xFFFFC000  }
0x2c8: {  	[spmem:s2] =	stream.indirect.scatter.add.f32 [tilespmem:s13], [sflag:$0x3], $0x80, s20, s6, $0xb8;
	[tilespmem:$0x1D000] =	vst v63  }
0x2c9: {  	_ =	swait.ge [sflag:s1], $0x4000  }
0x2ca: {  	s18 =	simm.s32 $0x100;
	s20 =	simm.s32 $0x200;
	[sflag:s1] =	ssyncset.done $0x0  }
.LBB2_3:
0x2cb: {  	s14 =	sadd.s32 s18, s25  }
0x2cc: {  	[sflag:s1] =	ssyncadd.s32 $0xFFFFC000;
	s17 =	smov.u32 s20;
	s11 =	sadd.s32 $0x100, s20  }
0x2cd: {  	[tilespmem:s3], [sflag:$0x3] =	stream.linear.gather [hbm4b:s14+s3], $0x800, $0x38;
	[tilespmem:$0x1D000] =	vst v63  }
0x2ce: {  	p1 =	seq.s32 s20, $0x400;
	_ =	swait.ge [sflag:s1], $0x800  }
0x2cf: {  	s14 =	sadd.s32 s18, s24;
	[sflag:s1] =	ssyncset.done $0x0  }
0x2d0: {  	s18 =	smov.u32 s17;
	s17 =	simm.s32 $0x880;
	[sflag:s1] =	ssyncadd.s32 $0xFFFFF800  }
0x2d1: {  	[tilespmem:s10], [sflag:$0x3] =	stream.linear.gather [hbm4b:s14+s3], $0x800, $0x38;
	[tilespmem:$0x1D000] =	vst v63  }
0x2d2: {  	s14 =	simm.s32 $0x100  }
0x2d3: {  	_ =	swait.ge [sflag:s1], $0x800  }
0x2d4: {  	[sflag:s1] =	ssyncset.done $0x0  }
0x2d5: {  	[sflag:s1] =	ssyncadd.s32 $0xFFFFF800  }
0x2d6: {  	[tilespmem:s0], [sflag:$0x1] =	stream.indirect.gather [hbm4b:s4+s6], $0x80, s3, s6, $0xb8;
	[tilespmem:$0x1D000] =	vst v63  }
0x2d7: {  	_ = 	snop  }
0x2d8: {  	[tilespmem:s13], [sflag:$0x2] =	stream.indirect.gather [hbm4b:s4+s6], $0x80, s6, s6, $0xb8;
	[tilespmem:$0x1D000] =	vst v63  }
0x2d9: {  	_ =	swait.ge [sflag:s7], $0x4000  }
0x2da: {  	[sflag:s7] =	ssyncset.done $0x0  }
0x2db: {  	[sflag:s7] =	ssyncadd.s32 $0xFFFFC000  }
0x2dc: {  	[spmem:s2] =	stream.indirect.scatter.add.f32 [tilespmem:s0], [sflag:$0x3], $0x80, s10, s6, $0xb8;
	[tilespmem:$0x1D000] =	vst v63  }
0x2dd: {  	_ =	swait.ge [sflag:s1], $0x4000  }
0x2de: {  	[sflag:s1] =	ssyncset.done $0x0  }
0x2df: {  	[sflag:s1] =	ssyncadd.s32 $0xFFFFC000  }
0x2e0: {  	[tilespmem:s0], [sflag:$0x1] =	stream.indirect.gather [hbm4b:s4+s6], $0x80, s14, s6, $0xb8;
	[tilespmem:$0x1D000] =	vst v63  }
0x2e1: {  	_ =	swait.ge [sflag:s19], $0x4000  }
0x2e2: {  	[sflag:s19] =	ssyncset.done $0x0  }
0x2e3: {  	[sflag:s19] =	ssyncadd.s32 $0xFFFFC000  }
0x2e4: {  	[spmem:s2] =	stream.indirect.scatter.add.f32 [tilespmem:s13], [sflag:$0x3], $0x80, s17, s6, $0xb8;
	[tilespmem:$0x1D000] =	vst v63  }
0x2e5: {  	_ =	swait.ge [sflag:s1], $0x4000  }
0x2e6: {  	[sflag:s1] =	ssyncset.done $0x0  }
0x2e7: {  	[sflag:s1] =	ssyncadd.s32 $0xFFFFC000  }
0x2e8: {  	[tilespmem:s13], [sflag:$0x2] =	stream.indirect.gather [hbm4b:s4+s6], $0x80, s21, s6, $0xb8;
	[tilespmem:$0x1D000] =	vst v63  }
0x2e9: {  	_ =	swait.ge [sflag:s7], $0x4000  }
0x2ea: {  	[sflag:s7] =	ssyncset.done $0x0  }
0x2eb: {  	[sflag:s7] =	ssyncadd.s32 $0xFFFFC000  }
0x2ec: {  	[spmem:s2] =	stream.indirect.scatter.add.f32 [tilespmem:s0], [sflag:$0x3], $0x80, s23, s6, $0xb8;
	[tilespmem:$0x1D000] =	vst v63  }
0x2ed: {  	_ =	swait.ge [sflag:s1], $0x4000  }
0x2ee: {  	[sflag:s1] =	ssyncset.done $0x0  }
0x2ef: {  	[sflag:s1] =	ssyncadd.s32 $0xFFFFC000  }
0x2f0: {  	[tilespmem:s0], [sflag:$0x1] =	stream.indirect.gather [hbm4b:s4+s6], $0x80, s16, s6, $0xb8;
	[tilespmem:$0x1D000] =	vst v63  }
0x2f1: {  	_ =	swait.ge [sflag:s19], $0x4000  }
0x2f2: {  	[sflag:s19] =	ssyncset.done $0x0  }
0x2f3: {  	[sflag:s19] =	ssyncadd.s32 $0xFFFFC000  }
0x2f4: {  	[spmem:s2] =	stream.indirect.scatter.add.f32 [tilespmem:s13], [sflag:$0x3], $0x80, s22, s6, $0xb8;
	[tilespmem:$0x1D000] =	vst v63  }
0x2f5: {  	_ =	swait.ge [sflag:s1], $0x4000  }
0x2f6: {  	[sflag:s1] =	ssyncset.done $0x0  }
0x2f7: {  	[sflag:s1] =	ssyncadd.s32 $0xFFFFC000  }
0x2f8: {  	[tilespmem:s13], [sflag:$0x2] =	stream.indirect.gather [hbm4b:s4+s6], $0x80, s26, s6, $0xb8;
	[tilespmem:$0x1D000] =	vst v63  }
0x2f9: {  	_ =	swait.ge [sflag:s7], $0x4000  }
0x2fa: {  	[sflag:s7] =	ssyncset.done $0x0  }
0x2fb: {  	[sflag:s7] =	ssyncadd.s32 $0xFFFFC000  }
0x2fc: {  	[spmem:s2] =	stream.indirect.scatter.add.f32 [tilespmem:s0], [sflag:$0x3], $0x80, s28, s6, $0xb8;
	[tilespmem:$0x1D000] =	vst v63  }
0x2fd: {  	_ =	swait.ge [sflag:s1], $0x4000  }
0x2fe: {  	[sflag:s1] =	ssyncset.done $0x0  }
0x2ff: {  	[sflag:s1] =	ssyncadd.s32 $0xFFFFC000  }
0x300: {  	[tilespmem:s0], [sflag:$0x1] =	stream.indirect.gather [hbm4b:s4+s6], $0x80, s29, s6, $0xb8;
	[tilespmem:$0x1D000] =	vst v63  }
0x301: {  	_ =	swait.ge [sflag:s19], $0x4000  }
0x302: {  	[sflag:s19] =	ssyncset.done $0x0  }
0x303: {  	[sflag:s19] =	ssyncadd.s32 $0xFFFFC000  }
0x304: {  	[spmem:s2] =	stream.indirect.scatter.add.f32 [tilespmem:s13], [sflag:$0x3], $0x80, s30, s6, $0xb8;
	[tilespmem:$0x1D000] =	vst v63  }
0x305: {  	_ =	swait.ge [sflag:s1], $0x4000  }
0x306: {  	[sflag:s1] =	ssyncset.done $0x0  }
0x307: {  	[sflag:s1] =	ssyncadd.s32 $0xFFFFC000  }
0x308: {  	[tilespmem:s13], [sflag:$0x2] =	stream.indirect.gather [hbm4b:s4+s6], $0x80, s31, s6, $0xb8;
	[tilespmem:$0x1D000] =	vst v63  }
0x309: {  	_ =	swait.ge [sflag:s7], $0x4000  }
0x30a: {  	[sflag:s7] =	ssyncset.done $0x0  }
0x30b: {  	[sflag:s7] =	ssyncadd.s32 $0xFFFFC000  }
0x30c: {  	[spmem:s2] =	stream.indirect.scatter.add.f32 [tilespmem:s0], [sflag:$0x3], $0x80, s9, s6, $0xb8;
	[tilespmem:$0x1D000] =	vst v63  }
0x30d: {  	_ =	swait.ge [sflag:s1], $0x4000  }
0x30e: {  	[sflag:s1] =	ssyncset.done $0x0  }
0x30f: {  	[sflag:s1] =	ssyncadd.s32 $0xFFFFC000  }
0x310: {  	[tilespmem:s0], [sflag:$0x1] =	stream.indirect.gather [hbm4b:s4+s6], $0x80, s8, s6, $0xb8;
	[tilespmem:$0x1D000] =	vst v63  }
0x311: {  	_ =	swait.ge [sflag:s19], $0x4000  }
0x312: {  	[sflag:s19] =	ssyncset.done $0x0  }
0x313: {  	[sflag:s19] =	ssyncadd.s32 $0xFFFFC000  }
0x314: {  	[spmem:s2] =	stream.indirect.scatter.add.f32 [tilespmem:s13], [sflag:$0x3], $0x80, s12, s6, $0xb8;
	[tilespmem:$0x1D000] =	vst v63  }
0x315: {  	_ =	swait.ge [sflag:s1], $0x4000  }
0x316: {  	[sflag:s1] =	ssyncset.done $0x0  }
0x317: {  	[sflag:s1] =	ssyncadd.s32 $0xFFFFC000  }
0x318: {  	[tilespmem:s13], [sflag:$0x2] =	stream.indirect.gather [hbm4b:s4+s6], $0x80, s15, s6, $0xb8;
	[tilespmem:$0x1D000] =	vst v63  }
0x319: {  	_ =	swait.ge [sflag:s7], $0x4000  }
0x31a: {  	[sflag:s7] =	ssyncset.done $0x0  }
0x31b: {  	s20 =	simm.s32 $0xC00;
	[sflag:s7] =	ssyncadd.s32 $0xFFFFC000  }
0x31c: {  	[spmem:s2] =	stream.indirect.scatter.add.f32 [tilespmem:s0], [sflag:$0x3], $0x80, s20, s6, $0xb8;
	[tilespmem:$0x1D000] =	vst v63  }
0x31d: {  	_ =	swait.ge [sflag:s1], $0x4000  }
0x31e: {  	[sflag:s1] =	ssyncset.done $0x0  }
0x31f: {  	s20 =	simm.s32 $0x500;
	[sflag:s1] =	ssyncadd.s32 $0xFFFFC000  }
0x320: {  	[tilespmem:s0], [sflag:$0x1] =	stream.indirect.gather [hbm4b:s4+s6], $0x80, s20, s6, $0xb8;
	[tilespmem:$0x1D000] =	vst v63  }
0x321: {  	_ =	swait.ge [sflag:s19], $0x4000  }
0x322: {  	[sflag:s19] =	ssyncset.done $0x0  }
0x323: {  	s20 =	simm.s32 $0xC80;
	[sflag:s19] =	ssyncadd.s32 $0xFFFFC000  }
0x324: {  	[spmem:s2] =	stream.indirect.scatter.add.f32 [tilespmem:s13], [sflag:$0x3], $0x80, s20, s6, $0xb8;
	[tilespmem:$0x1D000] =	vst v63  }
0x325: {  	_ =	swait.ge [sflag:s1], $0x4000  }
0x326: {  	[sflag:s1] =	ssyncset.done $0x0  }
0x327: {  	s20 =	simm.s32 $0x580;
	[sflag:s1] =	ssyncadd.s32 $0xFFFFC000  }
0x328: {  	[tilespmem:s13], [sflag:$0x2] =	stream.indirect.gather [hbm4b:s4+s6], $0x80, s20, s6, $0xb8;
	[tilespmem:$0x1D000] =	vst v63  }
0x329: {  	_ =	swait.ge [sflag:s7], $0x4000  }
0x32a: {  	[sflag:s7] =	ssyncset.done $0x0  }
0x32b: {  	s20 =	simm.s32 $0xD00;
	[sflag:s7] =	ssyncadd.s32 $0xFFFFC000  }
0x32c: {  	[spmem:s2] =	stream.indirect.scatter.add.f32 [tilespmem:s0], [sflag:$0x3], $0x80, s20, s6, $0xb8;
	[tilespmem:$0x1D000] =	vst v63  }
0x32d: {  	_ =	swait.ge [sflag:s1], $0x4000  }
0x32e: {  	[sflag:s1] =	ssyncset.done $0x0  }
0x32f: {  	s20 =	simm.s32 $0x600;
	[sflag:s1] =	ssyncadd.s32 $0xFFFFC000  }
0x330: {  	[tilespmem:s0], [sflag:$0x1] =	stream.indirect.gather [hbm4b:s4+s6], $0x80, s20, s6, $0xb8;
	[tilespmem:$0x1D000] =	vst v63  }
0x331: {  	_ =	swait.ge [sflag:s19], $0x4000  }
0x332: {  	[sflag:s19] =	ssyncset.done $0x0  }
0x333: {  	s20 =	simm.s32 $0xD80;
	[sflag:s19] =	ssyncadd.s32 $0xFFFFC000  }
0x334: {  	[spmem:s2] =	stream.indirect.scatter.add.f32 [tilespmem:s13], [sflag:$0x3], $0x80, s20, s6, $0xb8;
	[tilespmem:$0x1D000] =	vst v63  }
0x335: {  	_ =	swait.ge [sflag:s1], $0x4000  }
0x336: {  	[sflag:s1] =	ssyncset.done $0x0  }
0x337: {  	s20 =	simm.s32 $0x680;
	[sflag:s1] =	ssyncadd.s32 $0xFFFFC000  }
0x338: {  	[tilespmem:s13], [sflag:$0x2] =	stream.indirect.gather [hbm4b:s4+s6], $0x80, s20, s6, $0xb8;
	[tilespmem:$0x1D000] =	vst v63  }
0x339: {  	_ =	swait.ge [sflag:s7], $0x4000  }
0x33a: {  	[sflag:s7] =	ssyncset.done $0x0  }
0x33b: {  	s20 =	simm.s32 $0xE00;
	[sflag:s7] =	ssyncadd.s32 $0xFFFFC000  }
0x33c: {  	[spmem:s2] =	stream.indirect.scatter.add.f32 [tilespmem:s0], [sflag:$0x3], $0x80, s20, s6, $0xb8;
	[tilespmem:$0x1D000] =	vst v63  }
0x33d: {  	_ =	swait.ge [sflag:s1], $0x4000  }
0x33e: {  	[sflag:s1] =	ssyncset.done $0x0  }
0x33f: {  	s20 =	simm.s32 $0x700;
	[sflag:s1] =	ssyncadd.s32 $0xFFFFC000  }
0x340: {  	[tilespmem:s0], [sflag:$0x1] =	stream.indirect.gather [hbm4b:s4+s6], $0x80, s20, s6, $0xb8;
	[tilespmem:$0x1D000] =	vst v63  }
0x341: {  	_ =	swait.ge [sflag:s19], $0x4000  }
0x342: {  	[sflag:s19] =	ssyncset.done $0x0  }
0x343: {  	s20 =	simm.s32 $0xE80;
	[sflag:s19] =	ssyncadd.s32 $0xFFFFC000  }
0x344: {  	[spmem:s2] =	stream.indirect.scatter.add.f32 [tilespmem:s13], [sflag:$0x3], $0x80, s20, s6, $0xb8;
	[tilespmem:$0x1D000] =	vst v63  }
0x345: {  	_ =	swait.ge [sflag:s1], $0x4000  }
0x346: {  	[sflag:s1] =	ssyncset.done $0x0  }
0x347: {  	s20 =	simm.s32 $0x780;
	[sflag:s1] =	ssyncadd.s32 $0xFFFFC000  }
0x348: {  	[tilespmem:s13], [sflag:$0x2] =	stream.indirect.gather [hbm4b:s4+s6], $0x80, s20, s6, $0xb8;
	[tilespmem:$0x1D000] =	vst v63  }
0x349: {  	_ =	swait.ge [sflag:s7], $0x4000  }
0x34a: {  	[sflag:s7] =	ssyncset.done $0x0  }
0x34b: {  	s20 =	simm.s32 $0xF00;
	[sflag:s7] =	ssyncadd.s32 $0xFFFFC000  }
0x34c: {  	[spmem:s2] =	stream.indirect.scatter.add.f32 [tilespmem:s0], [sflag:$0x3], $0x80, s20, s6, $0xb8;
	[tilespmem:$0x1D000] =	vst v63  }
0x34d: {  	_ =	swait.ge [sflag:s1], $0x4000  }
0x34e: {  	[sflag:s1] =	ssyncset.done $0x0  }
0x34f: {  	[sflag:s1] =	ssyncadd.s32 $0xFFFFC000  }
0x350: {  	_ =	swait.ge [sflag:s19], $0x4000  }
.Ltmp5:
0x351: {  	[sflag:s19] =	ssyncset.done $0x0;
	(pc) =	sbr.rel @!p1 .LBB2_3-.Ltmp5, $4  }
0x352: {  	s20 =	simm.s32 $0xF80;
	[sflag:s19] =	ssyncadd.s32 $0xFFFFC000  }
0x353: {  	[spmem:s2] =	stream.indirect.scatter.add.f32 [tilespmem:s13], [sflag:$0x3], $0x80, s20, s6, $0xb8;
	[tilespmem:$0x1D000] =	vst v63  }
0x354: {  	_ =	swait.ge [sflag:s1], $0x4000  }
0x355: {  	s20 =	smov.u32 s11;
	[sflag:s1] =	ssyncset.done $0x0  }
0x356: {  	s11 =	sadd.s32 s18, s25;
	[sflag:s1] =	ssyncadd.s32 $0xFFFFC000  }
0x357: {  	[tilespmem:s3], [sflag:$0x3] =	stream.linear.gather [hbm4b:s11+s3], $0x800, $0x38;
	[tilespmem:$0x1D000] =	vst v63  }
0x358: {  	_ =	swait.ge [sflag:s1], $0x800  }
0x359: {  	[sflag:s1] =	ssyncset.done $0x0  }
0x35a: {  	s20 =	sadd.s32 s18, s24;
	[sflag:s1] =	ssyncadd.s32 $0xFFFFF800  }
0x35b: {  	[tilespmem:s10], [sflag:$0x3] =	stream.linear.gather [hbm4b:s20+s3], $0x800, $0x38;
	[tilespmem:$0x1D000] =	vst v63  }
0x35c: {  	_ =	swait.ge [sflag:s1], $0x800  }
0x35d: {  	[sflag:s1] =	ssyncset.done $0x0  }
0x35e: {  	[sflag:s1] =	ssyncadd.s32 $0xFFFFF800  }
0x35f: {  	[tilespmem:s0], [sflag:$0x1] =	stream.indirect.gather [hbm4b:s4+s6], $0x80, s3, s6, $0xb8;
	[tilespmem:$0x1D000] =	vst v63  }
0x360: {  	_ = 	snop  }
0x361: {  	[tilespmem:s13], [sflag:$0x2] =	stream.indirect.gather [hbm4b:s4+s6], $0x80, s6, s6, $0xb8;
	[tilespmem:$0x1D000] =	vst v63  }
0x362: {  	_ =	swait.ge [sflag:s7], $0x4000  }
0x363: {  	[sflag:s7] =	ssyncset.done $0x0  }
0x364: {  	[sflag:s7] =	ssyncadd.s32 $0xFFFFC000  }
0x365: {  	[spmem:s2] =	stream.indirect.scatter.add.f32 [tilespmem:s0], [sflag:$0x3], $0x80, s10, s6, $0xb8;
	[tilespmem:$0x1D000] =	vst v63  }
0x366: {  	_ =	swait.ge [sflag:s1], $0x4000  }
0x367: {  	[sflag:s1] =	ssyncset.done $0x0  }
0x368: {  	[sflag:s1] =	ssyncadd.s32 $0xFFFFC000  }
0x369: {  	[tilespmem:s0], [sflag:$0x1] =	stream.indirect.gather [hbm4b:s4+s6], $0x80, s14, s6, $0xb8;
	[tilespmem:$0x1D000] =	vst v63  }
0x36a: {  	_ =	swait.ge [sflag:s19], $0x4000  }
0x36b: {  	[sflag:s19] =	ssyncset.done $0x0  }
0x36c: {  	[sflag:s19] =	ssyncadd.s32 $0xFFFFC000  }
0x36d: {  	[spmem:s2] =	stream.indirect.scatter.add.f32 [tilespmem:s13], [sflag:$0x3], $0x80, s17, s6, $0xb8;
	[tilespmem:$0x1D000] =	vst v63  }
0x36e: {  	_ =	swait.ge [sflag:s1], $0x4000  }
0x36f: {  	[sflag:s1] =	ssyncset.done $0x0  }
0x370: {  	[sflag:s1] =	ssyncadd.s32 $0xFFFFC000  }
0x371: {  	[tilespmem:s13], [sflag:$0x2] =	stream.indirect.gather [hbm4b:s4+s6], $0x80, s21, s6, $0xb8;
	[tilespmem:$0x1D000] =	vst v63  }
0x372: {  	_ =	swait.ge [sflag:s7], $0x4000  }
0x373: {  	[sflag:s7] =	ssyncset.done $0x0  }
0x374: {  	[sflag:s7] =	ssyncadd.s32 $0xFFFFC000  }
0x375: {  	[spmem:s2] =	stream.indirect.scatter.add.f32 [tilespmem:s0], [sflag:$0x3], $0x80, s23, s6, $0xb8;
	[tilespmem:$0x1D000] =	vst v63  }
0x376: {  	_ =	swait.ge [sflag:s1], $0x4000  }
0x377: {  	[sflag:s1] =	ssyncset.done $0x0  }
0x378: {  	[sflag:s1] =	ssyncadd.s32 $0xFFFFC000  }
0x379: {  	[tilespmem:s0], [sflag:$0x1] =	stream.indirect.gather [hbm4b:s4+s6], $0x80, s16, s6, $0xb8;
	[tilespmem:$0x1D000] =	vst v63  }
0x37a: {  	_ =	swait.ge [sflag:s19], $0x4000  }
0x37b: {  	[sflag:s19] =	ssyncset.done $0x0  }
0x37c: {  	[sflag:s19] =	ssyncadd.s32 $0xFFFFC000  }
0x37d: {  	[spmem:s2] =	stream.indirect.scatter.add.f32 [tilespmem:s13], [sflag:$0x3], $0x80, s22, s6, $0xb8;
	[tilespmem:$0x1D000] =	vst v63  }
0x37e: {  	_ =	swait.ge [sflag:s1], $0x4000  }
0x37f: {  	[sflag:s1] =	ssyncset.done $0x0  }
0x380: {  	[sflag:s1] =	ssyncadd.s32 $0xFFFFC000  }
0x381: {  	[tilespmem:s13], [sflag:$0x2] =	stream.indirect.gather [hbm4b:s4+s6], $0x80, s26, s6, $0xb8;
	[tilespmem:$0x1D000] =	vst v63  }
0x382: {  	_ =	swait.ge [sflag:s7], $0x4000  }
0x383: {  	[sflag:s7] =	ssyncset.done $0x0  }
0x384: {  	[sflag:s7] =	ssyncadd.s32 $0xFFFFC000  }
0x385: {  	[spmem:s2] =	stream.indirect.scatter.add.f32 [tilespmem:s0], [sflag:$0x3], $0x80, s28, s6, $0xb8;
	[tilespmem:$0x1D000] =	vst v63  }
0x386: {  	_ =	swait.ge [sflag:s1], $0x4000  }
0x387: {  	[sflag:s1] =	ssyncset.done $0x0  }
0x388: {  	[sflag:s1] =	ssyncadd.s32 $0xFFFFC000  }
0x389: {  	[tilespmem:s0], [sflag:$0x1] =	stream.indirect.gather [hbm4b:s4+s6], $0x80, s29, s6, $0xb8;
	[tilespmem:$0x1D000] =	vst v63  }
0x38a: {  	_ =	swait.ge [sflag:s19], $0x4000  }
0x38b: {  	[sflag:s19] =	ssyncset.done $0x0  }
0x38c: {  	[sflag:s19] =	ssyncadd.s32 $0xFFFFC000  }
0x38d: {  	[spmem:s2] =	stream.indirect.scatter.add.f32 [tilespmem:s13], [sflag:$0x3], $0x80, s30, s6, $0xb8;
	[tilespmem:$0x1D000] =	vst v63  }
0x38e: {  	_ =	swait.ge [sflag:s1], $0x4000  }
0x38f: {  	[sflag:s1] =	ssyncset.done $0x0  }
0x390: {  	[sflag:s1] =	ssyncadd.s32 $0xFFFFC000  }
0x391: {  	[tilespmem:s13], [sflag:$0x2] =	stream.indirect.gather [hbm4b:s4+s6], $0x80, s31, s6, $0xb8;
	[tilespmem:$0x1D000] =	vst v63  }
0x392: {  	_ =	swait.ge [sflag:s7], $0x4000  }
0x393: {  	[sflag:s7] =	ssyncset.done $0x0  }
0x394: {  	[sflag:s7] =	ssyncadd.s32 $0xFFFFC000  }
0x395: {  	[spmem:s2] =	stream.indirect.scatter.add.f32 [tilespmem:s0], [sflag:$0x3], $0x80, s9, s6, $0xb8;
	[tilespmem:$0x1D000] =	vst v63  }
0x396: {  	_ =	swait.ge [sflag:s1], $0x4000  }
0x397: {  	[sflag:s1] =	ssyncset.done $0x0  }
0x398: {  	[sflag:s1] =	ssyncadd.s32 $0xFFFFC000  }
0x399: {  	[tilespmem:s0], [sflag:$0x1] =	stream.indirect.gather [hbm4b:s4+s6], $0x80, s8, s6, $0xb8;
	[tilespmem:$0x1D000] =	vst v63  }
0x39a: {  	_ =	swait.ge [sflag:s19], $0x4000  }
0x39b: {  	[sflag:s19] =	ssyncset.done $0x0  }
0x39c: {  	[sflag:s19] =	ssyncadd.s32 $0xFFFFC000  }
0x39d: {  	[spmem:s2] =	stream.indirect.scatter.add.f32 [tilespmem:s13], [sflag:$0x3], $0x80, s12, s6, $0xb8;
	[tilespmem:$0x1D000] =	vst v63  }
0x39e: {  	_ =	swait.ge [sflag:s1], $0x4000  }
0x39f: {  	[sflag:s1] =	ssyncset.done $0x0  }
0x3a0: {  	[sflag:s1] =	ssyncadd.s32 $0xFFFFC000  }
0x3a1: {  	[tilespmem:s13], [sflag:$0x2] =	stream.indirect.gather [hbm4b:s4+s6], $0x80, s15, s6, $0xb8;
	[tilespmem:$0x1D000] =	vst v63  }
0x3a2: {  	_ =	swait.ge [sflag:s7], $0x4000  }
0x3a3: {  	[sflag:s7] =	ssyncset.done $0x0  }
0x3a4: {  	s14 =	simm.s32 $0xC00;
	[sflag:s7] =	ssyncadd.s32 $0xFFFFC000  }
0x3a5: {  	[spmem:s2] =	stream.indirect.scatter.add.f32 [tilespmem:s0], [sflag:$0x3], $0x80, s14, s6, $0xb8;
	[tilespmem:$0x1D000] =	vst v63  }
0x3a6: {  	_ =	swait.ge [sflag:s1], $0x4000  }
0x3a7: {  	[sflag:s1] =	ssyncset.done $0x0  }
0x3a8: {  	s15 =	simm.s32 $0x500;
	[sflag:s1] =	ssyncadd.s32 $0xFFFFC000  }
0x3a9: {  	[tilespmem:s0], [sflag:$0x1] =	stream.indirect.gather [hbm4b:s4+s6], $0x80, s15, s6, $0xb8;
	[tilespmem:$0x1D000] =	vst v63  }
0x3aa: {  	_ =	swait.ge [sflag:s19], $0x4000  }
0x3ab: {  	[sflag:s19] =	ssyncset.done $0x0  }
0x3ac: {  	s16 =	simm.s32 $0xC80;
	[sflag:s19] =	ssyncadd.s32 $0xFFFFC000  }
0x3ad: {  	[spmem:s2] =	stream.indirect.scatter.add.f32 [tilespmem:s13], [sflag:$0x3], $0x80, s16, s6, $0xb8;
	[tilespmem:$0x1D000] =	vst v63  }
0x3ae: {  	_ =	swait.ge [sflag:s1], $0x4000  }
0x3af: {  	[sflag:s1] =	ssyncset.done $0x0  }
0x3b0: {  	s17 =	simm.s32 $0x580;
	[sflag:s1] =	ssyncadd.s32 $0xFFFFC000  }
0x3b1: {  	[tilespmem:s13], [sflag:$0x2] =	stream.indirect.gather [hbm4b:s4+s6], $0x80, s17, s6, $0xb8;
	[tilespmem:$0x1D000] =	vst v63  }
0x3b2: {  	_ =	swait.ge [sflag:s7], $0x4000  }
0x3b3: {  	[sflag:s7] =	ssyncset.done $0x0  }
0x3b4: {  	s18 =	simm.s32 $0xD00;
	[sflag:s7] =	ssyncadd.s32 $0xFFFFC000  }
0x3b5: {  	[spmem:s2] =	stream.indirect.scatter.add.f32 [tilespmem:s0], [sflag:$0x3], $0x80, s18, s6, $0xb8;
	[tilespmem:$0x1D000] =	vst v63  }
0x3b6: {  	_ =	swait.ge [sflag:s1], $0x4000  }
0x3b7: {  	[sflag:s1] =	ssyncset.done $0x0  }
0x3b8: {  	s20 =	simm.s32 $0x600;
	[sflag:s1] =	ssyncadd.s32 $0xFFFFC000  }
0x3b9: {  	[tilespmem:s0], [sflag:$0x1] =	stream.indirect.gather [hbm4b:s4+s6], $0x80, s20, s6, $0xb8;
	[tilespmem:$0x1D000] =	vst v63  }
0x3ba: {  	_ =	swait.ge [sflag:s19], $0x4000  }
0x3bb: {  	[sflag:s19] =	ssyncset.done $0x0  }
0x3bc: {  	s21 =	simm.s32 $0xD80;
	[sflag:s19] =	ssyncadd.s32 $0xFFFFC000  }
0x3bd: {  	[spmem:s2] =	stream.indirect.scatter.add.f32 [tilespmem:s13], [sflag:$0x3], $0x80, s21, s6, $0xb8;
	[tilespmem:$0x1D000] =	vst v63  }
0x3be: {  	_ =	swait.ge [sflag:s1], $0x4000  }
0x3bf: {  	[sflag:s1] =	ssyncset.done $0x0  }
0x3c0: {  	s22 =	simm.s32 $0x680;
	[sflag:s1] =	ssyncadd.s32 $0xFFFFC000  }
0x3c1: {  	[tilespmem:s13], [sflag:$0x2] =	stream.indirect.gather [hbm4b:s4+s6], $0x80, s22, s6, $0xb8;
	[tilespmem:$0x1D000] =	vst v63  }
0x3c2: {  	_ =	swait.ge [sflag:s7], $0x4000  }
0x3c3: {  	[sflag:s7] =	ssyncset.done $0x0  }
0x3c4: {  	s23 =	simm.s32 $0xE00;
	[sflag:s7] =	ssyncadd.s32 $0xFFFFC000  }
0x3c5: {  	[spmem:s2] =	stream.indirect.scatter.add.f32 [tilespmem:s0], [sflag:$0x3], $0x80, s23, s6, $0xb8;
	[tilespmem:$0x1D000] =	vst v63  }
0x3c6: {  	_ =	swait.ge [sflag:s1], $0x4000  }
0x3c7: {  	[sflag:s1] =	ssyncset.done $0x0  }
0x3c8: {  	s26 =	simm.s32 $0x700;
	[sflag:s1] =	ssyncadd.s32 $0xFFFFC000  }
0x3c9: {  	[tilespmem:s0], [sflag:$0x1] =	stream.indirect.gather [hbm4b:s4+s6], $0x80, s26, s6, $0xb8;
	[tilespmem:$0x1D000] =	vst v63  }
0x3ca: {  	_ =	swait.ge [sflag:s19], $0x4000  }
0x3cb: {  	[sflag:s19] =	ssyncset.done $0x0  }
0x3cc: {  	s28 =	simm.s32 $0xE80;
	[sflag:s19] =	ssyncadd.s32 $0xFFFFC000  }
0x3cd: {  	[spmem:s2] =	stream.indirect.scatter.add.f32 [tilespmem:s13], [sflag:$0x3], $0x80, s28, s6, $0xb8;
	[tilespmem:$0x1D000] =	vst v63  }
0x3ce: {  	_ =	swait.ge [sflag:s1], $0x4000  }
0x3cf: {  	[sflag:s1] =	ssyncset.done $0x0  }
0x3d0: {  	s29 =	simm.s32 $0x780;
	[sflag:s1] =	ssyncadd.s32 $0xFFFFC000  }
0x3d1: {  	[tilespmem:s13], [sflag:$0x2] =	stream.indirect.gather [hbm4b:s4+s6], $0x80, s29, s6, $0xb8;
	[tilespmem:$0x1D000] =	vst v63  }
0x3d2: {  	_ =	swait.ge [sflag:s7], $0x4000  }
0x3d3: {  	[sflag:s7] =	ssyncset.done $0x0  }
0x3d4: {  	s30 =	simm.s32 $0xF00;
	[sflag:s7] =	ssyncadd.s32 $0xFFFFC000  }
0x3d5: {  	[spmem:s2] =	stream.indirect.scatter.add.f32 [tilespmem:s0], [sflag:$0x3], $0x80, s30, s6, $0xb8;
	[tilespmem:$0x1D000] =	vst v63  }
0x3d6: {  	_ =	swait.ge [sflag:s1], $0x4000  }
0x3d7: {  	[sflag:s1] =	ssyncset.done $0x0  }
0x3d8: {  	[sflag:s1] =	ssyncadd.s32 $0xFFFFC000  }
0x3d9: {  	_ =	swait.ge [sflag:s19], $0x4000  }
0x3da: {  	[sflag:s19] =	ssyncset.done $0x0  }
.Ltmp6:
0x3db: {  	s31 =	simm.s32 $0xF80;
	[sflag:s19] =	ssyncadd.s32 $0xFFFFC000;
	(pc) =	sbr.rel .LBB2_8-.Ltmp6, $4  }
0x3dc: {  	[spmem:s2] =	stream.indirect.scatter.add.f32 [tilespmem:s13], [sflag:$0x3], $0x80, s31, s6, $0xb8;
	[tilespmem:$0x1D000] =	vst v63  }
0x3dd: {  	_ =	swait.ge [sflag:s1], $0x4000  }
0x3de: {  	[sflag:s1] =	ssyncset.done $0x0;
	s18 =	rddreg [dreg:$0x3]  }
0x3df: {  	s8 =	rddreg [dreg:$0x1a];
	[sflag:s1] =	ssyncadd.s32 $0xFFFFC000  }
.LBB2_9:
0x3e0: {  	_ =	sfence.sel $0x180000  }
0x3e1: {  	[bflag:$0x0] =	sbarrier.arrive $0xFFFF  }
0x3e2: {  	_ =	strace $0x9000004A  }
0x3e3: {  	s0 =	stileid.u32;
	[bflag:$0x2] =	sbarrier.arrive $0xFFFF  }
0x3e4: {  	p0 =	sne.s32 s0, $0x0;
	s0 =	rddreg [dreg:$0x2]  }
0x3e5: {  	s0 =	sadd.s32 @!p0 $0x100000, s0  }
0x3e6: {  	[sflag:s0] =	ssyncadd.tile.s32 @!p0 $0x1;
	_ =	shalt  }
.Lfunc_end2:
_tile_overlayer_lowered:
.L_overlay_start_2:
0x3e7: {  	(tag) =	ssettag $0x2  }
0x3e8: {  	s0 =	rddreg [dreg:$0x0];
	s2 =	stileid.u32  }
0x3e9: {  	s1 =	rddreg [dreg:$0x1];
	p0 =	sne.s32 s2, $0x0  }
0x3ea: {  	s3 =	rddreg [dreg:$0x2];
	[bflag:$0x3] =	sbarrier.arrive $0xFFFF;
	s2 =	simm.s32 @!p0 $0x1C03  }
0x3eb: {  	[timem:s3], [sflag:s2] =	dma.local @!p0 [hbm:s0], s1  }
0x3ec: {  	s0 =	simm.s32 @!p0 $0x3  }
0x3ed: {  	_ =	swait.ge @!p0 [sflag:s0], s1  }
0x3ee: {  	s1 =	ssub.s32 @!p0 $0x0, s1;
	[sflag:s0] =	ssyncset.done @!p0 $0x0  }
0x3ef: {  	[sflag:s0] =	ssyncadd.s32 @!p0 s1  }
0x3f0: {  	[bflag:$0x3] =	sbarrier.arrive $0xFFFF  }
0x3f1: {  	_ =	shalt  }

</sc_bundles>
